<compile_context>
chip_gen: v7x
topology: tpu7x:2x2x1
jax: 0.10.2.dev20260603
libtpu: 0.0.44.dev20260713+nightly
codegen_flags: <defaults>
</compile_context>

<pallas_src>
import functools

import jax
import jax.numpy as jnp
from jax import lax
from jax.experimental import pallas as pl
from jax.experimental.pallas import tpu as pltpu
from jax.experimental.pallas import tpu_sc as plsc

N = 10000
E = 320000
F = 128
H = 128
C = 40
CP = 48

NC = 2
NS = 16
NW = NC * NS
EW = E // NW
K = 40
NCHUNK = EW // K
DW = 8
RPT = 624
TAIL0 = NS * RPT
TAIL = N - TAIL0


@functools.lru_cache(maxsize=None)
def _make_agg(D, with_deg, NBUF, P):
    mesh = plsc.VectorSubcoreMesh(
        core_axis_name="c", subcore_axis_name="s",
        num_cores=NC, num_subcores=NS)
    parts = [jax.ShapeDtypeStruct((NC, N, D), jnp.float32)] * P
    if with_deg:
        parts.append(jax.ShapeDtypeStruct((NC, N, DW), jnp.float32))
    out_type = tuple(parts) if len(parts) > 1 else parts[0]
    scratch = [
        pltpu.VMEM((NCHUNK, K), jnp.int32),
        pltpu.VMEM((NCHUNK, K), jnp.int32),
    ] + [pltpu.VMEM((K, D), jnp.float32) for _ in range(NBUF)] + [
        pltpu.VMEM_SHARED((N, D), jnp.float32),
    ] + [pltpu.SemaphoreType.DMA for _ in range(NBUF + 1)]
    if with_deg:
        scratch += [
            pltpu.VMEM((K, DW), jnp.float32),
            pltpu.VMEM_SHARED((N, DW), jnp.float32),
        ]

    def body(*refs):
        tables = refs[:P]
        edges, zrows = refs[P], refs[P + 1]
        nin = P + 2
        if with_deg:
            zdeg, ones_h = refs[P + 2], refs[P + 3]
            nin = P + 4
        outs = refs[nin:nin + P]
        deg_out = refs[nin + P] if with_deg else None
        rest = refs[nin + P + (1 if with_deg else 0):]
        src_v, dst_v = rest[0], rest[1]
        bufs = rest[2:2 + NBUF]
        acc = rest[2 + NBUF]
        sems = rest[3 + NBUF:3 + 2 * NBUF]
        dsem = rest[3 + 2 * NBUF]
        if with_deg:
            ones_v, dacc = rest[4 + 2 * NBUF], rest[5 + 2 * NBUF]

        c = lax.axis_index("c")
        s = lax.axis_index("s")
        wid = s * NC + c
        r0 = s * RPT
        last_tile = s == NS - 1

        pltpu.sync_copy(edges.at[0, wid], src_v)
        pltpu.sync_copy(edges.at[1, wid], dst_v)
        if with_deg:
            pltpu.sync_copy(ones_h, ones_v)
            pltpu.sync_copy(zdeg.at[pl.ds(r0, RPT)], dacc.at[pl.ds(r0, RPT)])

            @pl.when(last_tile)
            def _():
                pltpu.sync_copy(zdeg.at[pl.ds(TAIL0, TAIL)],
                                dacc.at[pl.ds(TAIL0, TAIL)])

        for p in range(P):
            y, out = tables[p], outs[p]
            deg_here = with_deg and p == 0

            pltpu.sync_copy(zrows.at[pl.ds(r0, RPT)], acc.at[pl.ds(r0, RPT)])

            @pl.when(last_tile)
            def _():
                pltpu.sync_copy(zrows.at[pl.ds(TAIL0, TAIL)],
                                acc.at[pl.ds(TAIL0, TAIL)])

            plsc.subcore_barrier()

            def gather(i, b):
                pltpu.async_copy(y.at[src_v.at[i]], bufs[b], sems[b])

            def slot(i, b):
                pltpu.make_async_copy(y.at[src_v.at[i]], bufs[b],
                                      sems[b]).wait()
                pltpu.sync_copy(bufs[b], acc.at[dst_v.at[i]], add=True)
                if deg_here:
                    pltpu.async_copy(ones_v, dacc.at[dst_v.at[i]], dsem,
                                     add=True)

                @pl.when(i + NBUF < NCHUNK)
                def _():
                    gather(i + NBUF, b)

                if deg_here:
                    pltpu.make_async_copy(ones_v, dacc.at[dst_v.at[i]],
                                          dsem).wait()

            for b in range(NBUF):
                gather(b, b)

            def turn(t, carry):
                for b in range(NBUF):
                    slot(t * NBUF + b, b)
                return carry

            lax.fori_loop(0, NCHUNK // NBUF, turn, 0)
            for r in range(NCHUNK % NBUF):
                slot(NBUF * (NCHUNK // NBUF) + r, r)
            plsc.subcore_barrier()

            pltpu.sync_copy(acc.at[pl.ds(r0, RPT)], out.at[c, pl.ds(r0, RPT)])
            if deg_here:
                pltpu.sync_copy(dacc.at[pl.ds(r0, RPT)],
                                deg_out.at[c, pl.ds(r0, RPT)])

            @pl.when(last_tile)
            def _flush_tail():
                pltpu.sync_copy(acc.at[pl.ds(TAIL0, TAIL)],
                                out.at[c, pl.ds(TAIL0, TAIL)])
                if deg_here:
                    pltpu.sync_copy(dacc.at[pl.ds(TAIL0, TAIL)],
                                    deg_out.at[c, pl.ds(TAIL0, TAIL)])

    return pl.kernel(body, out_type=out_type, mesh=mesh,
                     scratch_types=scratch,
                     compiler_params=pltpu.CompilerParams(
                         use_tc_tiling_on_sc=False))


_BM = 1000


def _tc1_body(x, wl, wr, bl, y1, r1b):
    xv = x[...]
    y1[...] = jnp.dot(xv, wl[...], preferred_element_type=jnp.float32)
    r1b[...] = jnp.dot(xv, wr[...], preferred_element_type=jnp.float32) + bl[...]


def _tc2a_body(a1, degp, r1b, wl2, y2, h_out, deg):
    agg = a1[0] + a1[1]
    d = jnp.maximum(degp[0] + degp[1], 1.0)
    pre = agg / d[:, 0:1] + r1b[...]
    h = jnp.where(pre > 0, pre, jnp.exp(jnp.minimum(pre, 0.0)) - 1.0)
    y2[...] = jnp.dot(h, wl2[...], preferred_element_type=jnp.float32)
    h_out[...] = h
    deg[...] = d


def _tc2b_body(h, wr2, bl2, r2b):
    r2b[...] = jnp.dot(h[...], wr2[...], preferred_element_type=jnp.float32) + bl2[...]


def _tc3_body(a2, deg, r2b, out):
    out[...] = (a2[0, :, :C] + a2[1, :, :C]) / deg[:, 0:1] + r2b[...]


def kernel(x, edge_index, Wl1, bl1, Wr1, Wl2, bl2, Wr2, Q, epoch):
    e4 = edge_index.reshape(2, NW, NCHUNK, K)
    f32 = jnp.float32

    nblk = N // _BM
    row_spec = lambda w: pl.BlockSpec((_BM, w), lambda i: (i, 0))
    full = lambda shape: pl.BlockSpec(shape, lambda i: tuple(0 for _ in shape))
    part_spec = lambda w: pl.BlockSpec((NC, _BM, w), lambda i: (0, i, 0))

    y1, r1b = pl.pallas_call(
        _tc1_body,
        grid=(nblk,),
        in_specs=[row_spec(F), full((F, H)), full((F, H)), full((1, H))],
        out_specs=[row_spec(H), row_spec(H)],
        out_shape=[jax.ShapeDtypeStruct((N, H), f32),
                   jax.ShapeDtypeStruct((N, H), f32)],
    )(x, Wl1, Wr1, bl1.reshape(1, H))

    zrows = jnp.zeros((N, H), f32)
    zdeg = jnp.zeros((N, DW), f32)
    ones_h = jnp.ones((K, DW), f32)
    a1, degp = _make_agg(H, True, 5, 1)(y1, e4, zrows, zdeg, ones_h)

    Wl2p = jnp.pad(Wl2, ((0, 0), (0, CP - C)))
    y2, h, deg = pl.pallas_call(
        _tc2a_body,
        grid=(nblk,),
        in_specs=[part_spec(H), part_spec(DW), row_spec(H), full((H, CP))],
        out_specs=[row_spec(CP), row_spec(H), row_spec(DW)],
        out_shape=[jax.ShapeDtypeStruct((N, CP), f32),
                   jax.ShapeDtypeStruct((N, H), f32),
                   jax.ShapeDtypeStruct((N, DW), f32)],
    )(a1, degp, r1b, Wl2p)

    r2b = pl.pallas_call(
        _tc2b_body,
        grid=(nblk,),
        in_specs=[row_spec(H), full((H, C)), full((1, C))],
        out_specs=row_spec(C),
        out_shape=jax.ShapeDtypeStruct((N, C), f32),
    )(h, Wr2, bl2.reshape(1, C))

    zrows2 = jnp.zeros((N, CP), f32)
    a2 = _make_agg(CP, False, 12, 1)(y2, e4, zrows2)

    out = pl.pallas_call(
        _tc3_body,
        grid=(nblk,),
        in_specs=[part_spec(CP), row_spec(DW), row_spec(C)],
        out_specs=row_spec(C),
        out_shape=jax.ShapeDtypeStruct((N, C), f32),
    )(a2, deg, r2b)

    return (out, Q)

# --- scband reference (transcript-rebuilt; emitter-appended) ---
"""Pipeline reference for scband-gsage-net-65163243815283 (READ-ONLY COPY).

The authoritative reference and input builder live on the scoring server;
editing this copy changes nothing except your own understanding.
"""

import jax, jax.numpy as jnp
import numpy as np

N_NODES = 10000
N_EDGES = 320000
F_IN = 128
HID = 128
N_CLASSES = 40


def _glorot(key, shape):
    fan_in, fan_out = shape[0], shape[1]
    limit = np.sqrt(6.0 / (fan_in + fan_out))
    return jax.random.uniform(key, shape, dtype=jnp.float32, minval=-limit, maxval=limit)


def setup_inputs(seed: int = 0) -> dict:
    key = jax.random.key(seed)
    ks = jax.random.split(key, 10)
    x = jax.random.normal(ks[0], (N_NODES, F_IN), dtype=jnp.float32)
    edge_index = jax.random.randint(ks[1], (2, N_EDGES), 0, N_NODES, dtype=jnp.int32)
    # SAGEConv 1: lin_l (applied to aggregated neighbors, has bias), lin_r (root, no bias)
    Wl1 = _glorot(ks[2], (F_IN, HID))
    bl1 = jnp.zeros((HID,), dtype=jnp.float32)
    Wr1 = _glorot(ks[3], (F_IN, HID))
    # SAGEConv 2
    Wl2 = _glorot(ks[4], (HID, N_CLASSES))
    bl2 = jnp.zeros((N_CLASSES,), dtype=jnp.float32)
    Wr2 = _glorot(ks[5], (HID, N_CLASSES))
    # Q parameter: [n_edges/2, num_classes], kaiming-uniform init
    bound = np.sqrt(6.0 / (N_EDGES // 2))
    Q = jax.random.uniform(ks[6], (N_EDGES // 2, N_CLASSES), dtype=jnp.float32, minval=-bound, maxval=bound)
    return {
        "x": x,
        "edge_index": edge_index,
        "Wl1": Wl1, "bl1": bl1, "Wr1": Wr1,
        "Wl2": Wl2, "bl2": bl2, "Wr2": Wr2,
        "Q": Q,
        "epoch": 0,
    }


def _sage_conv(x, src, dst, Wl, bl, Wr):
    # PyG SAGEConv with mean aggregation:
    # out = lin_l(mean_{j in N(i)} x_j) + lin_r(x_i)
    msgs = jnp.take(x, src, axis=0)
    agg = jax.ops.segment_sum(msgs, dst, num_segments=N_NODES)
    deg = jax.ops.segment_sum(jnp.ones((msgs.shape[0], 1), dtype=x.dtype), dst, num_segments=N_NODES)
    mean = agg / jnp.maximum(deg, 1.0)
    return mean @ Wl + bl + x @ Wr


def reference(x, edge_index, Wl1, bl1, Wr1, Wl2, bl2, Wr2, Q, epoch):
    # dropout is identity in eval mode (training=False)
    src = edge_index[0]
    dst = edge_index[1]
    h = jax.nn.elu(_sage_conv(x, src, dst, Wl1, bl1, Wr1))
    out = _sage_conv(h, src, dst, Wl2, bl2, Wr2)
    return (out, Q)

if __name__ == "__main__":
    import jax
    _d = setup_inputs()
    print(jax.jit(kernel)(*tuple(_d.values())))

</pallas_src>

<mosaic_0001>
#map = affine_map<(d0, d1) -> (0, 0)>
#map1 = affine_map<(d0, d1) -> (0, 0, 0, 0)>
#map2 = affine_map<(d0, d1) -> (0, 0, 0)>
module attributes {stable_mosaic.version = 14 : i64} {
  func.func @body(%arg0: i32, %arg1: i32, %arg2: memref<10000x48xf32, #tpu.memory_space<hbm>>, %arg3: memref<2x32x250x40xi32, #tpu.memory_space<hbm>>, %arg4: memref<10000x48xf32, #tpu.memory_space<hbm>>, %arg5: memref<2x10000x48xf32, #tpu.memory_space<hbm>>, %arg6: memref<250x40xi32, #tpu.memory_space<vmem>>, %arg7: memref<250x40xi32, #tpu.memory_space<vmem>>, %arg8: memref<40x48xf32, #tpu.memory_space<vmem>>, %arg9: memref<40x48xf32, #tpu.memory_space<vmem>>, %arg10: memref<40x48xf32, #tpu.memory_space<vmem>>, %arg11: memref<40x48xf32, #tpu.memory_space<vmem>>, %arg12: memref<40x48xf32, #tpu.memory_space<vmem>>, %arg13: memref<40x48xf32, #tpu.memory_space<vmem>>, %arg14: memref<40x48xf32, #tpu.memory_space<vmem>>, %arg15: memref<40x48xf32, #tpu.memory_space<vmem>>, %arg16: memref<40x48xf32, #tpu.memory_space<vmem>>, %arg17: memref<40x48xf32, #tpu.memory_space<vmem>>, %arg18: memref<40x48xf32, #tpu.memory_space<vmem>>, %arg19: memref<40x48xf32, #tpu.memory_space<vmem>>, %arg20: memref<10000x48xf32, #tpu.memory_space<vmem_shared>>, %arg21: memref<!tpu.dma_semaphore, #tpu.memory_space<semaphore_mem>>, %arg22: memref<!tpu.dma_semaphore, #tpu.memory_space<semaphore_mem>>, %arg23: memref<!tpu.dma_semaphore, #tpu.memory_space<semaphore_mem>>, %arg24: memref<!tpu.dma_semaphore, #tpu.memory_space<semaphore_mem>>, %arg25: memref<!tpu.dma_semaphore, #tpu.memory_space<semaphore_mem>>, %arg26: memref<!tpu.dma_semaphore, #tpu.memory_space<semaphore_mem>>, %arg27: memref<!tpu.dma_semaphore, #tpu.memory_space<semaphore_mem>>, %arg28: memref<!tpu.dma_semaphore, #tpu.memory_space<semaphore_mem>>, %arg29: memref<!tpu.dma_semaphore, #tpu.memory_space<semaphore_mem>>, %arg30: memref<!tpu.dma_semaphore, #tpu.memory_space<semaphore_mem>>, %arg31: memref<!tpu.dma_semaphore, #tpu.memory_space<semaphore_mem>>, %arg32: memref<!tpu.dma_semaphore, #tpu.memory_space<semaphore_mem>>, %arg33: memref<!tpu.dma_semaphore, #tpu.memory_space<semaphore_mem>>) attributes {dimension_semantics = [#tpu.dimension_semantics<core_parallel>, #tpu.dimension_semantics<subcore_parallel>], iteration_bounds = array<i64: 2, 16>, scalar_prefetch = 0 : i64, scratch_operands = 28 : i64, tpu.core_type = #tpu.core_type<sc_vector_subcore>, window_params = [{transform_indices = #map}, {transform_indices = #map1}, {transform_indices = #map}, {transform_indices = #map2}]} {
    %mul3A = arith.constant 2 : i32
    %mul3A_0 = arith.muli %arg1, %mul3A : i32
    %add3A = arith.addi %mul3A_0, %arg0 : i32
    %mul3A_1 = arith.constant 624 : i32
    %mul3A_2 = arith.muli %arg1, %mul3A_1 : i32
    %eq3A = arith.constant 15 : i32
    %eq3A_3 = arith.cmpi eq, %arg1, %eq3A : i32
    %run_scoped3A = arith.constant 0 : i32
    "tpu.region"() ({
      %run_scoped3A_177 = tpu.sem_alloc : memref<!tpu.dma_semaphore, #tpu.memory_space<semaphore_mem>>
      %dma_start3A_178 = arith.constant 0 : i32
      %dma_start3A_179 = arith.constant 0 : i32
      %dma_start3A_180 = tpu.memref_slice %arg3[%run_scoped3A, %add3A, %dma_start3A_178, %dma_start3A_179] : memref<2x32x250x40xi32, #tpu.memory_space<hbm>> -> memref<1x1x250x40xi32, #tpu.memory_space<hbm>>
      %dma_start3A_181 = tpu.memref_squeeze %dma_start3A_180 : memref<1x1x250x40xi32, #tpu.memory_space<hbm>> -> memref<250x40xi32, #tpu.memory_space<hbm>>
      %dma_start3A_182 = arith.constant 0 : i32
      %dma_start3A_183 = arith.constant 0 : i32
      %dma_start3A_184 = tpu.memref_slice %arg3[%run_scoped3A, %add3A, %dma_start3A_182, %dma_start3A_183] : memref<2x32x250x40xi32, #tpu.memory_space<hbm>> -> memref<1x1x250x40xi32, #tpu.memory_space<hbm>>
      %dma_start3A_185 = tpu.memref_squeeze %dma_start3A_184 : memref<1x1x250x40xi32, #tpu.memory_space<hbm>> -> memref<250x40xi32, #tpu.memory_space<hbm>>
      tpu.enqueue_dma source(%dma_start3A_185 : memref<250x40xi32, #tpu.memory_space<hbm>>) target(%arg6 : memref<250x40xi32, #tpu.memory_space<vmem>>) target_semaphore(%run_scoped3A_177 : memref<!tpu.dma_semaphore, #tpu.memory_space<semaphore_mem>>)
      %dma_wait3A_186 = arith.constant 0 : i32
      %dma_wait3A_187 = arith.constant 0 : i32
      %dma_wait3A_188 = tpu.memref_slice %arg3[%run_scoped3A, %add3A, %dma_wait3A_186, %dma_wait3A_187] : memref<2x32x250x40xi32, #tpu.memory_space<hbm>> -> memref<1x1x250x40xi32, #tpu.memory_space<hbm>>
      %dma_wait3A_189 = tpu.memref_squeeze %dma_wait3A_188 : memref<1x1x250x40xi32, #tpu.memory_space<hbm>> -> memref<250x40xi32, #tpu.memory_space<hbm>>
      %dma_wait3A_190 = arith.constant 0 : i32
      %dma_wait3A_191 = arith.constant 0 : i32
      %dma_wait3A_192 = tpu.memref_slice %arg3[%run_scoped3A, %add3A, %dma_wait3A_190, %dma_wait3A_191] : memref<2x32x250x40xi32, #tpu.memory_space<hbm>> -> memref<1x1x250x40xi32, #tpu.memory_space<hbm>>
      %dma_wait3A_193 = tpu.memref_squeeze %dma_wait3A_192 : memref<1x1x250x40xi32, #tpu.memory_space<hbm>> -> memref<250x40xi32, #tpu.memory_space<hbm>>
      tpu.wait_dma2 semaphore(%run_scoped3A_177 : memref<!tpu.dma_semaphore, #tpu.memory_space<semaphore_mem>>) src(%dma_wait3A_193 : memref<250x40xi32, #tpu.memory_space<hbm>>) dst(%arg6 : memref<250x40xi32, #tpu.memory_space<vmem>>)
      tpu.yield
    }) : () -> ()
    %run_scoped3A_4 = arith.constant 1 : i32
    "tpu.region"() ({
      %run_scoped3A_177 = tpu.sem_alloc : memref<!tpu.dma_semaphore, #tpu.memory_space<semaphore_mem>>
      %dma_start3A_178 = arith.constant 0 : i32
      %dma_start3A_179 = arith.constant 0 : i32
      %dma_start3A_180 = tpu.memref_slice %arg3[%run_scoped3A_4, %add3A, %dma_start3A_178, %dma_start3A_179] : memref<2x32x250x40xi32, #tpu.memory_space<hbm>> -> memref<1x1x250x40xi32, #tpu.memory_space<hbm>>
      %dma_start3A_181 = tpu.memref_squeeze %dma_start3A_180 : memref<1x1x250x40xi32, #tpu.memory_space<hbm>> -> memref<250x40xi32, #tpu.memory_space<hbm>>
      %dma_start3A_182 = arith.constant 0 : i32
      %dma_start3A_183 = arith.constant 0 : i32
      %dma_start3A_184 = tpu.memref_slice %arg3[%run_scoped3A_4, %add3A, %dma_start3A_182, %dma_start3A_183] : memref<2x32x250x40xi32, #tpu.memory_space<hbm>> -> memref<1x1x250x40xi32, #tpu.memory_space<hbm>>
      %dma_start3A_185 = tpu.memref_squeeze %dma_start3A_184 : memref<1x1x250x40xi32, #tpu.memory_space<hbm>> -> memref<250x40xi32, #tpu.memory_space<hbm>>
      tpu.enqueue_dma source(%dma_start3A_185 : memref<250x40xi32, #tpu.memory_space<hbm>>) target(%arg7 : memref<250x40xi32, #tpu.memory_space<vmem>>) target_semaphore(%run_scoped3A_177 : memref<!tpu.dma_semaphore, #tpu.memory_space<semaphore_mem>>)
      %dma_wait3A_186 = arith.constant 0 : i32
      %dma_wait3A_187 = arith.constant 0 : i32
      %dma_wait3A_188 = tpu.memref_slice %arg3[%run_scoped3A_4, %add3A, %dma_wait3A_186, %dma_wait3A_187] : memref<2x32x250x40xi32, #tpu.memory_space<hbm>> -> memref<1x1x250x40xi32, #tpu.memory_space<hbm>>
      %dma_wait3A_189 = tpu.memref_squeeze %dma_wait3A_188 : memref<1x1x250x40xi32, #tpu.memory_space<hbm>> -> memref<250x40xi32, #tpu.memory_space<hbm>>
      %dma_wait3A_190 = arith.constant 0 : i32
      %dma_wait3A_191 = arith.constant 0 : i32
      %dma_wait3A_192 = tpu.memref_slice %arg3[%run_scoped3A_4, %add3A, %dma_wait3A_190, %dma_wait3A_191] : memref<2x32x250x40xi32, #tpu.memory_space<hbm>> -> memref<1x1x250x40xi32, #tpu.memory_space<hbm>>
      %dma_wait3A_193 = tpu.memref_squeeze %dma_wait3A_192 : memref<1x1x250x40xi32, #tpu.memory_space<hbm>> -> memref<250x40xi32, #tpu.memory_space<hbm>>
      tpu.wait_dma2 semaphore(%run_scoped3A_177 : memref<!tpu.dma_semaphore, #tpu.memory_space<semaphore_mem>>) src(%dma_wait3A_193 : memref<250x40xi32, #tpu.memory_space<hbm>>) dst(%arg7 : memref<250x40xi32, #tpu.memory_space<vmem>>)
      tpu.yield
    }) : () -> ()
    "tpu.region"() ({
      %run_scoped3A_177 = tpu.sem_alloc : memref<!tpu.dma_semaphore, #tpu.memory_space<semaphore_mem>>
      %dma_start3A_178 = arith.constant 0 : i32
      %dma_start3A_179 = tpu.memref_slice %arg20[%mul3A_2, %dma_start3A_178] : memref<10000x48xf32, #tpu.memory_space<vmem_shared>> -> memref<624x48xf32, #tpu.memory_space<vmem_shared>>
      %dma_start3A_180 = arith.constant 0 : i32
      %dma_start3A_181 = tpu.memref_slice %arg4[%mul3A_2, %dma_start3A_180] : memref<10000x48xf32, #tpu.memory_space<hbm>> -> memref<624x48xf32, #tpu.memory_space<hbm>>
      tpu.enqueue_dma source(%dma_start3A_181 : memref<624x48xf32, #tpu.memory_space<hbm>>) target(%dma_start3A_179 : memref<624x48xf32, #tpu.memory_space<vmem_shared>>) target_semaphore(%run_scoped3A_177 : memref<!tpu.dma_semaphore, #tpu.memory_space<semaphore_mem>>)
      %dma_wait3A_182 = arith.constant 0 : i32
      %dma_wait3A_183 = tpu.memref_slice %arg20[%mul3A_2, %dma_wait3A_182] : memref<10000x48xf32, #tpu.memory_space<vmem_shared>> -> memref<624x48xf32, #tpu.memory_space<vmem_shared>>
      %dma_wait3A_184 = arith.constant 0 : i32
      %dma_wait3A_185 = tpu.memref_slice %arg4[%mul3A_2, %dma_wait3A_184] : memref<10000x48xf32, #tpu.memory_space<hbm>> -> memref<624x48xf32, #tpu.memory_space<hbm>>
      tpu.wait_dma2 semaphore(%run_scoped3A_177 : memref<!tpu.dma_semaphore, #tpu.memory_space<semaphore_mem>>) src(%dma_wait3A_185 : memref<624x48xf32, #tpu.memory_space<hbm>>) dst(%dma_wait3A_183 : memref<624x48xf32, #tpu.memory_space<vmem_shared>>)
      tpu.yield
    }) : () -> ()
    %convert_element_type3A = arith.extui %eq3A_3 : i1 to i32
    %cond3A = arith.constant 0 : i32
    %cond3A_5 = arith.cmpi ne, %convert_element_type3A, %cond3A : i32
    scf.if %cond3A_5 {
      "tpu.region"() ({
        %run_scoped3A_177 = tpu.sem_alloc : memref<!tpu.dma_semaphore, #tpu.memory_space<semaphore_mem>>
        %dma_start3A_178 = arith.constant 9984 : i32
        %dma_start3A_179 = arith.constant 0 : i32
        %dma_start3A_180 = tpu.memref_slice %arg20[%dma_start3A_178, %dma_start3A_179] : memref<10000x48xf32, #tpu.memory_space<vmem_shared>> -> memref<16x48xf32, #tpu.memory_space<vmem_shared>>
        %dma_start3A_181 = arith.constant 9984 : i32
        %dma_start3A_182 = arith.constant 0 : i32
        %dma_start3A_183 = tpu.memref_slice %arg4[%dma_start3A_181, %dma_start3A_182] : memref<10000x48xf32, #tpu.memory_space<hbm>> -> memref<16x48xf32, #tpu.memory_space<hbm>>
        tpu.enqueue_dma source(%dma_start3A_183 : memref<16x48xf32, #tpu.memory_space<hbm>>) target(%dma_start3A_180 : memref<16x48xf32, #tpu.memory_space<vmem_shared>>) target_semaphore(%run_scoped3A_177 : memref<!tpu.dma_semaphore, #tpu.memory_space<semaphore_mem>>)
        %dma_wait3A_184 = arith.constant 9984 : i32
        %dma_wait3A_185 = arith.constant 0 : i32
        %dma_wait3A_186 = tpu.memref_slice %arg20[%dma_wait3A_184, %dma_wait3A_185] : memref<10000x48xf32, #tpu.memory_space<vmem_shared>> -> memref<16x48xf32, #tpu.memory_space<vmem_shared>>
        %dma_wait3A_187 = arith.constant 9984 : i32
        %dma_wait3A_188 = arith.constant 0 : i32
        %dma_wait3A_189 = tpu.memref_slice %arg4[%dma_wait3A_187, %dma_wait3A_188] : memref<10000x48xf32, #tpu.memory_space<hbm>> -> memref<16x48xf32, #tpu.memory_space<hbm>>
        tpu.wait_dma2 semaphore(%run_scoped3A_177 : memref<!tpu.dma_semaphore, #tpu.memory_space<semaphore_mem>>) src(%dma_wait3A_189 : memref<16x48xf32, #tpu.memory_space<hbm>>) dst(%dma_wait3A_186 : memref<16x48xf32, #tpu.memory_space<vmem_shared>>)
        tpu.yield
      }) : () -> ()
    } else {
    }
    %barrier3A = arith.constant 0 : index
    tpu.barrier barrier_id(%barrier3A)
    %dma_start3A = arith.constant 0 : i32
    %dma_start3A_6 = arith.constant 0 : i32
    %dma_start3A_7 = tpu.memref_slice %arg6[%dma_start3A, %dma_start3A_6] : memref<250x40xi32, #tpu.memory_space<vmem>> -> memref<1x40xi32, #tpu.memory_space<vmem>>
    %dma_start3A_8 = tpu.memref_squeeze %dma_start3A_7 : memref<1x40xi32, #tpu.memory_space<vmem>> -> memref<40xi32, #tpu.memory_space<vmem>>
    %dma_start3A_9 = arith.constant 0 : i32
    %dma_start3A_10 = arith.constant 0 : i32
    %dma_start3A_11 = tpu.memref_slice %arg2[%dma_start3A_9, %dma_start3A_10] : memref<10000x48xf32, #tpu.memory_space<hbm>> -> memref<10000x48xf32, #tpu.memory_space<hbm>>
    tpu.enqueue_indirect_dma source(%dma_start3A_11 : memref<10000x48xf32, #tpu.memory_space<hbm>>) target(%arg8 : memref<40x48xf32, #tpu.memory_space<vmem>>) offsets(%dma_start3A_8 : memref<40xi32, #tpu.memory_space<vmem>>) semaphore(%arg21 : memref<!tpu.dma_semaphore, #tpu.memory_space<semaphore_mem>>)
    %dma_start3A_12 = arith.constant 1 : i32
    %dma_start3A_13 = arith.constant 0 : i32
    %dma_start3A_14 = tpu.memref_slice %arg6[%dma_start3A_12, %dma_start3A_13] : memref<250x40xi32, #tpu.memory_space<vmem>> -> memref<1x40xi32, #tpu.memory_space<vmem>>
    %dma_start3A_15 = tpu.memref_squeeze %dma_start3A_14 : memref<1x40xi32, #tpu.memory_space<vmem>> -> memref<40xi32, #tpu.memory_space<vmem>>
    %dma_start3A_16 = arith.constant 0 : i32
    %dma_start3A_17 = arith.constant 0 : i32
    %dma_start3A_18 = tpu.memref_slice %arg2[%dma_start3A_16, %dma_start3A_17] : memref<10000x48xf32, #tpu.memory_space<hbm>> -> memref<10000x48xf32, #tpu.memory_space<hbm>>
    tpu.enqueue_indirect_dma source(%dma_start3A_18 : memref<10000x48xf32, #tpu.memory_space<hbm>>) target(%arg9 : memref<40x48xf32, #tpu.memory_space<vmem>>) offsets(%dma_start3A_15 : memref<40xi32, #tpu.memory_space<vmem>>) semaphore(%arg22 : memref<!tpu.dma_semaphore, #tpu.memory_space<semaphore_mem>>)
    %dma_start3A_19 = arith.constant 2 : i32
    %dma_start3A_20 = arith.constant 0 : i32
    %dma_start3A_21 = tpu.memref_slice %arg6[%dma_start3A_19, %dma_start3A_20] : memref<250x40xi32, #tpu.memory_space<vmem>> -> memref<1x40xi32, #tpu.memory_space<vmem>>
    %dma_start3A_22 = tpu.memref_squeeze %dma_start3A_21 : memref<1x40xi32, #tpu.memory_space<vmem>> -> memref<40xi32, #tpu.memory_space<vmem>>
    %dma_start3A_23 = arith.constant 0 : i32
    %dma_start3A_24 = arith.constant 0 : i32
    %dma_start3A_25 = tpu.memref_slice %arg2[%dma_start3A_23, %dma_start3A_24] : memref<10000x48xf32, #tpu.memory_space<hbm>> -> memref<10000x48xf32, #tpu.memory_space<hbm>>
    tpu.enqueue_indirect_dma source(%dma_start3A_25 : memref<10000x48xf32, #tpu.memory_space<hbm>>) target(%arg10 : memref<40x48xf32, #tpu.memory_space<vmem>>) offsets(%dma_start3A_22 : memref<40xi32, #tpu.memory_space<vmem>>) semaphore(%arg23 : memref<!tpu.dma_semaphore, #tpu.memory_space<semaphore_mem>>)
    %dma_start3A_26 = arith.constant 3 : i32
    %dma_start3A_27 = arith.constant 0 : i32
    %dma_start3A_28 = tpu.memref_slice %arg6[%dma_start3A_26, %dma_start3A_27] : memref<250x40xi32, #tpu.memory_space<vmem>> -> memref<1x40xi32, #tpu.memory_space<vmem>>
    %dma_start3A_29 = tpu.memref_squeeze %dma_start3A_28 : memref<1x40xi32, #tpu.memory_space<vmem>> -> memref<40xi32, #tpu.memory_space<vmem>>
    %dma_start3A_30 = arith.constant 0 : i32
    %dma_start3A_31 = arith.constant 0 : i32
    %dma_start3A_32 = tpu.memref_slice %arg2[%dma_start3A_30, %dma_start3A_31] : memref<10000x48xf32, #tpu.memory_space<hbm>> -> memref<10000x48xf32, #tpu.memory_space<hbm>>
    tpu.enqueue_indirect_dma source(%dma_start3A_32 : memref<10000x48xf32, #tpu.memory_space<hbm>>) target(%arg11 : memref<40x48xf32, #tpu.memory_space<vmem>>) offsets(%dma_start3A_29 : memref<40xi32, #tpu.memory_space<vmem>>) semaphore(%arg24 : memref<!tpu.dma_semaphore, #tpu.memory_space<semaphore_mem>>)
    %dma_start3A_33 = arith.constant 4 : i32
    %dma_start3A_34 = arith.constant 0 : i32
    %dma_start3A_35 = tpu.memref_slice %arg6[%dma_start3A_33, %dma_start3A_34] : memref<250x40xi32, #tpu.memory_space<vmem>> -> memref<1x40xi32, #tpu.memory_space<vmem>>
    %dma_start3A_36 = tpu.memref_squeeze %dma_start3A_35 : memref<1x40xi32, #tpu.memory_space<vmem>> -> memref<40xi32, #tpu.memory_space<vmem>>
    %dma_start3A_37 = arith.constant 0 : i32
    %dma_start3A_38 = arith.constant 0 : i32
    %dma_start3A_39 = tpu.memref_slice %arg2[%dma_start3A_37, %dma_start3A_38] : memref<10000x48xf32, #tpu.memory_space<hbm>> -> memref<10000x48xf32, #tpu.memory_space<hbm>>
    tpu.enqueue_indirect_dma source(%dma_start3A_39 : memref<10000x48xf32, #tpu.memory_space<hbm>>) target(%arg12 : memref<40x48xf32, #tpu.memory_space<vmem>>) offsets(%dma_start3A_36 : memref<40xi32, #tpu.memory_space<vmem>>) semaphore(%arg25 : memref<!tpu.dma_semaphore, #tpu.memory_space<semaphore_mem>>)
    %dma_start3A_40 = arith.constant 5 : i32
    %dma_start3A_41 = arith.constant 0 : i32
    %dma_start3A_42 = tpu.memref_slice %arg6[%dma_start3A_40, %dma_start3A_41] : memref<250x40xi32, #tpu.memory_space<vmem>> -> memref<1x40xi32, #tpu.memory_space<vmem>>
    %dma_start3A_43 = tpu.memref_squeeze %dma_start3A_42 : memref<1x40xi32, #tpu.memory_space<vmem>> -> memref<40xi32, #tpu.memory_space<vmem>>
    %dma_start3A_44 = arith.constant 0 : i32
    %dma_start3A_45 = arith.constant 0 : i32
    %dma_start3A_46 = tpu.memref_slice %arg2[%dma_start3A_44, %dma_start3A_45] : memref<10000x48xf32, #tpu.memory_space<hbm>> -> memref<10000x48xf32, #tpu.memory_space<hbm>>
    tpu.enqueue_indirect_dma source(%dma_start3A_46 : memref<10000x48xf32, #tpu.memory_space<hbm>>) target(%arg13 : memref<40x48xf32, #tpu.memory_space<vmem>>) offsets(%dma_start3A_43 : memref<40xi32, #tpu.memory_space<vmem>>) semaphore(%arg26 : memref<!tpu.dma_semaphore, #tpu.memory_space<semaphore_mem>>)
    %dma_start3A_47 = arith.constant 6 : i32
    %dma_start3A_48 = arith.constant 0 : i32
    %dma_start3A_49 = tpu.memref_slice %arg6[%dma_start3A_47, %dma_start3A_48] : memref<250x40xi32, #tpu.memory_space<vmem>> -> memref<1x40xi32, #tpu.memory_space<vmem>>
    %dma_start3A_50 = tpu.memref_squeeze %dma_start3A_49 : memref<1x40xi32, #tpu.memory_space<vmem>> -> memref<40xi32, #tpu.memory_space<vmem>>
    %dma_start3A_51 = arith.constant 0 : i32
    %dma_start3A_52 = arith.constant 0 : i32
    %dma_start3A_53 = tpu.memref_slice %arg2[%dma_start3A_51, %dma_start3A_52] : memref<10000x48xf32, #tpu.memory_space<hbm>> -> memref<10000x48xf32, #tpu.memory_space<hbm>>
    tpu.enqueue_indirect_dma source(%dma_start3A_53 : memref<10000x48xf32, #tpu.memory_space<hbm>>) target(%arg14 : memref<40x48xf32, #tpu.memory_space<vmem>>) offsets(%dma_start3A_50 : memref<40xi32, #tpu.memory_space<vmem>>) semaphore(%arg27 : memref<!tpu.dma_semaphore, #tpu.memory_space<semaphore_mem>>)
    %dma_start3A_54 = arith.constant 7 : i32
    %dma_start3A_55 = arith.constant 0 : i32
    %dma_start3A_56 = tpu.memref_slice %arg6[%dma_start3A_54, %dma_start3A_55] : memref<250x40xi32, #tpu.memory_space<vmem>> -> memref<1x40xi32, #tpu.memory_space<vmem>>
    %dma_start3A_57 = tpu.memref_squeeze %dma_start3A_56 : memref<1x40xi32, #tpu.memory_space<vmem>> -> memref<40xi32, #tpu.memory_space<vmem>>
    %dma_start3A_58 = arith.constant 0 : i32
    %dma_start3A_59 = arith.constant 0 : i32
    %dma_start3A_60 = tpu.memref_slice %arg2[%dma_start3A_58, %dma_start3A_59] : memref<10000x48xf32, #tpu.memory_space<hbm>> -> memref<10000x48xf32, #tpu.memory_space<hbm>>
    tpu.enqueue_indirect_dma source(%dma_start3A_60 : memref<10000x48xf32, #tpu.memory_space<hbm>>) target(%arg15 : memref<40x48xf32, #tpu.memory_space<vmem>>) offsets(%dma_start3A_57 : memref<40xi32, #tpu.memory_space<vmem>>) semaphore(%arg28 : memref<!tpu.dma_semaphore, #tpu.memory_space<semaphore_mem>>)
    %dma_start3A_61 = arith.constant 8 : i32
    %dma_start3A_62 = arith.constant 0 : i32
    %dma_start3A_63 = tpu.memref_slice %arg6[%dma_start3A_61, %dma_start3A_62] : memref<250x40xi32, #tpu.memory_space<vmem>> -> memref<1x40xi32, #tpu.memory_space<vmem>>
    %dma_start3A_64 = tpu.memref_squeeze %dma_start3A_63 : memref<1x40xi32, #tpu.memory_space<vmem>> -> memref<40xi32, #tpu.memory_space<vmem>>
    %dma_start3A_65 = arith.constant 0 : i32
    %dma_start3A_66 = arith.constant 0 : i32
    %dma_start3A_67 = tpu.memref_slice %arg2[%dma_start3A_65, %dma_start3A_66] : memref<10000x48xf32, #tpu.memory_space<hbm>> -> memref<10000x48xf32, #tpu.memory_space<hbm>>
    tpu.enqueue_indirect_dma source(%dma_start3A_67 : memref<10000x48xf32, #tpu.memory_space<hbm>>) target(%arg16 : memref<40x48xf32, #tpu.memory_space<vmem>>) offsets(%dma_start3A_64 : memref<40xi32, #tpu.memory_space<vmem>>) semaphore(%arg29 : memref<!tpu.dma_semaphore, #tpu.memory_space<semaphore_mem>>)
    %dma_start3A_68 = arith.constant 9 : i32
    %dma_start3A_69 = arith.constant 0 : i32
    %dma_start3A_70 = tpu.memref_slice %arg6[%dma_start3A_68, %dma_start3A_69] : memref<250x40xi32, #tpu.memory_space<vmem>> -> memref<1x40xi32, #tpu.memory_space<vmem>>
    %dma_start3A_71 = tpu.memref_squeeze %dma_start3A_70 : memref<1x40xi32, #tpu.memory_space<vmem>> -> memref<40xi32, #tpu.memory_space<vmem>>
    %dma_start3A_72 = arith.constant 0 : i32
    %dma_start3A_73 = arith.constant 0 : i32
    %dma_start3A_74 = tpu.memref_slice %arg2[%dma_start3A_72, %dma_start3A_73] : memref<10000x48xf32, #tpu.memory_space<hbm>> -> memref<10000x48xf32, #tpu.memory_space<hbm>>
    tpu.enqueue_indirect_dma source(%dma_start3A_74 : memref<10000x48xf32, #tpu.memory_space<hbm>>) target(%arg17 : memref<40x48xf32, #tpu.memory_space<vmem>>) offsets(%dma_start3A_71 : memref<40xi32, #tpu.memory_space<vmem>>) semaphore(%arg30 : memref<!tpu.dma_semaphore, #tpu.memory_space<semaphore_mem>>)
    %dma_start3A_75 = arith.constant 10 : i32
    %dma_start3A_76 = arith.constant 0 : i32
    %dma_start3A_77 = tpu.memref_slice %arg6[%dma_start3A_75, %dma_start3A_76] : memref<250x40xi32, #tpu.memory_space<vmem>> -> memref<1x40xi32, #tpu.memory_space<vmem>>
    %dma_start3A_78 = tpu.memref_squeeze %dma_start3A_77 : memref<1x40xi32, #tpu.memory_space<vmem>> -> memref<40xi32, #tpu.memory_space<vmem>>
    %dma_start3A_79 = arith.constant 0 : i32
    %dma_start3A_80 = arith.constant 0 : i32
    %dma_start3A_81 = tpu.memref_slice %arg2[%dma_start3A_79, %dma_start3A_80] : memref<10000x48xf32, #tpu.memory_space<hbm>> -> memref<10000x48xf32, #tpu.memory_space<hbm>>
    tpu.enqueue_indirect_dma source(%dma_start3A_81 : memref<10000x48xf32, #tpu.memory_space<hbm>>) target(%arg18 : memref<40x48xf32, #tpu.memory_space<vmem>>) offsets(%dma_start3A_78 : memref<40xi32, #tpu.memory_space<vmem>>) semaphore(%arg31 : memref<!tpu.dma_semaphore, #tpu.memory_space<semaphore_mem>>)
    %dma_start3A_82 = arith.constant 11 : i32
    %dma_start3A_83 = arith.constant 0 : i32
    %dma_start3A_84 = tpu.memref_slice %arg6[%dma_start3A_82, %dma_start3A_83] : memref<250x40xi32, #tpu.memory_space<vmem>> -> memref<1x40xi32, #tpu.memory_space<vmem>>
    %dma_start3A_85 = tpu.memref_squeeze %dma_start3A_84 : memref<1x40xi32, #tpu.memory_space<vmem>> -> memref<40xi32, #tpu.memory_space<vmem>>
    %dma_start3A_86 = arith.constant 0 : i32
    %dma_start3A_87 = arith.constant 0 : i32
    %dma_start3A_88 = tpu.memref_slice %arg2[%dma_start3A_86, %dma_start3A_87] : memref<10000x48xf32, #tpu.memory_space<hbm>> -> memref<10000x48xf32, #tpu.memory_space<hbm>>
    tpu.enqueue_indirect_dma source(%dma_start3A_88 : memref<10000x48xf32, #tpu.memory_space<hbm>>) target(%arg19 : memref<40x48xf32, #tpu.memory_space<vmem>>) offsets(%dma_start3A_85 : memref<40xi32, #tpu.memory_space<vmem>>) semaphore(%arg32 : memref<!tpu.dma_semaphore, #tpu.memory_space<semaphore_mem>>)
    %scan3A = arith.constant 0 : i32
    %scan3A_89 = arith.constant 0 : i32
    %scan3A_90 = arith.constant 20 : i32
    %scan3A_91 = arith.addi %scan3A_89, %scan3A_90 : i32
    %scan3A_92 = arith.constant 1 : i32
    scf.for %scan3A_177 = %scan3A_89 to %scan3A_91 step %scan3A_92  : i32 {
      %mul3A_178 = arith.constant 12 : i32
      %mul3A_179 = arith.muli %scan3A_177, %mul3A_178 : i32
      %add3A_180 = arith.constant 0 : i32
      %add3A_181 = arith.addi %mul3A_179, %add3A_180 : i32
      %dma_wait3A_182 = arith.constant 0 : i32
      %dma_wait3A_183 = tpu.memref_slice %arg6[%add3A_181, %dma_wait3A_182] : memref<250x40xi32, #tpu.memory_space<vmem>> -> memref<1x40xi32, #tpu.memory_space<vmem>>
      %dma_wait3A_184 = tpu.memref_squeeze %dma_wait3A_183 : memref<1x40xi32, #tpu.memory_space<vmem>> -> memref<40xi32, #tpu.memory_space<vmem>>
      %dma_wait3A_185 = arith.constant 0 : i32
      %dma_wait3A_186 = arith.constant 0 : i32
      %dma_wait3A_187 = tpu.memref_slice %arg2[%dma_wait3A_185, %dma_wait3A_186] : memref<10000x48xf32, #tpu.memory_space<hbm>> -> memref<10000x48xf32, #tpu.memory_space<hbm>>
      tpu.wait_indirect_dma semaphore(%arg21 : memref<!tpu.dma_semaphore, #tpu.memory_space<semaphore_mem>>) src(%dma_wait3A_187 : memref<10000x48xf32, #tpu.memory_space<hbm>>) dst(%arg8 : memref<40x48xf32, #tpu.memory_space<vmem>>)
      "tpu.region"() ({
        %run_scoped3A_381 = tpu.sem_alloc : memref<!tpu.dma_semaphore, #tpu.memory_space<semaphore_mem>>
        %dma_start3A_382 = arith.constant 0 : i32
        %dma_start3A_383 = tpu.memref_slice %arg7[%add3A_181, %dma_start3A_382] : memref<250x40xi32, #tpu.memory_space<vmem>> -> memref<1x40xi32, #tpu.memory_space<vmem>>
        %dma_start3A_384 = tpu.memref_squeeze %dma_start3A_383 : memref<1x40xi32, #tpu.memory_space<vmem>> -> memref<40xi32, #tpu.memory_space<vmem>>
        %dma_start3A_385 = arith.constant 0 : i32
        %dma_start3A_386 = arith.constant 0 : i32
        %dma_start3A_387 = tpu.memref_slice %arg20[%dma_start3A_385, %dma_start3A_386] : memref<10000x48xf32, #tpu.memory_space<vmem_shared>> -> memref<10000x48xf32, #tpu.memory_space<vmem_shared>>
        tpu.enqueue_indirect_dma source(%arg8 : memref<40x48xf32, #tpu.memory_space<vmem>>) target(%dma_start3A_387 : memref<10000x48xf32, #tpu.memory_space<vmem_shared>>) offsets(%dma_start3A_384 : memref<40xi32, #tpu.memory_space<vmem>>) semaphore(%run_scoped3A_381 : memref<!tpu.dma_semaphore, #tpu.memory_space<semaphore_mem>>) {add = true}
        %dma_wait3A_388 = arith.constant 0 : i32
        %dma_wait3A_389 = tpu.memref_slice %arg7[%add3A_181, %dma_wait3A_388] : memref<250x40xi32, #tpu.memory_space<vmem>> -> memref<1x40xi32, #tpu.memory_space<vmem>>
        %dma_wait3A_390 = tpu.memref_squeeze %dma_wait3A_389 : memref<1x40xi32, #tpu.memory_space<vmem>> -> memref<40xi32, #tpu.memory_space<vmem>>
        %dma_wait3A_391 = arith.constant 0 : i32
        %dma_wait3A_392 = arith.constant 0 : i32
        %dma_wait3A_393 = tpu.memref_slice %arg20[%dma_wait3A_391, %dma_wait3A_392] : memref<10000x48xf32, #tpu.memory_space<vmem_shared>> -> memref<10000x48xf32, #tpu.memory_space<vmem_shared>>
        tpu.wait_indirect_dma semaphore(%run_scoped3A_381 : memref<!tpu.dma_semaphore, #tpu.memory_space<semaphore_mem>>) src(%arg8 : memref<40x48xf32, #tpu.memory_space<vmem>>) dst(%dma_wait3A_393 : memref<10000x48xf32, #tpu.memory_space<vmem_shared>>)
        tpu.yield
      }) : () -> ()
      %add3A_188 = arith.constant 12 : i32
      %add3A_189 = arith.addi %add3A_181, %add3A_188 : i32
      %lt3A = arith.constant 250 : i32
      %lt3A_190 = arith.cmpi slt, %add3A_189, %lt3A : i32
      %convert_element_type3A_191 = arith.extui %lt3A_190 : i1 to i32
      %cond3A_192 = arith.constant 0 : i32
      %cond3A_193 = arith.cmpi ne, %convert_element_type3A_191, %cond3A_192 : i32
      scf.if %cond3A_193 {
        %add3A_381 = arith.constant 12 : i32
        %add3A_382 = arith.addi %add3A_181, %add3A_381 : i32
        %dma_start3A_383 = arith.constant 0 : i32
        %dma_start3A_384 = tpu.memref_slice %arg6[%add3A_382, %dma_start3A_383] : memref<250x40xi32, #tpu.memory_space<vmem>> -> memref<1x40xi32, #tpu.memory_space<vmem>>
        %dma_start3A_385 = tpu.memref_squeeze %dma_start3A_384 : memref<1x40xi32, #tpu.memory_space<vmem>> -> memref<40xi32, #tpu.memory_space<vmem>>
        %dma_start3A_386 = arith.constant 0 : i32
        %dma_start3A_387 = arith.constant 0 : i32
        %dma_start3A_388 = tpu.memref_slice %arg2[%dma_start3A_386, %dma_start3A_387] : memref<10000x48xf32, #tpu.memory_space<hbm>> -> memref<10000x48xf32, #tpu.memory_space<hbm>>
        tpu.enqueue_indirect_dma source(%dma_start3A_388 : memref<10000x48xf32, #tpu.memory_space<hbm>>) target(%arg8 : memref<40x48xf32, #tpu.memory_space<vmem>>) offsets(%dma_start3A_385 : memref<40xi32, #tpu.memory_space<vmem>>) semaphore(%arg21 : memref<!tpu.dma_semaphore, #tpu.memory_space<semaphore_mem>>)
      } else {
      }
      %mul3A_194 = arith.constant 12 : i32
      %mul3A_195 = arith.muli %scan3A_177, %mul3A_194 : i32
      %add3A_196 = arith.constant 1 : i32
      %add3A_197 = arith.addi %mul3A_195, %add3A_196 : i32
      %dma_wait3A_198 = arith.constant 0 : i32
      %dma_wait3A_199 = tpu.memref_slice %arg6[%add3A_197, %dma_wait3A_198] : memref<250x40xi32, #tpu.memory_space<vmem>> -> memref<1x40xi32, #tpu.memory_space<vmem>>
      %dma_wait3A_200 = tpu.memref_squeeze %dma_wait3A_199 : memref<1x40xi32, #tpu.memory_space<vmem>> -> memref<40xi32, #tpu.memory_space<vmem>>
      %dma_wait3A_201 = arith.constant 0 : i32
      %dma_wait3A_202 = arith.constant 0 : i32
      %dma_wait3A_203 = tpu.memref_slice %arg2[%dma_wait3A_201, %dma_wait3A_202] : memref<10000x48xf32, #tpu.memory_space<hbm>> -> memref<10000x48xf32, #tpu.memory_space<hbm>>
      tpu.wait_indirect_dma semaphore(%arg22 : memref<!tpu.dma_semaphore, #tpu.memory_space<semaphore_mem>>) src(%dma_wait3A_203 : memref<10000x48xf32, #tpu.memory_space<hbm>>) dst(%arg9 : memref<40x48xf32, #tpu.memory_space<vmem>>)
      "tpu.region"() ({
        %run_scoped3A_381 = tpu.sem_alloc : memref<!tpu.dma_semaphore, #tpu.memory_space<semaphore_mem>>
        %dma_start3A_382 = arith.constant 0 : i32
        %dma_start3A_383 = tpu.memref_slice %arg7[%add3A_197, %dma_start3A_382] : memref<250x40xi32, #tpu.memory_space<vmem>> -> memref<1x40xi32, #tpu.memory_space<vmem>>
        %dma_start3A_384 = tpu.memref_squeeze %dma_start3A_383 : memref<1x40xi32, #tpu.memory_space<vmem>> -> memref<40xi32, #tpu.memory_space<vmem>>
        %dma_start3A_385 = arith.constant 0 : i32
        %dma_start3A_386 = arith.constant 0 : i32
        %dma_start3A_387 = tpu.memref_slice %arg20[%dma_start3A_385, %dma_start3A_386] : memref<10000x48xf32, #tpu.memory_space<vmem_shared>> -> memref<10000x48xf32, #tpu.memory_space<vmem_shared>>
        tpu.enqueue_indirect_dma source(%arg9 : memref<40x48xf32, #tpu.memory_space<vmem>>) target(%dma_start3A_387 : memref<10000x48xf32, #tpu.memory_space<vmem_shared>>) offsets(%dma_start3A_384 : memref<40xi32, #tpu.memory_space<vmem>>) semaphore(%run_scoped3A_381 : memref<!tpu.dma_semaphore, #tpu.memory_space<semaphore_mem>>) {add = true}
        %dma_wait3A_388 = arith.constant 0 : i32
        %dma_wait3A_389 = tpu.memref_slice %arg7[%add3A_197, %dma_wait3A_388] : memref<250x40xi32, #tpu.memory_space<vmem>> -> memref<1x40xi32, #tpu.memory_space<vmem>>
        %dma_wait3A_390 = tpu.memref_squeeze %dma_wait3A_389 : memref<1x40xi32, #tpu.memory_space<vmem>> -> memref<40xi32, #tpu.memory_space<vmem>>
        %dma_wait3A_391 = arith.constant 0 : i32
        %dma_wait3A_392 = arith.constant 0 : i32
        %dma_wait3A_393 = tpu.memref_slice %arg20[%dma_wait3A_391, %dma_wait3A_392] : memref<10000x48xf32, #tpu.memory_space<vmem_shared>> -> memref<10000x48xf32, #tpu.memory_space<vmem_shared>>
        tpu.wait_indirect_dma semaphore(%run_scoped3A_381 : memref<!tpu.dma_semaphore, #tpu.memory_space<semaphore_mem>>) src(%arg9 : memref<40x48xf32, #tpu.memory_space<vmem>>) dst(%dma_wait3A_393 : memref<10000x48xf32, #tpu.memory_space<vmem_shared>>)
        tpu.yield
      }) : () -> ()
      %add3A_204 = arith.constant 12 : i32
      %add3A_205 = arith.addi %add3A_197, %add3A_204 : i32
      %lt3A_206 = arith.constant 250 : i32
      %lt3A_207 = arith.cmpi slt, %add3A_205, %lt3A_206 : i32
      %convert_element_type3A_208 = arith.extui %lt3A_207 : i1 to i32
      %cond3A_209 = arith.constant 0 : i32
      %cond3A_210 = arith.cmpi ne, %convert_element_type3A_208, %cond3A_209 : i32
      scf.if %cond3A_210 {
        %add3A_381 = arith.constant 12 : i32
        %add3A_382 = arith.addi %add3A_197, %add3A_381 : i32
        %dma_start3A_383 = arith.constant 0 : i32
        %dma_start3A_384 = tpu.memref_slice %arg6[%add3A_382, %dma_start3A_383] : memref<250x40xi32, #tpu.memory_space<vmem>> -> memref<1x40xi32, #tpu.memory_space<vmem>>
        %dma_start3A_385 = tpu.memref_squeeze %dma_start3A_384 : memref<1x40xi32, #tpu.memory_space<vmem>> -> memref<40xi32, #tpu.memory_space<vmem>>
        %dma_start3A_386 = arith.constant 0 : i32
        %dma_start3A_387 = arith.constant 0 : i32
        %dma_start3A_388 = tpu.memref_slice %arg2[%dma_start3A_386, %dma_start3A_387] : memref<10000x48xf32, #tpu.memory_space<hbm>> -> memref<10000x48xf32, #tpu.memory_space<hbm>>
        tpu.enqueue_indirect_dma source(%dma_start3A_388 : memref<10000x48xf32, #tpu.memory_space<hbm>>) target(%arg9 : memref<40x48xf32, #tpu.memory_space<vmem>>) offsets(%dma_start3A_385 : memref<40xi32, #tpu.memory_space<vmem>>) semaphore(%arg22 : memref<!tpu.dma_semaphore, #tpu.memory_space<semaphore_mem>>)
      } else {
      }
      %mul3A_211 = arith.constant 12 : i32
      %mul3A_212 = arith.muli %scan3A_177, %mul3A_211 : i32
      %add3A_213 = arith.constant 2 : i32
      %add3A_214 = arith.addi %mul3A_212, %add3A_213 : i32
      %dma_wait3A_215 = arith.constant 0 : i32
      %dma_wait3A_216 = tpu.memref_slice %arg6[%add3A_214, %dma_wait3A_215] : memref<250x40xi32, #tpu.memory_space<vmem>> -> memref<1x40xi32, #tpu.memory_space<vmem>>
      %dma_wait3A_217 = tpu.memref_squeeze %dma_wait3A_216 : memref<1x40xi32, #tpu.memory_space<vmem>> -> memref<40xi32, #tpu.memory_space<vmem>>
      %dma_wait3A_218 = arith.constant 0 : i32
      %dma_wait3A_219 = arith.constant 0 : i32
      %dma_wait3A_220 = tpu.memref_slice %arg2[%dma_wait3A_218, %dma_wait3A_219] : memref<10000x48xf32, #tpu.memory_space<hbm>> -> memref<10000x48xf32, #tpu.memory_space<hbm>>
      tpu.wait_indirect_dma semaphore(%arg23 : memref<!tpu.dma_semaphore, #tpu.memory_space<semaphore_mem>>) src(%dma_wait3A_220 : memref<10000x48xf32, #tpu.memory_space<hbm>>) dst(%arg10 : memref<40x48xf32, #tpu.memory_space<vmem>>)
      "tpu.region"() ({
        %run_scoped3A_381 = tpu.sem_alloc : memref<!tpu.dma_semaphore, #tpu.memory_space<semaphore_mem>>
        %dma_start3A_382 = arith.constant 0 : i32
        %dma_start3A_383 = tpu.memref_slice %arg7[%add3A_214, %dma_start3A_382] : memref<250x40xi32, #tpu.memory_space<vmem>> -> memref<1x40xi32, #tpu.memory_space<vmem>>
        %dma_start3A_384 = tpu.memref_squeeze %dma_start3A_383 : memref<1x40xi32, #tpu.memory_space<vmem>> -> memref<40xi32, #tpu.memory_space<vmem>>
        %dma_start3A_385 = arith.constant 0 : i32
        %dma_start3A_386 = arith.constant 0 : i32
        %dma_start3A_387 = tpu.memref_slice %arg20[%dma_start3A_385, %dma_start3A_386] : memref<10000x48xf32, #tpu.memory_space<vmem_shared>> -> memref<10000x48xf32, #tpu.memory_space<vmem_shared>>
        tpu.enqueue_indirect_dma source(%arg10 : memref<40x48xf32, #tpu.memory_space<vmem>>) target(%dma_start3A_387 : memref<10000x48xf32, #tpu.memory_space<vmem_shared>>) offsets(%dma_start3A_384 : memref<40xi32, #tpu.memory_space<vmem>>) semaphore(%run_scoped3A_381 : memref<!tpu.dma_semaphore, #tpu.memory_space<semaphore_mem>>) {add = true}
        %dma_wait3A_388 = arith.constant 0 : i32
        %dma_wait3A_389 = tpu.memref_slice %arg7[%add3A_214, %dma_wait3A_388] : memref<250x40xi32, #tpu.memory_space<vmem>> -> memref<1x40xi32, #tpu.memory_space<vmem>>
        %dma_wait3A_390 = tpu.memref_squeeze %dma_wait3A_389 : memref<1x40xi32, #tpu.memory_space<vmem>> -> memref<40xi32, #tpu.memory_space<vmem>>
        %dma_wait3A_391 = arith.constant 0 : i32
        %dma_wait3A_392 = arith.constant 0 : i32
        %dma_wait3A_393 = tpu.memref_slice %arg20[%dma_wait3A_391, %dma_wait3A_392] : memref<10000x48xf32, #tpu.memory_space<vmem_shared>> -> memref<10000x48xf32, #tpu.memory_space<vmem_shared>>
        tpu.wait_indirect_dma semaphore(%run_scoped3A_381 : memref<!tpu.dma_semaphore, #tpu.memory_space<semaphore_mem>>) src(%arg10 : memref<40x48xf32, #tpu.memory_space<vmem>>) dst(%dma_wait3A_393 : memref<10000x48xf32, #tpu.memory_space<vmem_shared>>)
        tpu.yield
      }) : () -> ()
      %add3A_221 = arith.constant 12 : i32
      %add3A_222 = arith.addi %add3A_214, %add3A_221 : i32
      %lt3A_223 = arith.constant 250 : i32
      %lt3A_224 = arith.cmpi slt, %add3A_222, %lt3A_223 : i32
      %convert_element_type3A_225 = arith.extui %lt3A_224 : i1 to i32
      %cond3A_226 = arith.constant 0 : i32
      %cond3A_227 = arith.cmpi ne, %convert_element_type3A_225, %cond3A_226 : i32
      scf.if %cond3A_227 {
        %add3A_381 = arith.constant 12 : i32
        %add3A_382 = arith.addi %add3A_214, %add3A_381 : i32
        %dma_start3A_383 = arith.constant 0 : i32
        %dma_start3A_384 = tpu.memref_slice %arg6[%add3A_382, %dma_start3A_383] : memref<250x40xi32, #tpu.memory_space<vmem>> -> memref<1x40xi32, #tpu.memory_space<vmem>>
        %dma_start3A_385 = tpu.memref_squeeze %dma_start3A_384 : memref<1x40xi32, #tpu.memory_space<vmem>> -> memref<40xi32, #tpu.memory_space<vmem>>
        %dma_start3A_386 = arith.constant 0 : i32
        %dma_start3A_387 = arith.constant 0 : i32
        %dma_start3A_388 = tpu.memref_slice %arg2[%dma_start3A_386, %dma_start3A_387] : memref<10000x48xf32, #tpu.memory_space<hbm>> -> memref<10000x48xf32, #tpu.memory_space<hbm>>
        tpu.enqueue_indirect_dma source(%dma_start3A_388 : memref<10000x48xf32, #tpu.memory_space<hbm>>) target(%arg10 : memref<40x48xf32, #tpu.memory_space<vmem>>) offsets(%dma_start3A_385 : memref<40xi32, #tpu.memory_space<vmem>>) semaphore(%arg23 : memref<!tpu.dma_semaphore, #tpu.memory_space<semaphore_mem>>)
      } else {
      }
      %mul3A_228 = arith.constant 12 : i32
      %mul3A_229 = arith.muli %scan3A_177, %mul3A_228 : i32
      %add3A_230 = arith.constant 3 : i32
      %add3A_231 = arith.addi %mul3A_229, %add3A_230 : i32
      %dma_wait3A_232 = arith.constant 0 : i32
      %dma_wait3A_233 = tpu.memref_slice %arg6[%add3A_231, %dma_wait3A_232] : memref<250x40xi32, #tpu.memory_space<vmem>> -> memref<1x40xi32, #tpu.memory_space<vmem>>
      %dma_wait3A_234 = tpu.memref_squeeze %dma_wait3A_233 : memref<1x40xi32, #tpu.memory_space<vmem>> -> memref<40xi32, #tpu.memory_space<vmem>>
      %dma_wait3A_235 = arith.constant 0 : i32
      %dma_wait3A_236 = arith.constant 0 : i32
      %dma_wait3A_237 = tpu.memref_slice %arg2[%dma_wait3A_235, %dma_wait3A_236] : memref<10000x48xf32, #tpu.memory_space<hbm>> -> memref<10000x48xf32, #tpu.memory_space<hbm>>
      tpu.wait_indirect_dma semaphore(%arg24 : memref<!tpu.dma_semaphore, #tpu.memory_space<semaphore_mem>>) src(%dma_wait3A_237 : memref<10000x48xf32, #tpu.memory_space<hbm>>) dst(%arg11 : memref<40x48xf32, #tpu.memory_space<vmem>>)
      "tpu.region"() ({
        %run_scoped3A_381 = tpu.sem_alloc : memref<!tpu.dma_semaphore, #tpu.memory_space<semaphore_mem>>
        %dma_start3A_382 = arith.constant 0 : i32
        %dma_start3A_383 = tpu.memref_slice %arg7[%add3A_231, %dma_start3A_382] : memref<250x40xi32, #tpu.memory_space<vmem>> -> memref<1x40xi32, #tpu.memory_space<vmem>>
        %dma_start3A_384 = tpu.memref_squeeze %dma_start3A_383 : memref<1x40xi32, #tpu.memory_space<vmem>> -> memref<40xi32, #tpu.memory_space<vmem>>
        %dma_start3A_385 = arith.constant 0 : i32
        %dma_start3A_386 = arith.constant 0 : i32
        %dma_start3A_387 = tpu.memref_slice %arg20[%dma_start3A_385, %dma_start3A_386] : memref<10000x48xf32, #tpu.memory_space<vmem_shared>> -> memref<10000x48xf32, #tpu.memory_space<vmem_shared>>
        tpu.enqueue_indirect_dma source(%arg11 : memref<40x48xf32, #tpu.memory_space<vmem>>) target(%dma_start3A_387 : memref<10000x48xf32, #tpu.memory_space<vmem_shared>>) offsets(%dma_start3A_384 : memref<40xi32, #tpu.memory_space<vmem>>) semaphore(%run_scoped3A_381 : memref<!tpu.dma_semaphore, #tpu.memory_space<semaphore_mem>>) {add = true}
        %dma_wait3A_388 = arith.constant 0 : i32
        %dma_wait3A_389 = tpu.memref_slice %arg7[%add3A_231, %dma_wait3A_388] : memref<250x40xi32, #tpu.memory_space<vmem>> -> memref<1x40xi32, #tpu.memory_space<vmem>>
        %dma_wait3A_390 = tpu.memref_squeeze %dma_wait3A_389 : memref<1x40xi32, #tpu.memory_space<vmem>> -> memref<40xi32, #tpu.memory_space<vmem>>
        %dma_wait3A_391 = arith.constant 0 : i32
        %dma_wait3A_392 = arith.constant 0 : i32
        %dma_wait3A_393 = tpu.memref_slice %arg20[%dma_wait3A_391, %dma_wait3A_392] : memref<10000x48xf32, #tpu.memory_space<vmem_shared>> -> memref<10000x48xf32, #tpu.memory_space<vmem_shared>>
        tpu.wait_indirect_dma semaphore(%run_scoped3A_381 : memref<!tpu.dma_semaphore, #tpu.memory_space<semaphore_mem>>) src(%arg11 : memref<40x48xf32, #tpu.memory_space<vmem>>) dst(%dma_wait3A_393 : memref<10000x48xf32, #tpu.memory_space<vmem_shared>>)
        tpu.yield
      }) : () -> ()
      %add3A_238 = arith.constant 12 : i32
      %add3A_239 = arith.addi %add3A_231, %add3A_238 : i32
      %lt3A_240 = arith.constant 250 : i32
      %lt3A_241 = arith.cmpi slt, %add3A_239, %lt3A_240 : i32
      %convert_element_type3A_242 = arith.extui %lt3A_241 : i1 to i32
      %cond3A_243 = arith.constant 0 : i32
      %cond3A_244 = arith.cmpi ne, %convert_element_type3A_242, %cond3A_243 : i32
      scf.if %cond3A_244 {
        %add3A_381 = arith.constant 12 : i32
        %add3A_382 = arith.addi %add3A_231, %add3A_381 : i32
        %dma_start3A_383 = arith.constant 0 : i32
        %dma_start3A_384 = tpu.memref_slice %arg6[%add3A_382, %dma_start3A_383] : memref<250x40xi32, #tpu.memory_space<vmem>> -> memref<1x40xi32, #tpu.memory_space<vmem>>
        %dma_start3A_385 = tpu.memref_squeeze %dma_start3A_384 : memref<1x40xi32, #tpu.memory_space<vmem>> -> memref<40xi32, #tpu.memory_space<vmem>>
        %dma_start3A_386 = arith.constant 0 : i32
        %dma_start3A_387 = arith.constant 0 : i32
        %dma_start3A_388 = tpu.memref_slice %arg2[%dma_start3A_386, %dma_start3A_387] : memref<10000x48xf32, #tpu.memory_space<hbm>> -> memref<10000x48xf32, #tpu.memory_space<hbm>>
        tpu.enqueue_indirect_dma source(%dma_start3A_388 : memref<10000x48xf32, #tpu.memory_space<hbm>>) target(%arg11 : memref<40x48xf32, #tpu.memory_space<vmem>>) offsets(%dma_start3A_385 : memref<40xi32, #tpu.memory_space<vmem>>) semaphore(%arg24 : memref<!tpu.dma_semaphore, #tpu.memory_space<semaphore_mem>>)
      } else {
      }
      %mul3A_245 = arith.constant 12 : i32
      %mul3A_246 = arith.muli %scan3A_177, %mul3A_245 : i32
      %add3A_247 = arith.constant 4 : i32
      %add3A_248 = arith.addi %mul3A_246, %add3A_247 : i32
      %dma_wait3A_249 = arith.constant 0 : i32
      %dma_wait3A_250 = tpu.memref_slice %arg6[%add3A_248, %dma_wait3A_249] : memref<250x40xi32, #tpu.memory_space<vmem>> -> memref<1x40xi32, #tpu.memory_space<vmem>>
      %dma_wait3A_251 = tpu.memref_squeeze %dma_wait3A_250 : memref<1x40xi32, #tpu.memory_space<vmem>> -> memref<40xi32, #tpu.memory_space<vmem>>
      %dma_wait3A_252 = arith.constant 0 : i32
      %dma_wait3A_253 = arith.constant 0 : i32
      %dma_wait3A_254 = tpu.memref_slice %arg2[%dma_wait3A_252, %dma_wait3A_253] : memref<10000x48xf32, #tpu.memory_space<hbm>> -> memref<10000x48xf32, #tpu.memory_space<hbm>>
      tpu.wait_indirect_dma semaphore(%arg25 : memref<!tpu.dma_semaphore, #tpu.memory_space<semaphore_mem>>) src(%dma_wait3A_254 : memref<10000x48xf32, #tpu.memory_space<hbm>>) dst(%arg12 : memref<40x48xf32, #tpu.memory_space<vmem>>)
      "tpu.region"() ({
        %run_scoped3A_381 = tpu.sem_alloc : memref<!tpu.dma_semaphore, #tpu.memory_space<semaphore_mem>>
        %dma_start3A_382 = arith.constant 0 : i32
        %dma_start3A_383 = tpu.memref_slice %arg7[%add3A_248, %dma_start3A_382] : memref<250x40xi32, #tpu.memory_space<vmem>> -> memref<1x40xi32, #tpu.memory_space<vmem>>
        %dma_start3A_384 = tpu.memref_squeeze %dma_start3A_383 : memref<1x40xi32, #tpu.memory_space<vmem>> -> memref<40xi32, #tpu.memory_space<vmem>>
        %dma_start3A_385 = arith.constant 0 : i32
        %dma_start3A_386 = arith.constant 0 : i32
        %dma_start3A_387 = tpu.memref_slice %arg20[%dma_start3A_385, %dma_start3A_386] : memref<10000x48xf32, #tpu.memory_space<vmem_shared>> -> memref<10000x48xf32, #tpu.memory_space<vmem_shared>>
        tpu.enqueue_indirect_dma source(%arg12 : memref<40x48xf32, #tpu.memory_space<vmem>>) target(%dma_start3A_387 : memref<10000x48xf32, #tpu.memory_space<vmem_shared>>) offsets(%dma_start3A_384 : memref<40xi32, #tpu.memory_space<vmem>>) semaphore(%run_scoped3A_381 : memref<!tpu.dma_semaphore, #tpu.memory_space<semaphore_mem>>) {add = true}
        %dma_wait3A_388 = arith.constant 0 : i32
        %dma_wait3A_389 = tpu.memref_slice %arg7[%add3A_248, %dma_wait3A_388] : memref<250x40xi32, #tpu.memory_space<vmem>> -> memref<1x40xi32, #tpu.memory_space<vmem>>
        %dma_wait3A_390 = tpu.memref_squeeze %dma_wait3A_389 : memref<1x40xi32, #tpu.memory_space<vmem>> -> memref<40xi32, #tpu.memory_space<vmem>>
        %dma_wait3A_391 = arith.constant 0 : i32
        %dma_wait3A_392 = arith.constant 0 : i32
        %dma_wait3A_393 = tpu.memref_slice %arg20[%dma_wait3A_391, %dma_wait3A_392] : memref<10000x48xf32, #tpu.memory_space<vmem_shared>> -> memref<10000x48xf32, #tpu.memory_space<vmem_shared>>
        tpu.wait_indirect_dma semaphore(%run_scoped3A_381 : memref<!tpu.dma_semaphore, #tpu.memory_space<semaphore_mem>>) src(%arg12 : memref<40x48xf32, #tpu.memory_space<vmem>>) dst(%dma_wait3A_393 : memref<10000x48xf32, #tpu.memory_space<vmem_shared>>)
        tpu.yield
      }) : () -> ()
      %add3A_255 = arith.constant 12 : i32
      %add3A_256 = arith.addi %add3A_248, %add3A_255 : i32
      %lt3A_257 = arith.constant 250 : i32
      %lt3A_258 = arith.cmpi slt, %add3A_256, %lt3A_257 : i32
      %convert_element_type3A_259 = arith.extui %lt3A_258 : i1 to i32
      %cond3A_260 = arith.constant 0 : i32
      %cond3A_261 = arith.cmpi ne, %convert_element_type3A_259, %cond3A_260 : i32
      scf.if %cond3A_261 {
        %add3A_381 = arith.constant 12 : i32
        %add3A_382 = arith.addi %add3A_248, %add3A_381 : i32
        %dma_start3A_383 = arith.constant 0 : i32
        %dma_start3A_384 = tpu.memref_slice %arg6[%add3A_382, %dma_start3A_383] : memref<250x40xi32, #tpu.memory_space<vmem>> -> memref<1x40xi32, #tpu.memory_space<vmem>>
        %dma_start3A_385 = tpu.memref_squeeze %dma_start3A_384 : memref<1x40xi32, #tpu.memory_space<vmem>> -> memref<40xi32, #tpu.memory_space<vmem>>
        %dma_start3A_386 = arith.constant 0 : i32
        %dma_start3A_387 = arith.constant 0 : i32
        %dma_start3A_388 = tpu.memref_slice %arg2[%dma_start3A_386, %dma_start3A_387] : memref<10000x48xf32, #tpu.memory_space<hbm>> -> memref<10000x48xf32, #tpu.memory_space<hbm>>
        tpu.enqueue_indirect_dma source(%dma_start3A_388 : memref<10000x48xf32, #tpu.memory_space<hbm>>) target(%arg12 : memref<40x48xf32, #tpu.memory_space<vmem>>) offsets(%dma_start3A_385 : memref<40xi32, #tpu.memory_space<vmem>>) semaphore(%arg25 : memref<!tpu.dma_semaphore, #tpu.memory_space<semaphore_mem>>)
      } else {
      }
      %mul3A_262 = arith.constant 12 : i32
      %mul3A_263 = arith.muli %scan3A_177, %mul3A_262 : i32
      %add3A_264 = arith.constant 5 : i32
      %add3A_265 = arith.addi %mul3A_263, %add3A_264 : i32
      %dma_wait3A_266 = arith.constant 0 : i32
      %dma_wait3A_267 = tpu.memref_slice %arg6[%add3A_265, %dma_wait3A_266] : memref<250x40xi32, #tpu.memory_space<vmem>> -> memref<1x40xi32, #tpu.memory_space<vmem>>
      %dma_wait3A_268 = tpu.memref_squeeze %dma_wait3A_267 : memref<1x40xi32, #tpu.memory_space<vmem>> -> memref<40xi32, #tpu.memory_space<vmem>>
      %dma_wait3A_269 = arith.constant 0 : i32
      %dma_wait3A_270 = arith.constant 0 : i32
      %dma_wait3A_271 = tpu.memref_slice %arg2[%dma_wait3A_269, %dma_wait3A_270] : memref<10000x48xf32, #tpu.memory_space<hbm>> -> memref<10000x48xf32, #tpu.memory_space<hbm>>
      tpu.wait_indirect_dma semaphore(%arg26 : memref<!tpu.dma_semaphore, #tpu.memory_space<semaphore_mem>>) src(%dma_wait3A_271 : memref<10000x48xf32, #tpu.memory_space<hbm>>) dst(%arg13 : memref<40x48xf32, #tpu.memory_space<vmem>>)
      "tpu.region"() ({
        %run_scoped3A_381 = tpu.sem_alloc : memref<!tpu.dma_semaphore, #tpu.memory_space<semaphore_mem>>
        %dma_start3A_382 = arith.constant 0 : i32
        %dma_start3A_383 = tpu.memref_slice %arg7[%add3A_265, %dma_start3A_382] : memref<250x40xi32, #tpu.memory_space<vmem>> -> memref<1x40xi32, #tpu.memory_space<vmem>>
        %dma_start3A_384 = tpu.memref_squeeze %dma_start3A_383 : memref<1x40xi32, #tpu.memory_space<vmem>> -> memref<40xi32, #tpu.memory_space<vmem>>
        %dma_start3A_385 = arith.constant 0 : i32
        %dma_start3A_386 = arith.constant 0 : i32
        %dma_start3A_387 = tpu.memref_slice %arg20[%dma_start3A_385, %dma_start3A_386] : memref<10000x48xf32, #tpu.memory_space<vmem_shared>> -> memref<10000x48xf32, #tpu.memory_space<vmem_shared>>
        tpu.enqueue_indirect_dma source(%arg13 : memref<40x48xf32, #tpu.memory_space<vmem>>) target(%dma_start3A_387 : memref<10000x48xf32, #tpu.memory_space<vmem_shared>>) offsets(%dma_start3A_384 : memref<40xi32, #tpu.memory_space<vmem>>) semaphore(%run_scoped3A_381 : memref<!tpu.dma_semaphore, #tpu.memory_space<semaphore_mem>>) {add = true}
        %dma_wait3A_388 = arith.constant 0 : i32
        %dma_wait3A_389 = tpu.memref_slice %arg7[%add3A_265, %dma_wait3A_388] : memref<250x40xi32, #tpu.memory_space<vmem>> -> memref<1x40xi32, #tpu.memory_space<vmem>>
        %dma_wait3A_390 = tpu.memref_squeeze %dma_wait3A_389 : memref<1x40xi32, #tpu.memory_space<vmem>> -> memref<40xi32, #tpu.memory_space<vmem>>
        %dma_wait3A_391 = arith.constant 0 : i32
        %dma_wait3A_392 = arith.constant 0 : i32
        %dma_wait3A_393 = tpu.memref_slice %arg20[%dma_wait3A_391, %dma_wait3A_392] : memref<10000x48xf32, #tpu.memory_space<vmem_shared>> -> memref<10000x48xf32, #tpu.memory_space<vmem_shared>>
        tpu.wait_indirect_dma semaphore(%run_scoped3A_381 : memref<!tpu.dma_semaphore, #tpu.memory_space<semaphore_mem>>) src(%arg13 : memref<40x48xf32, #tpu.memory_space<vmem>>) dst(%dma_wait3A_393 : memref<10000x48xf32, #tpu.memory_space<vmem_shared>>)
        tpu.yield
      }) : () -> ()
      %add3A_272 = arith.constant 12 : i32
      %add3A_273 = arith.addi %add3A_265, %add3A_272 : i32
      %lt3A_274 = arith.constant 250 : i32
      %lt3A_275 = arith.cmpi slt, %add3A_273, %lt3A_274 : i32
      %convert_element_type3A_276 = arith.extui %lt3A_275 : i1 to i32
      %cond3A_277 = arith.constant 0 : i32
      %cond3A_278 = arith.cmpi ne, %convert_element_type3A_276, %cond3A_277 : i32
      scf.if %cond3A_278 {
        %add3A_381 = arith.constant 12 : i32
        %add3A_382 = arith.addi %add3A_265, %add3A_381 : i32
        %dma_start3A_383 = arith.constant 0 : i32
        %dma_start3A_384 = tpu.memref_slice %arg6[%add3A_382, %dma_start3A_383] : memref<250x40xi32, #tpu.memory_space<vmem>> -> memref<1x40xi32, #tpu.memory_space<vmem>>
        %dma_start3A_385 = tpu.memref_squeeze %dma_start3A_384 : memref<1x40xi32, #tpu.memory_space<vmem>> -> memref<40xi32, #tpu.memory_space<vmem>>
        %dma_start3A_386 = arith.constant 0 : i32
        %dma_start3A_387 = arith.constant 0 : i32
        %dma_start3A_388 = tpu.memref_slice %arg2[%dma_start3A_386, %dma_start3A_387] : memref<10000x48xf32, #tpu.memory_space<hbm>> -> memref<10000x48xf32, #tpu.memory_space<hbm>>
        tpu.enqueue_indirect_dma source(%dma_start3A_388 : memref<10000x48xf32, #tpu.memory_space<hbm>>) target(%arg13 : memref<40x48xf32, #tpu.memory_space<vmem>>) offsets(%dma_start3A_385 : memref<40xi32, #tpu.memory_space<vmem>>) semaphore(%arg26 : memref<!tpu.dma_semaphore, #tpu.memory_space<semaphore_mem>>)
      } else {
      }
      %mul3A_279 = arith.constant 12 : i32
      %mul3A_280 = arith.muli %scan3A_177, %mul3A_279 : i32
      %add3A_281 = arith.constant 6 : i32
      %add3A_282 = arith.addi %mul3A_280, %add3A_281 : i32
      %dma_wait3A_283 = arith.constant 0 : i32
      %dma_wait3A_284 = tpu.memref_slice %arg6[%add3A_282, %dma_wait3A_283] : memref<250x40xi32, #tpu.memory_space<vmem>> -> memref<1x40xi32, #tpu.memory_space<vmem>>
      %dma_wait3A_285 = tpu.memref_squeeze %dma_wait3A_284 : memref<1x40xi32, #tpu.memory_space<vmem>> -> memref<40xi32, #tpu.memory_space<vmem>>
      %dma_wait3A_286 = arith.constant 0 : i32
      %dma_wait3A_287 = arith.constant 0 : i32
      %dma_wait3A_288 = tpu.memref_slice %arg2[%dma_wait3A_286, %dma_wait3A_287] : memref<10000x48xf32, #tpu.memory_space<hbm>> -> memref<10000x48xf32, #tpu.memory_space<hbm>>
      tpu.wait_indirect_dma semaphore(%arg27 : memref<!tpu.dma_semaphore, #tpu.memory_space<semaphore_mem>>) src(%dma_wait3A_288 : memref<10000x48xf32, #tpu.memory_space<hbm>>) dst(%arg14 : memref<40x48xf32, #tpu.memory_space<vmem>>)
      "tpu.region"() ({
        %run_scoped3A_381 = tpu.sem_alloc : memref<!tpu.dma_semaphore, #tpu.memory_space<semaphore_mem>>
        %dma_start3A_382 = arith.constant 0 : i32
        %dma_start3A_383 = tpu.memref_slice %arg7[%add3A_282, %dma_start3A_382] : memref<250x40xi32, #tpu.memory_space<vmem>> -> memref<1x40xi32, #tpu.memory_space<vmem>>
        %dma_start3A_384 = tpu.memref_squeeze %dma_start3A_383 : memref<1x40xi32, #tpu.memory_space<vmem>> -> memref<40xi32, #tpu.memory_space<vmem>>
        %dma_start3A_385 = arith.constant 0 : i32
        %dma_start3A_386 = arith.constant 0 : i32
        %dma_start3A_387 = tpu.memref_slice %arg20[%dma_start3A_385, %dma_start3A_386] : memref<10000x48xf32, #tpu.memory_space<vmem_shared>> -> memref<10000x48xf32, #tpu.memory_space<vmem_shared>>
        tpu.enqueue_indirect_dma source(%arg14 : memref<40x48xf32, #tpu.memory_space<vmem>>) target(%dma_start3A_387 : memref<10000x48xf32, #tpu.memory_space<vmem_shared>>) offsets(%dma_start3A_384 : memref<40xi32, #tpu.memory_space<vmem>>) semaphore(%run_scoped3A_381 : memref<!tpu.dma_semaphore, #tpu.memory_space<semaphore_mem>>) {add = true}
        %dma_wait3A_388 = arith.constant 0 : i32
        %dma_wait3A_389 = tpu.memref_slice %arg7[%add3A_282, %dma_wait3A_388] : memref<250x40xi32, #tpu.memory_space<vmem>> -> memref<1x40xi32, #tpu.memory_space<vmem>>
        %dma_wait3A_390 = tpu.memref_squeeze %dma_wait3A_389 : memref<1x40xi32, #tpu.memory_space<vmem>> -> memref<40xi32, #tpu.memory_space<vmem>>
        %dma_wait3A_391 = arith.constant 0 : i32
        %dma_wait3A_392 = arith.constant 0 : i32
        %dma_wait3A_393 = tpu.memref_slice %arg20[%dma_wait3A_391, %dma_wait3A_392] : memref<10000x48xf32, #tpu.memory_space<vmem_shared>> -> memref<10000x48xf32, #tpu.memory_space<vmem_shared>>
        tpu.wait_indirect_dma semaphore(%run_scoped3A_381 : memref<!tpu.dma_semaphore, #tpu.memory_space<semaphore_mem>>) src(%arg14 : memref<40x48xf32, #tpu.memory_space<vmem>>) dst(%dma_wait3A_393 : memref<10000x48xf32, #tpu.memory_space<vmem_shared>>)
        tpu.yield
      }) : () -> ()
      %add3A_289 = arith.constant 12 : i32
      %add3A_290 = arith.addi %add3A_282, %add3A_289 : i32
      %lt3A_291 = arith.constant 250 : i32
      %lt3A_292 = arith.cmpi slt, %add3A_290, %lt3A_291 : i32
      %convert_element_type3A_293 = arith.extui %lt3A_292 : i1 to i32
      %cond3A_294 = arith.constant 0 : i32
      %cond3A_295 = arith.cmpi ne, %convert_element_type3A_293, %cond3A_294 : i32
      scf.if %cond3A_295 {
        %add3A_381 = arith.constant 12 : i32
        %add3A_382 = arith.addi %add3A_282, %add3A_381 : i32
        %dma_start3A_383 = arith.constant 0 : i32
        %dma_start3A_384 = tpu.memref_slice %arg6[%add3A_382, %dma_start3A_383] : memref<250x40xi32, #tpu.memory_space<vmem>> -> memref<1x40xi32, #tpu.memory_space<vmem>>
        %dma_start3A_385 = tpu.memref_squeeze %dma_start3A_384 : memref<1x40xi32, #tpu.memory_space<vmem>> -> memref<40xi32, #tpu.memory_space<vmem>>
        %dma_start3A_386 = arith.constant 0 : i32
        %dma_start3A_387 = arith.constant 0 : i32
        %dma_start3A_388 = tpu.memref_slice %arg2[%dma_start3A_386, %dma_start3A_387] : memref<10000x48xf32, #tpu.memory_space<hbm>> -> memref<10000x48xf32, #tpu.memory_space<hbm>>
        tpu.enqueue_indirect_dma source(%dma_start3A_388 : memref<10000x48xf32, #tpu.memory_space<hbm>>) target(%arg14 : memref<40x48xf32, #tpu.memory_space<vmem>>) offsets(%dma_start3A_385 : memref<40xi32, #tpu.memory_space<vmem>>) semaphore(%arg27 : memref<!tpu.dma_semaphore, #tpu.memory_space<semaphore_mem>>)
      } else {
      }
      %mul3A_296 = arith.constant 12 : i32
      %mul3A_297 = arith.muli %scan3A_177, %mul3A_296 : i32
      %add3A_298 = arith.constant 7 : i32
      %add3A_299 = arith.addi %mul3A_297, %add3A_298 : i32
      %dma_wait3A_300 = arith.constant 0 : i32
      %dma_wait3A_301 = tpu.memref_slice %arg6[%add3A_299, %dma_wait3A_300] : memref<250x40xi32, #tpu.memory_space<vmem>> -> memref<1x40xi32, #tpu.memory_space<vmem>>
      %dma_wait3A_302 = tpu.memref_squeeze %dma_wait3A_301 : memref<1x40xi32, #tpu.memory_space<vmem>> -> memref<40xi32, #tpu.memory_space<vmem>>
      %dma_wait3A_303 = arith.constant 0 : i32
      %dma_wait3A_304 = arith.constant 0 : i32
      %dma_wait3A_305 = tpu.memref_slice %arg2[%dma_wait3A_303, %dma_wait3A_304] : memref<10000x48xf32, #tpu.memory_space<hbm>> -> memref<10000x48xf32, #tpu.memory_space<hbm>>
      tpu.wait_indirect_dma semaphore(%arg28 : memref<!tpu.dma_semaphore, #tpu.memory_space<semaphore_mem>>) src(%dma_wait3A_305 : memref<10000x48xf32, #tpu.memory_space<hbm>>) dst(%arg15 : memref<40x48xf32, #tpu.memory_space<vmem>>)
      "tpu.region"() ({
        %run_scoped3A_381 = tpu.sem_alloc : memref<!tpu.dma_semaphore, #tpu.memory_space<semaphore_mem>>
        %dma_start3A_382 = arith.constant 0 : i32
        %dma_start3A_383 = tpu.memref_slice %arg7[%add3A_299, %dma_start3A_382] : memref<250x40xi32, #tpu.memory_space<vmem>> -> memref<1x40xi32, #tpu.memory_space<vmem>>
        %dma_start3A_384 = tpu.memref_squeeze %dma_start3A_383 : memref<1x40xi32, #tpu.memory_space<vmem>> -> memref<40xi32, #tpu.memory_space<vmem>>
        %dma_start3A_385 = arith.constant 0 : i32
        %dma_start3A_386 = arith.constant 0 : i32
        %dma_start3A_387 = tpu.memref_slice %arg20[%dma_start3A_385, %dma_start3A_386] : memref<10000x48xf32, #tpu.memory_space<vmem_shared>> -> memref<10000x48xf32, #tpu.memory_space<vmem_shared>>
        tpu.enqueue_indirect_dma source(%arg15 : memref<40x48xf32, #tpu.memory_space<vmem>>) target(%dma_start3A_387 : memref<10000x48xf32, #tpu.memory_space<vmem_shared>>) offsets(%dma_start3A_384 : memref<40xi32, #tpu.memory_space<vmem>>) semaphore(%run_scoped3A_381 : memref<!tpu.dma_semaphore, #tpu.memory_space<semaphore_mem>>) {add = true}
        %dma_wait3A_388 = arith.constant 0 : i32
        %dma_wait3A_389 = tpu.memref_slice %arg7[%add3A_299, %dma_wait3A_388] : memref<250x40xi32, #tpu.memory_space<vmem>> -> memref<1x40xi32, #tpu.memory_space<vmem>>
        %dma_wait3A_390 = tpu.memref_squeeze %dma_wait3A_389 : memref<1x40xi32, #tpu.memory_space<vmem>> -> memref<40xi32, #tpu.memory_space<vmem>>
        %dma_wait3A_391 = arith.constant 0 : i32
        %dma_wait3A_392 = arith.constant 0 : i32
        %dma_wait3A_393 = tpu.memref_slice %arg20[%dma_wait3A_391, %dma_wait3A_392] : memref<10000x48xf32, #tpu.memory_space<vmem_shared>> -> memref<10000x48xf32, #tpu.memory_space<vmem_shared>>
        tpu.wait_indirect_dma semaphore(%run_scoped3A_381 : memref<!tpu.dma_semaphore, #tpu.memory_space<semaphore_mem>>) src(%arg15 : memref<40x48xf32, #tpu.memory_space<vmem>>) dst(%dma_wait3A_393 : memref<10000x48xf32, #tpu.memory_space<vmem_shared>>)
        tpu.yield
      }) : () -> ()
      %add3A_306 = arith.constant 12 : i32
      %add3A_307 = arith.addi %add3A_299, %add3A_306 : i32
      %lt3A_308 = arith.constant 250 : i32
      %lt3A_309 = arith.cmpi slt, %add3A_307, %lt3A_308 : i32
      %convert_element_type3A_310 = arith.extui %lt3A_309 : i1 to i32
      %cond3A_311 = arith.constant 0 : i32
      %cond3A_312 = arith.cmpi ne, %convert_element_type3A_310, %cond3A_311 : i32
      scf.if %cond3A_312 {
        %add3A_381 = arith.constant 12 : i32
        %add3A_382 = arith.addi %add3A_299, %add3A_381 : i32
        %dma_start3A_383 = arith.constant 0 : i32
        %dma_start3A_384 = tpu.memref_slice %arg6[%add3A_382, %dma_start3A_383] : memref<250x40xi32, #tpu.memory_space<vmem>> -> memref<1x40xi32, #tpu.memory_space<vmem>>
        %dma_start3A_385 = tpu.memref_squeeze %dma_start3A_384 : memref<1x40xi32, #tpu.memory_space<vmem>> -> memref<40xi32, #tpu.memory_space<vmem>>
        %dma_start3A_386 = arith.constant 0 : i32
        %dma_start3A_387 = arith.constant 0 : i32
        %dma_start3A_388 = tpu.memref_slice %arg2[%dma_start3A_386, %dma_start3A_387] : memref<10000x48xf32, #tpu.memory_space<hbm>> -> memref<10000x48xf32, #tpu.memory_space<hbm>>
        tpu.enqueue_indirect_dma source(%dma_start3A_388 : memref<10000x48xf32, #tpu.memory_space<hbm>>) target(%arg15 : memref<40x48xf32, #tpu.memory_space<vmem>>) offsets(%dma_start3A_385 : memref<40xi32, #tpu.memory_space<vmem>>) semaphore(%arg28 : memref<!tpu.dma_semaphore, #tpu.memory_space<semaphore_mem>>)
      } else {
      }
      %mul3A_313 = arith.constant 12 : i32
      %mul3A_314 = arith.muli %scan3A_177, %mul3A_313 : i32
      %add3A_315 = arith.constant 8 : i32
      %add3A_316 = arith.addi %mul3A_314, %add3A_315 : i32
      %dma_wait3A_317 = arith.constant 0 : i32
      %dma_wait3A_318 = tpu.memref_slice %arg6[%add3A_316, %dma_wait3A_317] : memref<250x40xi32, #tpu.memory_space<vmem>> -> memref<1x40xi32, #tpu.memory_space<vmem>>
      %dma_wait3A_319 = tpu.memref_squeeze %dma_wait3A_318 : memref<1x40xi32, #tpu.memory_space<vmem>> -> memref<40xi32, #tpu.memory_space<vmem>>
      %dma_wait3A_320 = arith.constant 0 : i32
      %dma_wait3A_321 = arith.constant 0 : i32
      %dma_wait3A_322 = tpu.memref_slice %arg2[%dma_wait3A_320, %dma_wait3A_321] : memref<10000x48xf32, #tpu.memory_space<hbm>> -> memref<10000x48xf32, #tpu.memory_space<hbm>>
      tpu.wait_indirect_dma semaphore(%arg29 : memref<!tpu.dma_semaphore, #tpu.memory_space<semaphore_mem>>) src(%dma_wait3A_322 : memref<10000x48xf32, #tpu.memory_space<hbm>>) dst(%arg16 : memref<40x48xf32, #tpu.memory_space<vmem>>)
      "tpu.region"() ({
        %run_scoped3A_381 = tpu.sem_alloc : memref<!tpu.dma_semaphore, #tpu.memory_space<semaphore_mem>>
        %dma_start3A_382 = arith.constant 0 : i32
        %dma_start3A_383 = tpu.memref_slice %arg7[%add3A_316, %dma_start3A_382] : memref<250x40xi32, #tpu.memory_space<vmem>> -> memref<1x40xi32, #tpu.memory_space<vmem>>
        %dma_start3A_384 = tpu.memref_squeeze %dma_start3A_383 : memref<1x40xi32, #tpu.memory_space<vmem>> -> memref<40xi32, #tpu.memory_space<vmem>>
        %dma_start3A_385 = arith.constant 0 : i32
        %dma_start3A_386 = arith.constant 0 : i32
        %dma_start3A_387 = tpu.memref_slice %arg20[%dma_start3A_385, %dma_start3A_386] : memref<10000x48xf32, #tpu.memory_space<vmem_shared>> -> memref<10000x48xf32, #tpu.memory_space<vmem_shared>>
        tpu.enqueue_indirect_dma source(%arg16 : memref<40x48xf32, #tpu.memory_space<vmem>>) target(%dma_start3A_387 : memref<10000x48xf32, #tpu.memory_space<vmem_shared>>) offsets(%dma_start3A_384 : memref<40xi32, #tpu.memory_space<vmem>>) semaphore(%run_scoped3A_381 : memref<!tpu.dma_semaphore, #tpu.memory_space<semaphore_mem>>) {add = true}
        %dma_wait3A_388 = arith.constant 0 : i32
        %dma_wait3A_389 = tpu.memref_slice %arg7[%add3A_316, %dma_wait3A_388] : memref<250x40xi32, #tpu.memory_space<vmem>> -> memref<1x40xi32, #tpu.memory_space<vmem>>
        %dma_wait3A_390 = tpu.memref_squeeze %dma_wait3A_389 : memref<1x40xi32, #tpu.memory_space<vmem>> -> memref<40xi32, #tpu.memory_space<vmem>>
        %dma_wait3A_391 = arith.constant 0 : i32
        %dma_wait3A_392 = arith.constant 0 : i32
        %dma_wait3A_393 = tpu.memref_slice %arg20[%dma_wait3A_391, %dma_wait3A_392] : memref<10000x48xf32, #tpu.memory_space<vmem_shared>> -> memref<10000x48xf32, #tpu.memory_space<vmem_shared>>
        tpu.wait_indirect_dma semaphore(%run_scoped3A_381 : memref<!tpu.dma_semaphore, #tpu.memory_space<semaphore_mem>>) src(%arg16 : memref<40x48xf32, #tpu.memory_space<vmem>>) dst(%dma_wait3A_393 : memref<10000x48xf32, #tpu.memory_space<vmem_shared>>)
        tpu.yield
      }) : () -> ()
      %add3A_323 = arith.constant 12 : i32
      %add3A_324 = arith.addi %add3A_316, %add3A_323 : i32
      %lt3A_325 = arith.constant 250 : i32
      %lt3A_326 = arith.cmpi slt, %add3A_324, %lt3A_325 : i32
      %convert_element_type3A_327 = arith.extui %lt3A_326 : i1 to i32
      %cond3A_328 = arith.constant 0 : i32
      %cond3A_329 = arith.cmpi ne, %convert_element_type3A_327, %cond3A_328 : i32
      scf.if %cond3A_329 {
        %add3A_381 = arith.constant 12 : i32
        %add3A_382 = arith.addi %add3A_316, %add3A_381 : i32
        %dma_start3A_383 = arith.constant 0 : i32
        %dma_start3A_384 = tpu.memref_slice %arg6[%add3A_382, %dma_start3A_383] : memref<250x40xi32, #tpu.memory_space<vmem>> -> memref<1x40xi32, #tpu.memory_space<vmem>>
        %dma_start3A_385 = tpu.memref_squeeze %dma_start3A_384 : memref<1x40xi32, #tpu.memory_space<vmem>> -> memref<40xi32, #tpu.memory_space<vmem>>
        %dma_start3A_386 = arith.constant 0 : i32
        %dma_start3A_387 = arith.constant 0 : i32
        %dma_start3A_388 = tpu.memref_slice %arg2[%dma_start3A_386, %dma_start3A_387] : memref<10000x48xf32, #tpu.memory_space<hbm>> -> memref<10000x48xf32, #tpu.memory_space<hbm>>
        tpu.enqueue_indirect_dma source(%dma_start3A_388 : memref<10000x48xf32, #tpu.memory_space<hbm>>) target(%arg16 : memref<40x48xf32, #tpu.memory_space<vmem>>) offsets(%dma_start3A_385 : memref<40xi32, #tpu.memory_space<vmem>>) semaphore(%arg29 : memref<!tpu.dma_semaphore, #tpu.memory_space<semaphore_mem>>)
      } else {
      }
      %mul3A_330 = arith.constant 12 : i32
      %mul3A_331 = arith.muli %scan3A_177, %mul3A_330 : i32
      %add3A_332 = arith.constant 9 : i32
      %add3A_333 = arith.addi %mul3A_331, %add3A_332 : i32
      %dma_wait3A_334 = arith.constant 0 : i32
      %dma_wait3A_335 = tpu.memref_slice %arg6[%add3A_333, %dma_wait3A_334] : memref<250x40xi32, #tpu.memory_space<vmem>> -> memref<1x40xi32, #tpu.memory_space<vmem>>
      %dma_wait3A_336 = tpu.memref_squeeze %dma_wait3A_335 : memref<1x40xi32, #tpu.memory_space<vmem>> -> memref<40xi32, #tpu.memory_space<vmem>>
      %dma_wait3A_337 = arith.constant 0 : i32
      %dma_wait3A_338 = arith.constant 0 : i32
      %dma_wait3A_339 = tpu.memref_slice %arg2[%dma_wait3A_337, %dma_wait3A_338] : memref<10000x48xf32, #tpu.memory_space<hbm>> -> memref<10000x48xf32, #tpu.memory_space<hbm>>
      tpu.wait_indirect_dma semaphore(%arg30 : memref<!tpu.dma_semaphore, #tpu.memory_space<semaphore_mem>>) src(%dma_wait3A_339 : memref<10000x48xf32, #tpu.memory_space<hbm>>) dst(%arg17 : memref<40x48xf32, #tpu.memory_space<vmem>>)
      "tpu.region"() ({
        %run_scoped3A_381 = tpu.sem_alloc : memref<!tpu.dma_semaphore, #tpu.memory_space<semaphore_mem>>
        %dma_start3A_382 = arith.constant 0 : i32
        %dma_start3A_383 = tpu.memref_slice %arg7[%add3A_333, %dma_start3A_382] : memref<250x40xi32, #tpu.memory_space<vmem>> -> memref<1x40xi32, #tpu.memory_space<vmem>>
        %dma_start3A_384 = tpu.memref_squeeze %dma_start3A_383 : memref<1x40xi32, #tpu.memory_space<vmem>> -> memref<40xi32, #tpu.memory_space<vmem>>
        %dma_start3A_385 = arith.constant 0 : i32
        %dma_start3A_386 = arith.constant 0 : i32
        %dma_start3A_387 = tpu.memref_slice %arg20[%dma_start3A_385, %dma_start3A_386] : memref<10000x48xf32, #tpu.memory_space<vmem_shared>> -> memref<10000x48xf32, #tpu.memory_space<vmem_shared>>
        tpu.enqueue_indirect_dma source(%arg17 : memref<40x48xf32, #tpu.memory_space<vmem>>) target(%dma_start3A_387 : memref<10000x48xf32, #tpu.memory_space<vmem_shared>>) offsets(%dma_start3A_384 : memref<40xi32, #tpu.memory_space<vmem>>) semaphore(%run_scoped3A_381 : memref<!tpu.dma_semaphore, #tpu.memory_space<semaphore_mem>>) {add = true}
        %dma_wait3A_388 = arith.constant 0 : i32
        %dma_wait3A_389 = tpu.memref_slice %arg7[%add3A_333, %dma_wait3A_388] : memref<250x40xi32, #tpu.memory_space<vmem>> -> memref<1x40xi32, #tpu.memory_space<vmem>>
        %dma_wait3A_390 = tpu.memref_squeeze %dma_wait3A_389 : memref<1x40xi32, #tpu.memory_space<vmem>> -> memref<40xi32, #tpu.memory_space<vmem>>
        %dma_wait3A_391 = arith.constant 0 : i32
        %dma_wait3A_392 = arith.constant 0 : i32
        %dma_wait3A_393 = tpu.memref_slice %arg20[%dma_wait3A_391, %dma_wait3A_392] : memref<10000x48xf32, #tpu.memory_space<vmem_shared>> -> memref<10000x48xf32, #tpu.memory_space<vmem_shared>>
        tpu.wait_indirect_dma semaphore(%run_scoped3A_381 : memref<!tpu.dma_semaphore, #tpu.memory_space<semaphore_mem>>) src(%arg17 : memref<40x48xf32, #tpu.memory_space<vmem>>) dst(%dma_wait3A_393 : memref<10000x48xf32, #tpu.memory_space<vmem_shared>>)
        tpu.yield
      }) : () -> ()
      %add3A_340 = arith.constant 12 : i32
      %add3A_341 = arith.addi %add3A_333, %add3A_340 : i32
      %lt3A_342 = arith.constant 250 : i32
      %lt3A_343 = arith.cmpi slt, %add3A_341, %lt3A_342 : i32
      %convert_element_type3A_344 = arith.extui %lt3A_343 : i1 to i32
      %cond3A_345 = arith.constant 0 : i32
      %cond3A_346 = arith.cmpi ne, %convert_element_type3A_344, %cond3A_345 : i32
      scf.if %cond3A_346 {
        %add3A_381 = arith.constant 12 : i32
        %add3A_382 = arith.addi %add3A_333, %add3A_381 : i32
        %dma_start3A_383 = arith.constant 0 : i32
        %dma_start3A_384 = tpu.memref_slice %arg6[%add3A_382, %dma_start3A_383] : memref<250x40xi32, #tpu.memory_space<vmem>> -> memref<1x40xi32, #tpu.memory_space<vmem>>
        %dma_start3A_385 = tpu.memref_squeeze %dma_start3A_384 : memref<1x40xi32, #tpu.memory_space<vmem>> -> memref<40xi32, #tpu.memory_space<vmem>>
        %dma_start3A_386 = arith.constant 0 : i32
        %dma_start3A_387 = arith.constant 0 : i32
        %dma_start3A_388 = tpu.memref_slice %arg2[%dma_start3A_386, %dma_start3A_387] : memref<10000x48xf32, #tpu.memory_space<hbm>> -> memref<10000x48xf32, #tpu.memory_space<hbm>>
        tpu.enqueue_indirect_dma source(%dma_start3A_388 : memref<10000x48xf32, #tpu.memory_space<hbm>>) target(%arg17 : memref<40x48xf32, #tpu.memory_space<vmem>>) offsets(%dma_start3A_385 : memref<40xi32, #tpu.memory_space<vmem>>) semaphore(%arg30 : memref<!tpu.dma_semaphore, #tpu.memory_space<semaphore_mem>>)
      } else {
      }
      %mul3A_347 = arith.constant 12 : i32
      %mul3A_348 = arith.muli %scan3A_177, %mul3A_347 : i32
      %add3A_349 = arith.constant 10 : i32
      %add3A_350 = arith.addi %mul3A_348, %add3A_349 : i32
      %dma_wait3A_351 = arith.constant 0 : i32
      %dma_wait3A_352 = tpu.memref_slice %arg6[%add3A_350, %dma_wait3A_351] : memref<250x40xi32, #tpu.memory_space<vmem>> -> memref<1x40xi32, #tpu.memory_space<vmem>>
      %dma_wait3A_353 = tpu.memref_squeeze %dma_wait3A_352 : memref<1x40xi32, #tpu.memory_space<vmem>> -> memref<40xi32, #tpu.memory_space<vmem>>
      %dma_wait3A_354 = arith.constant 0 : i32
      %dma_wait3A_355 = arith.constant 0 : i32
      %dma_wait3A_356 = tpu.memref_slice %arg2[%dma_wait3A_354, %dma_wait3A_355] : memref<10000x48xf32, #tpu.memory_space<hbm>> -> memref<10000x48xf32, #tpu.memory_space<hbm>>
      tpu.wait_indirect_dma semaphore(%arg31 : memref<!tpu.dma_semaphore, #tpu.memory_space<semaphore_mem>>) src(%dma_wait3A_356 : memref<10000x48xf32, #tpu.memory_space<hbm>>) dst(%arg18 : memref<40x48xf32, #tpu.memory_space<vmem>>)
      "tpu.region"() ({
        %run_scoped3A_381 = tpu.sem_alloc : memref<!tpu.dma_semaphore, #tpu.memory_space<semaphore_mem>>
        %dma_start3A_382 = arith.constant 0 : i32
        %dma_start3A_383 = tpu.memref_slice %arg7[%add3A_350, %dma_start3A_382] : memref<250x40xi32, #tpu.memory_space<vmem>> -> memref<1x40xi32, #tpu.memory_space<vmem>>
        %dma_start3A_384 = tpu.memref_squeeze %dma_start3A_383 : memref<1x40xi32, #tpu.memory_space<vmem>> -> memref<40xi32, #tpu.memory_space<vmem>>
        %dma_start3A_385 = arith.constant 0 : i32
        %dma_start3A_386 = arith.constant 0 : i32
        %dma_start3A_387 = tpu.memref_slice %arg20[%dma_start3A_385, %dma_start3A_386] : memref<10000x48xf32, #tpu.memory_space<vmem_shared>> -> memref<10000x48xf32, #tpu.memory_space<vmem_shared>>
        tpu.enqueue_indirect_dma source(%arg18 : memref<40x48xf32, #tpu.memory_space<vmem>>) target(%dma_start3A_387 : memref<10000x48xf32, #tpu.memory_space<vmem_shared>>) offsets(%dma_start3A_384 : memref<40xi32, #tpu.memory_space<vmem>>) semaphore(%run_scoped3A_381 : memref<!tpu.dma_semaphore, #tpu.memory_space<semaphore_mem>>) {add = true}
        %dma_wait3A_388 = arith.constant 0 : i32
        %dma_wait3A_389 = tpu.memref_slice %arg7[%add3A_350, %dma_wait3A_388] : memref<250x40xi32, #tpu.memory_space<vmem>> -> memref<1x40xi32, #tpu.memory_space<vmem>>
        %dma_wait3A_390 = tpu.memref_squeeze %dma_wait3A_389 : memref<1x40xi32, #tpu.memory_space<vmem>> -> memref<40xi32, #tpu.memory_space<vmem>>
        %dma_wait3A_391 = arith.constant 0 : i32
        %dma_wait3A_392 = arith.constant 0 : i32
        %dma_wait3A_393 = tpu.memref_slice %arg20[%dma_wait3A_391, %dma_wait3A_392] : memref<10000x48xf32, #tpu.memory_space<vmem_shared>> -> memref<10000x48xf32, #tpu.memory_space<vmem_shared>>
        tpu.wait_indirect_dma semaphore(%run_scoped3A_381 : memref<!tpu.dma_semaphore, #tpu.memory_space<semaphore_mem>>) src(%arg18 : memref<40x48xf32, #tpu.memory_space<vmem>>) dst(%dma_wait3A_393 : memref<10000x48xf32, #tpu.memory_space<vmem_shared>>)
        tpu.yield
      }) : () -> ()
      %add3A_357 = arith.constant 12 : i32
      %add3A_358 = arith.addi %add3A_350, %add3A_357 : i32
      %lt3A_359 = arith.constant 250 : i32
      %lt3A_360 = arith.cmpi slt, %add3A_358, %lt3A_359 : i32
      %convert_element_type3A_361 = arith.extui %lt3A_360 : i1 to i32
      %cond3A_362 = arith.constant 0 : i32
      %cond3A_363 = arith.cmpi ne, %convert_element_type3A_361, %cond3A_362 : i32
      scf.if %cond3A_363 {
        %add3A_381 = arith.constant 12 : i32
        %add3A_382 = arith.addi %add3A_350, %add3A_381 : i32
        %dma_start3A_383 = arith.constant 0 : i32
        %dma_start3A_384 = tpu.memref_slice %arg6[%add3A_382, %dma_start3A_383] : memref<250x40xi32, #tpu.memory_space<vmem>> -> memref<1x40xi32, #tpu.memory_space<vmem>>
        %dma_start3A_385 = tpu.memref_squeeze %dma_start3A_384 : memref<1x40xi32, #tpu.memory_space<vmem>> -> memref<40xi32, #tpu.memory_space<vmem>>
        %dma_start3A_386 = arith.constant 0 : i32
        %dma_start3A_387 = arith.constant 0 : i32
        %dma_start3A_388 = tpu.memref_slice %arg2[%dma_start3A_386, %dma_start3A_387] : memref<10000x48xf32, #tpu.memory_space<hbm>> -> memref<10000x48xf32, #tpu.memory_space<hbm>>
        tpu.enqueue_indirect_dma source(%dma_start3A_388 : memref<10000x48xf32, #tpu.memory_space<hbm>>) target(%arg18 : memref<40x48xf32, #tpu.memory_space<vmem>>) offsets(%dma_start3A_385 : memref<40xi32, #tpu.memory_space<vmem>>) semaphore(%arg31 : memref<!tpu.dma_semaphore, #tpu.memory_space<semaphore_mem>>)
      } else {
      }
      %mul3A_364 = arith.constant 12 : i32
      %mul3A_365 = arith.muli %scan3A_177, %mul3A_364 : i32
      %add3A_366 = arith.constant 11 : i32
      %add3A_367 = arith.addi %mul3A_365, %add3A_366 : i32
      %dma_wait3A_368 = arith.constant 0 : i32
      %dma_wait3A_369 = tpu.memref_slice %arg6[%add3A_367, %dma_wait3A_368] : memref<250x40xi32, #tpu.memory_space<vmem>> -> memref<1x40xi32, #tpu.memory_space<vmem>>
      %dma_wait3A_370 = tpu.memref_squeeze %dma_wait3A_369 : memref<1x40xi32, #tpu.memory_space<vmem>> -> memref<40xi32, #tpu.memory_space<vmem>>
      %dma_wait3A_371 = arith.constant 0 : i32
      %dma_wait3A_372 = arith.constant 0 : i32
      %dma_wait3A_373 = tpu.memref_slice %arg2[%dma_wait3A_371, %dma_wait3A_372] : memref<10000x48xf32, #tpu.memory_space<hbm>> -> memref<10000x48xf32, #tpu.memory_space<hbm>>
      tpu.wait_indirect_dma semaphore(%arg32 : memref<!tpu.dma_semaphore, #tpu.memory_space<semaphore_mem>>) src(%dma_wait3A_373 : memref<10000x48xf32, #tpu.memory_space<hbm>>) dst(%arg19 : memref<40x48xf32, #tpu.memory_space<vmem>>)
      "tpu.region"() ({
        %run_scoped3A_381 = tpu.sem_alloc : memref<!tpu.dma_semaphore, #tpu.memory_space<semaphore_mem>>
        %dma_start3A_382 = arith.constant 0 : i32
        %dma_start3A_383 = tpu.memref_slice %arg7[%add3A_367, %dma_start3A_382] : memref<250x40xi32, #tpu.memory_space<vmem>> -> memref<1x40xi32, #tpu.memory_space<vmem>>
        %dma_start3A_384 = tpu.memref_squeeze %dma_start3A_383 : memref<1x40xi32, #tpu.memory_space<vmem>> -> memref<40xi32, #tpu.memory_space<vmem>>
        %dma_start3A_385 = arith.constant 0 : i32
        %dma_start3A_386 = arith.constant 0 : i32
        %dma_start3A_387 = tpu.memref_slice %arg20[%dma_start3A_385, %dma_start3A_386] : memref<10000x48xf32, #tpu.memory_space<vmem_shared>> -> memref<10000x48xf32, #tpu.memory_space<vmem_shared>>
        tpu.enqueue_indirect_dma source(%arg19 : memref<40x48xf32, #tpu.memory_space<vmem>>) target(%dma_start3A_387 : memref<10000x48xf32, #tpu.memory_space<vmem_shared>>) offsets(%dma_start3A_384 : memref<40xi32, #tpu.memory_space<vmem>>) semaphore(%run_scoped3A_381 : memref<!tpu.dma_semaphore, #tpu.memory_space<semaphore_mem>>) {add = true}
        %dma_wait3A_388 = arith.constant 0 : i32
        %dma_wait3A_389 = tpu.memref_slice %arg7[%add3A_367, %dma_wait3A_388] : memref<250x40xi32, #tpu.memory_space<vmem>> -> memref<1x40xi32, #tpu.memory_space<vmem>>
        %dma_wait3A_390 = tpu.memref_squeeze %dma_wait3A_389 : memref<1x40xi32, #tpu.memory_space<vmem>> -> memref<40xi32, #tpu.memory_space<vmem>>
        %dma_wait3A_391 = arith.constant 0 : i32
        %dma_wait3A_392 = arith.constant 0 : i32
        %dma_wait3A_393 = tpu.memref_slice %arg20[%dma_wait3A_391, %dma_wait3A_392] : memref<10000x48xf32, #tpu.memory_space<vmem_shared>> -> memref<10000x48xf32, #tpu.memory_space<vmem_shared>>
        tpu.wait_indirect_dma semaphore(%run_scoped3A_381 : memref<!tpu.dma_semaphore, #tpu.memory_space<semaphore_mem>>) src(%arg19 : memref<40x48xf32, #tpu.memory_space<vmem>>) dst(%dma_wait3A_393 : memref<10000x48xf32, #tpu.memory_space<vmem_shared>>)
        tpu.yield
      }) : () -> ()
      %add3A_374 = arith.constant 12 : i32
      %add3A_375 = arith.addi %add3A_367, %add3A_374 : i32
      %lt3A_376 = arith.constant 250 : i32
      %lt3A_377 = arith.cmpi slt, %add3A_375, %lt3A_376 : i32
      %convert_element_type3A_378 = arith.extui %lt3A_377 : i1 to i32
      %cond3A_379 = arith.constant 0 : i32
      %cond3A_380 = arith.cmpi ne, %convert_element_type3A_378, %cond3A_379 : i32
      scf.if %cond3A_380 {
        %add3A_381 = arith.constant 12 : i32
        %add3A_382 = arith.addi %add3A_367, %add3A_381 : i32
        %dma_start3A_383 = arith.constant 0 : i32
        %dma_start3A_384 = tpu.memref_slice %arg6[%add3A_382, %dma_start3A_383] : memref<250x40xi32, #tpu.memory_space<vmem>> -> memref<1x40xi32, #tpu.memory_space<vmem>>
        %dma_start3A_385 = tpu.memref_squeeze %dma_start3A_384 : memref<1x40xi32, #tpu.memory_space<vmem>> -> memref<40xi32, #tpu.memory_space<vmem>>
        %dma_start3A_386 = arith.constant 0 : i32
        %dma_start3A_387 = arith.constant 0 : i32
        %dma_start3A_388 = tpu.memref_slice %arg2[%dma_start3A_386, %dma_start3A_387] : memref<10000x48xf32, #tpu.memory_space<hbm>> -> memref<10000x48xf32, #tpu.memory_space<hbm>>
        tpu.enqueue_indirect_dma source(%dma_start3A_388 : memref<10000x48xf32, #tpu.memory_space<hbm>>) target(%arg19 : memref<40x48xf32, #tpu.memory_space<vmem>>) offsets(%dma_start3A_385 : memref<40xi32, #tpu.memory_space<vmem>>) semaphore(%arg32 : memref<!tpu.dma_semaphore, #tpu.memory_space<semaphore_mem>>)
      } else {
      }
    }
    %scan3A_93 = arith.constant 20 : i32
    %dma_wait3A = arith.constant 240 : i32
    %dma_wait3A_94 = arith.constant 0 : i32
    %dma_wait3A_95 = tpu.memref_slice %arg6[%dma_wait3A, %dma_wait3A_94] : memref<250x40xi32, #tpu.memory_space<vmem>> -> memref<1x40xi32, #tpu.memory_space<vmem>>
    %dma_wait3A_96 = tpu.memref_squeeze %dma_wait3A_95 : memref<1x40xi32, #tpu.memory_space<vmem>> -> memref<40xi32, #tpu.memory_space<vmem>>
    %dma_wait3A_97 = arith.constant 0 : i32
    %dma_wait3A_98 = arith.constant 0 : i32
    %dma_wait3A_99 = tpu.memref_slice %arg2[%dma_wait3A_97, %dma_wait3A_98] : memref<10000x48xf32, #tpu.memory_space<hbm>> -> memref<10000x48xf32, #tpu.memory_space<hbm>>
    tpu.wait_indirect_dma semaphore(%arg21 : memref<!tpu.dma_semaphore, #tpu.memory_space<semaphore_mem>>) src(%dma_wait3A_99 : memref<10000x48xf32, #tpu.memory_space<hbm>>) dst(%arg8 : memref<40x48xf32, #tpu.memory_space<vmem>>)
    %run_scoped3A_100 = arith.constant 240 : i32
    "tpu.region"() ({
      %run_scoped3A_177 = tpu.sem_alloc : memref<!tpu.dma_semaphore, #tpu.memory_space<semaphore_mem>>
      %dma_start3A_178 = arith.constant 0 : i32
      %dma_start3A_179 = tpu.memref_slice %arg7[%run_scoped3A_100, %dma_start3A_178] : memref<250x40xi32, #tpu.memory_space<vmem>> -> memref<1x40xi32, #tpu.memory_space<vmem>>
      %dma_start3A_180 = tpu.memref_squeeze %dma_start3A_179 : memref<1x40xi32, #tpu.memory_space<vmem>> -> memref<40xi32, #tpu.memory_space<vmem>>
      %dma_start3A_181 = arith.constant 0 : i32
      %dma_start3A_182 = arith.constant 0 : i32
      %dma_start3A_183 = tpu.memref_slice %arg20[%dma_start3A_181, %dma_start3A_182] : memref<10000x48xf32, #tpu.memory_space<vmem_shared>> -> memref<10000x48xf32, #tpu.memory_space<vmem_shared>>
      tpu.enqueue_indirect_dma source(%arg8 : memref<40x48xf32, #tpu.memory_space<vmem>>) target(%dma_start3A_183 : memref<10000x48xf32, #tpu.memory_space<vmem_shared>>) offsets(%dma_start3A_180 : memref<40xi32, #tpu.memory_space<vmem>>) semaphore(%run_scoped3A_177 : memref<!tpu.dma_semaphore, #tpu.memory_space<semaphore_mem>>) {add = true}
      %dma_wait3A_184 = arith.constant 0 : i32
      %dma_wait3A_185 = tpu.memref_slice %arg7[%run_scoped3A_100, %dma_wait3A_184] : memref<250x40xi32, #tpu.memory_space<vmem>> -> memref<1x40xi32, #tpu.memory_space<vmem>>
      %dma_wait3A_186 = tpu.memref_squeeze %dma_wait3A_185 : memref<1x40xi32, #tpu.memory_space<vmem>> -> memref<40xi32, #tpu.memory_space<vmem>>
      %dma_wait3A_187 = arith.constant 0 : i32
      %dma_wait3A_188 = arith.constant 0 : i32
      %dma_wait3A_189 = tpu.memref_slice %arg20[%dma_wait3A_187, %dma_wait3A_188] : memref<10000x48xf32, #tpu.memory_space<vmem_shared>> -> memref<10000x48xf32, #tpu.memory_space<vmem_shared>>
      tpu.wait_indirect_dma semaphore(%run_scoped3A_177 : memref<!tpu.dma_semaphore, #tpu.memory_space<semaphore_mem>>) src(%arg8 : memref<40x48xf32, #tpu.memory_space<vmem>>) dst(%dma_wait3A_189 : memref<10000x48xf32, #tpu.memory_space<vmem_shared>>)
      tpu.yield
    }) : () -> ()
    %dma_wait3A_101 = arith.constant 241 : i32
    %dma_wait3A_102 = arith.constant 0 : i32
    %dma_wait3A_103 = tpu.memref_slice %arg6[%dma_wait3A_101, %dma_wait3A_102] : memref<250x40xi32, #tpu.memory_space<vmem>> -> memref<1x40xi32, #tpu.memory_space<vmem>>
    %dma_wait3A_104 = tpu.memref_squeeze %dma_wait3A_103 : memref<1x40xi32, #tpu.memory_space<vmem>> -> memref<40xi32, #tpu.memory_space<vmem>>
    %dma_wait3A_105 = arith.constant 0 : i32
    %dma_wait3A_106 = arith.constant 0 : i32
    %dma_wait3A_107 = tpu.memref_slice %arg2[%dma_wait3A_105, %dma_wait3A_106] : memref<10000x48xf32, #tpu.memory_space<hbm>> -> memref<10000x48xf32, #tpu.memory_space<hbm>>
    tpu.wait_indirect_dma semaphore(%arg22 : memref<!tpu.dma_semaphore, #tpu.memory_space<semaphore_mem>>) src(%dma_wait3A_107 : memref<10000x48xf32, #tpu.memory_space<hbm>>) dst(%arg9 : memref<40x48xf32, #tpu.memory_space<vmem>>)
    %run_scoped3A_108 = arith.constant 241 : i32
    "tpu.region"() ({
      %run_scoped3A_177 = tpu.sem_alloc : memref<!tpu.dma_semaphore, #tpu.memory_space<semaphore_mem>>
      %dma_start3A_178 = arith.constant 0 : i32
      %dma_start3A_179 = tpu.memref_slice %arg7[%run_scoped3A_108, %dma_start3A_178] : memref<250x40xi32, #tpu.memory_space<vmem>> -> memref<1x40xi32, #tpu.memory_space<vmem>>
      %dma_start3A_180 = tpu.memref_squeeze %dma_start3A_179 : memref<1x40xi32, #tpu.memory_space<vmem>> -> memref<40xi32, #tpu.memory_space<vmem>>
      %dma_start3A_181 = arith.constant 0 : i32
      %dma_start3A_182 = arith.constant 0 : i32
      %dma_start3A_183 = tpu.memref_slice %arg20[%dma_start3A_181, %dma_start3A_182] : memref<10000x48xf32, #tpu.memory_space<vmem_shared>> -> memref<10000x48xf32, #tpu.memory_space<vmem_shared>>
      tpu.enqueue_indirect_dma source(%arg9 : memref<40x48xf32, #tpu.memory_space<vmem>>) target(%dma_start3A_183 : memref<10000x48xf32, #tpu.memory_space<vmem_shared>>) offsets(%dma_start3A_180 : memref<40xi32, #tpu.memory_space<vmem>>) semaphore(%run_scoped3A_177 : memref<!tpu.dma_semaphore, #tpu.memory_space<semaphore_mem>>) {add = true}
      %dma_wait3A_184 = arith.constant 0 : i32
      %dma_wait3A_185 = tpu.memref_slice %arg7[%run_scoped3A_108, %dma_wait3A_184] : memref<250x40xi32, #tpu.memory_space<vmem>> -> memref<1x40xi32, #tpu.memory_space<vmem>>
      %dma_wait3A_186 = tpu.memref_squeeze %dma_wait3A_185 : memref<1x40xi32, #tpu.memory_space<vmem>> -> memref<40xi32, #tpu.memory_space<vmem>>
      %dma_wait3A_187 = arith.constant 0 : i32
      %dma_wait3A_188 = arith.constant 0 : i32
      %dma_wait3A_189 = tpu.memref_slice %arg20[%dma_wait3A_187, %dma_wait3A_188] : memref<10000x48xf32, #tpu.memory_space<vmem_shared>> -> memref<10000x48xf32, #tpu.memory_space<vmem_shared>>
      tpu.wait_indirect_dma semaphore(%run_scoped3A_177 : memref<!tpu.dma_semaphore, #tpu.memory_space<semaphore_mem>>) src(%arg9 : memref<40x48xf32, #tpu.memory_space<vmem>>) dst(%dma_wait3A_189 : memref<10000x48xf32, #tpu.memory_space<vmem_shared>>)
      tpu.yield
    }) : () -> ()
    %dma_wait3A_109 = arith.constant 242 : i32
    %dma_wait3A_110 = arith.constant 0 : i32
    %dma_wait3A_111 = tpu.memref_slice %arg6[%dma_wait3A_109, %dma_wait3A_110] : memref<250x40xi32, #tpu.memory_space<vmem>> -> memref<1x40xi32, #tpu.memory_space<vmem>>
    %dma_wait3A_112 = tpu.memref_squeeze %dma_wait3A_111 : memref<1x40xi32, #tpu.memory_space<vmem>> -> memref<40xi32, #tpu.memory_space<vmem>>
    %dma_wait3A_113 = arith.constant 0 : i32
    %dma_wait3A_114 = arith.constant 0 : i32
    %dma_wait3A_115 = tpu.memref_slice %arg2[%dma_wait3A_113, %dma_wait3A_114] : memref<10000x48xf32, #tpu.memory_space<hbm>> -> memref<10000x48xf32, #tpu.memory_space<hbm>>
    tpu.wait_indirect_dma semaphore(%arg23 : memref<!tpu.dma_semaphore, #tpu.memory_space<semaphore_mem>>) src(%dma_wait3A_115 : memref<10000x48xf32, #tpu.memory_space<hbm>>) dst(%arg10 : memref<40x48xf32, #tpu.memory_space<vmem>>)
    %run_scoped3A_116 = arith.constant 242 : i32
    "tpu.region"() ({
      %run_scoped3A_177 = tpu.sem_alloc : memref<!tpu.dma_semaphore, #tpu.memory_space<semaphore_mem>>
      %dma_start3A_178 = arith.constant 0 : i32
      %dma_start3A_179 = tpu.memref_slice %arg7[%run_scoped3A_116, %dma_start3A_178] : memref<250x40xi32, #tpu.memory_space<vmem>> -> memref<1x40xi32, #tpu.memory_space<vmem>>
      %dma_start3A_180 = tpu.memref_squeeze %dma_start3A_179 : memref<1x40xi32, #tpu.memory_space<vmem>> -> memref<40xi32, #tpu.memory_space<vmem>>
      %dma_start3A_181 = arith.constant 0 : i32
      %dma_start3A_182 = arith.constant 0 : i32
      %dma_start3A_183 = tpu.memref_slice %arg20[%dma_start3A_181, %dma_start3A_182] : memref<10000x48xf32, #tpu.memory_space<vmem_shared>> -> memref<10000x48xf32, #tpu.memory_space<vmem_shared>>
      tpu.enqueue_indirect_dma source(%arg10 : memref<40x48xf32, #tpu.memory_space<vmem>>) target(%dma_start3A_183 : memref<10000x48xf32, #tpu.memory_space<vmem_shared>>) offsets(%dma_start3A_180 : memref<40xi32, #tpu.memory_space<vmem>>) semaphore(%run_scoped3A_177 : memref<!tpu.dma_semaphore, #tpu.memory_space<semaphore_mem>>) {add = true}
      %dma_wait3A_184 = arith.constant 0 : i32
      %dma_wait3A_185 = tpu.memref_slice %arg7[%run_scoped3A_116, %dma_wait3A_184] : memref<250x40xi32, #tpu.memory_space<vmem>> -> memref<1x40xi32, #tpu.memory_space<vmem>>
      %dma_wait3A_186 = tpu.memref_squeeze %dma_wait3A_185 : memref<1x40xi32, #tpu.memory_space<vmem>> -> memref<40xi32, #tpu.memory_space<vmem>>
      %dma_wait3A_187 = arith.constant 0 : i32
      %dma_wait3A_188 = arith.constant 0 : i32
      %dma_wait3A_189 = tpu.memref_slice %arg20[%dma_wait3A_187, %dma_wait3A_188] : memref<10000x48xf32, #tpu.memory_space<vmem_shared>> -> memref<10000x48xf32, #tpu.memory_space<vmem_shared>>
      tpu.wait_indirect_dma semaphore(%run_scoped3A_177 : memref<!tpu.dma_semaphore, #tpu.memory_space<semaphore_mem>>) src(%arg10 : memref<40x48xf32, #tpu.memory_space<vmem>>) dst(%dma_wait3A_189 : memref<10000x48xf32, #tpu.memory_space<vmem_shared>>)
      tpu.yield
    }) : () -> ()
    %dma_wait3A_117 = arith.constant 243 : i32
    %dma_wait3A_118 = arith.constant 0 : i32
    %dma_wait3A_119 = tpu.memref_slice %arg6[%dma_wait3A_117, %dma_wait3A_118] : memref<250x40xi32, #tpu.memory_space<vmem>> -> memref<1x40xi32, #tpu.memory_space<vmem>>
    %dma_wait3A_120 = tpu.memref_squeeze %dma_wait3A_119 : memref<1x40xi32, #tpu.memory_space<vmem>> -> memref<40xi32, #tpu.memory_space<vmem>>
    %dma_wait3A_121 = arith.constant 0 : i32
    %dma_wait3A_122 = arith.constant 0 : i32
    %dma_wait3A_123 = tpu.memref_slice %arg2[%dma_wait3A_121, %dma_wait3A_122] : memref<10000x48xf32, #tpu.memory_space<hbm>> -> memref<10000x48xf32, #tpu.memory_space<hbm>>
    tpu.wait_indirect_dma semaphore(%arg24 : memref<!tpu.dma_semaphore, #tpu.memory_space<semaphore_mem>>) src(%dma_wait3A_123 : memref<10000x48xf32, #tpu.memory_space<hbm>>) dst(%arg11 : memref<40x48xf32, #tpu.memory_space<vmem>>)
    %run_scoped3A_124 = arith.constant 243 : i32
    "tpu.region"() ({
      %run_scoped3A_177 = tpu.sem_alloc : memref<!tpu.dma_semaphore, #tpu.memory_space<semaphore_mem>>
      %dma_start3A_178 = arith.constant 0 : i32
      %dma_start3A_179 = tpu.memref_slice %arg7[%run_scoped3A_124, %dma_start3A_178] : memref<250x40xi32, #tpu.memory_space<vmem>> -> memref<1x40xi32, #tpu.memory_space<vmem>>
      %dma_start3A_180 = tpu.memref_squeeze %dma_start3A_179 : memref<1x40xi32, #tpu.memory_space<vmem>> -> memref<40xi32, #tpu.memory_space<vmem>>
      %dma_start3A_181 = arith.constant 0 : i32
      %dma_start3A_182 = arith.constant 0 : i32
      %dma_start3A_183 = tpu.memref_slice %arg20[%dma_start3A_181, %dma_start3A_182] : memref<10000x48xf32, #tpu.memory_space<vmem_shared>> -> memref<10000x48xf32, #tpu.memory_space<vmem_shared>>
      tpu.enqueue_indirect_dma source(%arg11 : memref<40x48xf32, #tpu.memory_space<vmem>>) target(%dma_start3A_183 : memref<10000x48xf32, #tpu.memory_space<vmem_shared>>) offsets(%dma_start3A_180 : memref<40xi32, #tpu.memory_space<vmem>>) semaphore(%run_scoped3A_177 : memref<!tpu.dma_semaphore, #tpu.memory_space<semaphore_mem>>) {add = true}
      %dma_wait3A_184 = arith.constant 0 : i32
      %dma_wait3A_185 = tpu.memref_slice %arg7[%run_scoped3A_124, %dma_wait3A_184] : memref<250x40xi32, #tpu.memory_space<vmem>> -> memref<1x40xi32, #tpu.memory_space<vmem>>
      %dma_wait3A_186 = tpu.memref_squeeze %dma_wait3A_185 : memref<1x40xi32, #tpu.memory_space<vmem>> -> memref<40xi32, #tpu.memory_space<vmem>>
      %dma_wait3A_187 = arith.constant 0 : i32
      %dma_wait3A_188 = arith.constant 0 : i32
      %dma_wait3A_189 = tpu.memref_slice %arg20[%dma_wait3A_187, %dma_wait3A_188] : memref<10000x48xf32, #tpu.memory_space<vmem_shared>> -> memref<10000x48xf32, #tpu.memory_space<vmem_shared>>
      tpu.wait_indirect_dma semaphore(%run_scoped3A_177 : memref<!tpu.dma_semaphore, #tpu.memory_space<semaphore_mem>>) src(%arg11 : memref<40x48xf32, #tpu.memory_space<vmem>>) dst(%dma_wait3A_189 : memref<10000x48xf32, #tpu.memory_space<vmem_shared>>)
      tpu.yield
    }) : () -> ()
    %dma_wait3A_125 = arith.constant 244 : i32
    %dma_wait3A_126 = arith.constant 0 : i32
    %dma_wait3A_127 = tpu.memref_slice %arg6[%dma_wait3A_125, %dma_wait3A_126] : memref<250x40xi32, #tpu.memory_space<vmem>> -> memref<1x40xi32, #tpu.memory_space<vmem>>
    %dma_wait3A_128 = tpu.memref_squeeze %dma_wait3A_127 : memref<1x40xi32, #tpu.memory_space<vmem>> -> memref<40xi32, #tpu.memory_space<vmem>>
    %dma_wait3A_129 = arith.constant 0 : i32
    %dma_wait3A_130 = arith.constant 0 : i32
    %dma_wait3A_131 = tpu.memref_slice %arg2[%dma_wait3A_129, %dma_wait3A_130] : memref<10000x48xf32, #tpu.memory_space<hbm>> -> memref<10000x48xf32, #tpu.memory_space<hbm>>
    tpu.wait_indirect_dma semaphore(%arg25 : memref<!tpu.dma_semaphore, #tpu.memory_space<semaphore_mem>>) src(%dma_wait3A_131 : memref<10000x48xf32, #tpu.memory_space<hbm>>) dst(%arg12 : memref<40x48xf32, #tpu.memory_space<vmem>>)
    %run_scoped3A_132 = arith.constant 244 : i32
    "tpu.region"() ({
      %run_scoped3A_177 = tpu.sem_alloc : memref<!tpu.dma_semaphore, #tpu.memory_space<semaphore_mem>>
      %dma_start3A_178 = arith.constant 0 : i32
      %dma_start3A_179 = tpu.memref_slice %arg7[%run_scoped3A_132, %dma_start3A_178] : memref<250x40xi32, #tpu.memory_space<vmem>> -> memref<1x40xi32, #tpu.memory_space<vmem>>
      %dma_start3A_180 = tpu.memref_squeeze %dma_start3A_179 : memref<1x40xi32, #tpu.memory_space<vmem>> -> memref<40xi32, #tpu.memory_space<vmem>>
      %dma_start3A_181 = arith.constant 0 : i32
      %dma_start3A_182 = arith.constant 0 : i32
      %dma_start3A_183 = tpu.memref_slice %arg20[%dma_start3A_181, %dma_start3A_182] : memref<10000x48xf32, #tpu.memory_space<vmem_shared>> -> memref<10000x48xf32, #tpu.memory_space<vmem_shared>>
      tpu.enqueue_indirect_dma source(%arg12 : memref<40x48xf32, #tpu.memory_space<vmem>>) target(%dma_start3A_183 : memref<10000x48xf32, #tpu.memory_space<vmem_shared>>) offsets(%dma_start3A_180 : memref<40xi32, #tpu.memory_space<vmem>>) semaphore(%run_scoped3A_177 : memref<!tpu.dma_semaphore, #tpu.memory_space<semaphore_mem>>) {add = true}
      %dma_wait3A_184 = arith.constant 0 : i32
      %dma_wait3A_185 = tpu.memref_slice %arg7[%run_scoped3A_132, %dma_wait3A_184] : memref<250x40xi32, #tpu.memory_space<vmem>> -> memref<1x40xi32, #tpu.memory_space<vmem>>
      %dma_wait3A_186 = tpu.memref_squeeze %dma_wait3A_185 : memref<1x40xi32, #tpu.memory_space<vmem>> -> memref<40xi32, #tpu.memory_space<vmem>>
      %dma_wait3A_187 = arith.constant 0 : i32
      %dma_wait3A_188 = arith.constant 0 : i32
      %dma_wait3A_189 = tpu.memref_slice %arg20[%dma_wait3A_187, %dma_wait3A_188] : memref<10000x48xf32, #tpu.memory_space<vmem_shared>> -> memref<10000x48xf32, #tpu.memory_space<vmem_shared>>
      tpu.wait_indirect_dma semaphore(%run_scoped3A_177 : memref<!tpu.dma_semaphore, #tpu.memory_space<semaphore_mem>>) src(%arg12 : memref<40x48xf32, #tpu.memory_space<vmem>>) dst(%dma_wait3A_189 : memref<10000x48xf32, #tpu.memory_space<vmem_shared>>)
      tpu.yield
    }) : () -> ()
    %dma_wait3A_133 = arith.constant 245 : i32
    %dma_wait3A_134 = arith.constant 0 : i32
    %dma_wait3A_135 = tpu.memref_slice %arg6[%dma_wait3A_133, %dma_wait3A_134] : memref<250x40xi32, #tpu.memory_space<vmem>> -> memref<1x40xi32, #tpu.memory_space<vmem>>
    %dma_wait3A_136 = tpu.memref_squeeze %dma_wait3A_135 : memref<1x40xi32, #tpu.memory_space<vmem>> -> memref<40xi32, #tpu.memory_space<vmem>>
    %dma_wait3A_137 = arith.constant 0 : i32
    %dma_wait3A_138 = arith.constant 0 : i32
    %dma_wait3A_139 = tpu.memref_slice %arg2[%dma_wait3A_137, %dma_wait3A_138] : memref<10000x48xf32, #tpu.memory_space<hbm>> -> memref<10000x48xf32, #tpu.memory_space<hbm>>
    tpu.wait_indirect_dma semaphore(%arg26 : memref<!tpu.dma_semaphore, #tpu.memory_space<semaphore_mem>>) src(%dma_wait3A_139 : memref<10000x48xf32, #tpu.memory_space<hbm>>) dst(%arg13 : memref<40x48xf32, #tpu.memory_space<vmem>>)
    %run_scoped3A_140 = arith.constant 245 : i32
    "tpu.region"() ({
      %run_scoped3A_177 = tpu.sem_alloc : memref<!tpu.dma_semaphore, #tpu.memory_space<semaphore_mem>>
      %dma_start3A_178 = arith.constant 0 : i32
      %dma_start3A_179 = tpu.memref_slice %arg7[%run_scoped3A_140, %dma_start3A_178] : memref<250x40xi32, #tpu.memory_space<vmem>> -> memref<1x40xi32, #tpu.memory_space<vmem>>
      %dma_start3A_180 = tpu.memref_squeeze %dma_start3A_179 : memref<1x40xi32, #tpu.memory_space<vmem>> -> memref<40xi32, #tpu.memory_space<vmem>>
      %dma_start3A_181 = arith.constant 0 : i32
      %dma_start3A_182 = arith.constant 0 : i32
      %dma_start3A_183 = tpu.memref_slice %arg20[%dma_start3A_181, %dma_start3A_182] : memref<10000x48xf32, #tpu.memory_space<vmem_shared>> -> memref<10000x48xf32, #tpu.memory_space<vmem_shared>>
      tpu.enqueue_indirect_dma source(%arg13 : memref<40x48xf32, #tpu.memory_space<vmem>>) target(%dma_start3A_183 : memref<10000x48xf32, #tpu.memory_space<vmem_shared>>) offsets(%dma_start3A_180 : memref<40xi32, #tpu.memory_space<vmem>>) semaphore(%run_scoped3A_177 : memref<!tpu.dma_semaphore, #tpu.memory_space<semaphore_mem>>) {add = true}
      %dma_wait3A_184 = arith.constant 0 : i32
      %dma_wait3A_185 = tpu.memref_slice %arg7[%run_scoped3A_140, %dma_wait3A_184] : memref<250x40xi32, #tpu.memory_space<vmem>> -> memref<1x40xi32, #tpu.memory_space<vmem>>
      %dma_wait3A_186 = tpu.memref_squeeze %dma_wait3A_185 : memref<1x40xi32, #tpu.memory_space<vmem>> -> memref<40xi32, #tpu.memory_space<vmem>>
      %dma_wait3A_187 = arith.constant 0 : i32
      %dma_wait3A_188 = arith.constant 0 : i32
      %dma_wait3A_189 = tpu.memref_slice %arg20[%dma_wait3A_187, %dma_wait3A_188] : memref<10000x48xf32, #tpu.memory_space<vmem_shared>> -> memref<10000x48xf32, #tpu.memory_space<vmem_shared>>
      tpu.wait_indirect_dma semaphore(%run_scoped3A_177 : memref<!tpu.dma_semaphore, #tpu.memory_space<semaphore_mem>>) src(%arg13 : memref<40x48xf32, #tpu.memory_space<vmem>>) dst(%dma_wait3A_189 : memref<10000x48xf32, #tpu.memory_space<vmem_shared>>)
      tpu.yield
    }) : () -> ()
    %dma_wait3A_141 = arith.constant 246 : i32
    %dma_wait3A_142 = arith.constant 0 : i32
    %dma_wait3A_143 = tpu.memref_slice %arg6[%dma_wait3A_141, %dma_wait3A_142] : memref<250x40xi32, #tpu.memory_space<vmem>> -> memref<1x40xi32, #tpu.memory_space<vmem>>
    %dma_wait3A_144 = tpu.memref_squeeze %dma_wait3A_143 : memref<1x40xi32, #tpu.memory_space<vmem>> -> memref<40xi32, #tpu.memory_space<vmem>>
    %dma_wait3A_145 = arith.constant 0 : i32
    %dma_wait3A_146 = arith.constant 0 : i32
    %dma_wait3A_147 = tpu.memref_slice %arg2[%dma_wait3A_145, %dma_wait3A_146] : memref<10000x48xf32, #tpu.memory_space<hbm>> -> memref<10000x48xf32, #tpu.memory_space<hbm>>
    tpu.wait_indirect_dma semaphore(%arg27 : memref<!tpu.dma_semaphore, #tpu.memory_space<semaphore_mem>>) src(%dma_wait3A_147 : memref<10000x48xf32, #tpu.memory_space<hbm>>) dst(%arg14 : memref<40x48xf32, #tpu.memory_space<vmem>>)
    %run_scoped3A_148 = arith.constant 246 : i32
    "tpu.region"() ({
      %run_scoped3A_177 = tpu.sem_alloc : memref<!tpu.dma_semaphore, #tpu.memory_space<semaphore_mem>>
      %dma_start3A_178 = arith.constant 0 : i32
      %dma_start3A_179 = tpu.memref_slice %arg7[%run_scoped3A_148, %dma_start3A_178] : memref<250x40xi32, #tpu.memory_space<vmem>> -> memref<1x40xi32, #tpu.memory_space<vmem>>
      %dma_start3A_180 = tpu.memref_squeeze %dma_start3A_179 : memref<1x40xi32, #tpu.memory_space<vmem>> -> memref<40xi32, #tpu.memory_space<vmem>>
      %dma_start3A_181 = arith.constant 0 : i32
      %dma_start3A_182 = arith.constant 0 : i32
      %dma_start3A_183 = tpu.memref_slice %arg20[%dma_start3A_181, %dma_start3A_182] : memref<10000x48xf32, #tpu.memory_space<vmem_shared>> -> memref<10000x48xf32, #tpu.memory_space<vmem_shared>>
      tpu.enqueue_indirect_dma source(%arg14 : memref<40x48xf32, #tpu.memory_space<vmem>>) target(%dma_start3A_183 : memref<10000x48xf32, #tpu.memory_space<vmem_shared>>) offsets(%dma_start3A_180 : memref<40xi32, #tpu.memory_space<vmem>>) semaphore(%run_scoped3A_177 : memref<!tpu.dma_semaphore, #tpu.memory_space<semaphore_mem>>) {add = true}
      %dma_wait3A_184 = arith.constant 0 : i32
      %dma_wait3A_185 = tpu.memref_slice %arg7[%run_scoped3A_148, %dma_wait3A_184] : memref<250x40xi32, #tpu.memory_space<vmem>> -> memref<1x40xi32, #tpu.memory_space<vmem>>
      %dma_wait3A_186 = tpu.memref_squeeze %dma_wait3A_185 : memref<1x40xi32, #tpu.memory_space<vmem>> -> memref<40xi32, #tpu.memory_space<vmem>>
      %dma_wait3A_187 = arith.constant 0 : i32
      %dma_wait3A_188 = arith.constant 0 : i32
      %dma_wait3A_189 = tpu.memref_slice %arg20[%dma_wait3A_187, %dma_wait3A_188] : memref<10000x48xf32, #tpu.memory_space<vmem_shared>> -> memref<10000x48xf32, #tpu.memory_space<vmem_shared>>
      tpu.wait_indirect_dma semaphore(%run_scoped3A_177 : memref<!tpu.dma_semaphore, #tpu.memory_space<semaphore_mem>>) src(%arg14 : memref<40x48xf32, #tpu.memory_space<vmem>>) dst(%dma_wait3A_189 : memref<10000x48xf32, #tpu.memory_space<vmem_shared>>)
      tpu.yield
    }) : () -> ()
    %dma_wait3A_149 = arith.constant 247 : i32
    %dma_wait3A_150 = arith.constant 0 : i32
    %dma_wait3A_151 = tpu.memref_slice %arg6[%dma_wait3A_149, %dma_wait3A_150] : memref<250x40xi32, #tpu.memory_space<vmem>> -> memref<1x40xi32, #tpu.memory_space<vmem>>
    %dma_wait3A_152 = tpu.memref_squeeze %dma_wait3A_151 : memref<1x40xi32, #tpu.memory_space<vmem>> -> memref<40xi32, #tpu.memory_space<vmem>>
    %dma_wait3A_153 = arith.constant 0 : i32
    %dma_wait3A_154 = arith.constant 0 : i32
    %dma_wait3A_155 = tpu.memref_slice %arg2[%dma_wait3A_153, %dma_wait3A_154] : memref<10000x48xf32, #tpu.memory_space<hbm>> -> memref<10000x48xf32, #tpu.memory_space<hbm>>
    tpu.wait_indirect_dma semaphore(%arg28 : memref<!tpu.dma_semaphore, #tpu.memory_space<semaphore_mem>>) src(%dma_wait3A_155 : memref<10000x48xf32, #tpu.memory_space<hbm>>) dst(%arg15 : memref<40x48xf32, #tpu.memory_space<vmem>>)
    %run_scoped3A_156 = arith.constant 247 : i32
    "tpu.region"() ({
      %run_scoped3A_177 = tpu.sem_alloc : memref<!tpu.dma_semaphore, #tpu.memory_space<semaphore_mem>>
      %dma_start3A_178 = arith.constant 0 : i32
      %dma_start3A_179 = tpu.memref_slice %arg7[%run_scoped3A_156, %dma_start3A_178] : memref<250x40xi32, #tpu.memory_space<vmem>> -> memref<1x40xi32, #tpu.memory_space<vmem>>
      %dma_start3A_180 = tpu.memref_squeeze %dma_start3A_179 : memref<1x40xi32, #tpu.memory_space<vmem>> -> memref<40xi32, #tpu.memory_space<vmem>>
      %dma_start3A_181 = arith.constant 0 : i32
      %dma_start3A_182 = arith.constant 0 : i32
      %dma_start3A_183 = tpu.memref_slice %arg20[%dma_start3A_181, %dma_start3A_182] : memref<10000x48xf32, #tpu.memory_space<vmem_shared>> -> memref<10000x48xf32, #tpu.memory_space<vmem_shared>>
      tpu.enqueue_indirect_dma source(%arg15 : memref<40x48xf32, #tpu.memory_space<vmem>>) target(%dma_start3A_183 : memref<10000x48xf32, #tpu.memory_space<vmem_shared>>) offsets(%dma_start3A_180 : memref<40xi32, #tpu.memory_space<vmem>>) semaphore(%run_scoped3A_177 : memref<!tpu.dma_semaphore, #tpu.memory_space<semaphore_mem>>) {add = true}
      %dma_wait3A_184 = arith.constant 0 : i32
      %dma_wait3A_185 = tpu.memref_slice %arg7[%run_scoped3A_156, %dma_wait3A_184] : memref<250x40xi32, #tpu.memory_space<vmem>> -> memref<1x40xi32, #tpu.memory_space<vmem>>
      %dma_wait3A_186 = tpu.memref_squeeze %dma_wait3A_185 : memref<1x40xi32, #tpu.memory_space<vmem>> -> memref<40xi32, #tpu.memory_space<vmem>>
      %dma_wait3A_187 = arith.constant 0 : i32
      %dma_wait3A_188 = arith.constant 0 : i32
      %dma_wait3A_189 = tpu.memref_slice %arg20[%dma_wait3A_187, %dma_wait3A_188] : memref<10000x48xf32, #tpu.memory_space<vmem_shared>> -> memref<10000x48xf32, #tpu.memory_space<vmem_shared>>
      tpu.wait_indirect_dma semaphore(%run_scoped3A_177 : memref<!tpu.dma_semaphore, #tpu.memory_space<semaphore_mem>>) src(%arg15 : memref<40x48xf32, #tpu.memory_space<vmem>>) dst(%dma_wait3A_189 : memref<10000x48xf32, #tpu.memory_space<vmem_shared>>)
      tpu.yield
    }) : () -> ()
    %dma_wait3A_157 = arith.constant 248 : i32
    %dma_wait3A_158 = arith.constant 0 : i32
    %dma_wait3A_159 = tpu.memref_slice %arg6[%dma_wait3A_157, %dma_wait3A_158] : memref<250x40xi32, #tpu.memory_space<vmem>> -> memref<1x40xi32, #tpu.memory_space<vmem>>
    %dma_wait3A_160 = tpu.memref_squeeze %dma_wait3A_159 : memref<1x40xi32, #tpu.memory_space<vmem>> -> memref<40xi32, #tpu.memory_space<vmem>>
    %dma_wait3A_161 = arith.constant 0 : i32
    %dma_wait3A_162 = arith.constant 0 : i32
    %dma_wait3A_163 = tpu.memref_slice %arg2[%dma_wait3A_161, %dma_wait3A_162] : memref<10000x48xf32, #tpu.memory_space<hbm>> -> memref<10000x48xf32, #tpu.memory_space<hbm>>
    tpu.wait_indirect_dma semaphore(%arg29 : memref<!tpu.dma_semaphore, #tpu.memory_space<semaphore_mem>>) src(%dma_wait3A_163 : memref<10000x48xf32, #tpu.memory_space<hbm>>) dst(%arg16 : memref<40x48xf32, #tpu.memory_space<vmem>>)
    %run_scoped3A_164 = arith.constant 248 : i32
    "tpu.region"() ({
      %run_scoped3A_177 = tpu.sem_alloc : memref<!tpu.dma_semaphore, #tpu.memory_space<semaphore_mem>>
      %dma_start3A_178 = arith.constant 0 : i32
      %dma_start3A_179 = tpu.memref_slice %arg7[%run_scoped3A_164, %dma_start3A_178] : memref<250x40xi32, #tpu.memory_space<vmem>> -> memref<1x40xi32, #tpu.memory_space<vmem>>
      %dma_start3A_180 = tpu.memref_squeeze %dma_start3A_179 : memref<1x40xi32, #tpu.memory_space<vmem>> -> memref<40xi32, #tpu.memory_space<vmem>>
      %dma_start3A_181 = arith.constant 0 : i32
      %dma_start3A_182 = arith.constant 0 : i32
      %dma_start3A_183 = tpu.memref_slice %arg20[%dma_start3A_181, %dma_start3A_182] : memref<10000x48xf32, #tpu.memory_space<vmem_shared>> -> memref<10000x48xf32, #tpu.memory_space<vmem_shared>>
      tpu.enqueue_indirect_dma source(%arg16 : memref<40x48xf32, #tpu.memory_space<vmem>>) target(%dma_start3A_183 : memref<10000x48xf32, #tpu.memory_space<vmem_shared>>) offsets(%dma_start3A_180 : memref<40xi32, #tpu.memory_space<vmem>>) semaphore(%run_scoped3A_177 : memref<!tpu.dma_semaphore, #tpu.memory_space<semaphore_mem>>) {add = true}
      %dma_wait3A_184 = arith.constant 0 : i32
      %dma_wait3A_185 = tpu.memref_slice %arg7[%run_scoped3A_164, %dma_wait3A_184] : memref<250x40xi32, #tpu.memory_space<vmem>> -> memref<1x40xi32, #tpu.memory_space<vmem>>
      %dma_wait3A_186 = tpu.memref_squeeze %dma_wait3A_185 : memref<1x40xi32, #tpu.memory_space<vmem>> -> memref<40xi32, #tpu.memory_space<vmem>>
      %dma_wait3A_187 = arith.constant 0 : i32
      %dma_wait3A_188 = arith.constant 0 : i32
      %dma_wait3A_189 = tpu.memref_slice %arg20[%dma_wait3A_187, %dma_wait3A_188] : memref<10000x48xf32, #tpu.memory_space<vmem_shared>> -> memref<10000x48xf32, #tpu.memory_space<vmem_shared>>
      tpu.wait_indirect_dma semaphore(%run_scoped3A_177 : memref<!tpu.dma_semaphore, #tpu.memory_space<semaphore_mem>>) src(%arg16 : memref<40x48xf32, #tpu.memory_space<vmem>>) dst(%dma_wait3A_189 : memref<10000x48xf32, #tpu.memory_space<vmem_shared>>)
      tpu.yield
    }) : () -> ()
    %dma_wait3A_165 = arith.constant 249 : i32
    %dma_wait3A_166 = arith.constant 0 : i32
    %dma_wait3A_167 = tpu.memref_slice %arg6[%dma_wait3A_165, %dma_wait3A_166] : memref<250x40xi32, #tpu.memory_space<vmem>> -> memref<1x40xi32, #tpu.memory_space<vmem>>
    %dma_wait3A_168 = tpu.memref_squeeze %dma_wait3A_167 : memref<1x40xi32, #tpu.memory_space<vmem>> -> memref<40xi32, #tpu.memory_space<vmem>>
    %dma_wait3A_169 = arith.constant 0 : i32
    %dma_wait3A_170 = arith.constant 0 : i32
    %dma_wait3A_171 = tpu.memref_slice %arg2[%dma_wait3A_169, %dma_wait3A_170] : memref<10000x48xf32, #tpu.memory_space<hbm>> -> memref<10000x48xf32, #tpu.memory_space<hbm>>
    tpu.wait_indirect_dma semaphore(%arg30 : memref<!tpu.dma_semaphore, #tpu.memory_space<semaphore_mem>>) src(%dma_wait3A_171 : memref<10000x48xf32, #tpu.memory_space<hbm>>) dst(%arg17 : memref<40x48xf32, #tpu.memory_space<vmem>>)
    %run_scoped3A_172 = arith.constant 249 : i32
    "tpu.region"() ({
      %run_scoped3A_177 = tpu.sem_alloc : memref<!tpu.dma_semaphore, #tpu.memory_space<semaphore_mem>>
      %dma_start3A_178 = arith.constant 0 : i32
      %dma_start3A_179 = tpu.memref_slice %arg7[%run_scoped3A_172, %dma_start3A_178] : memref<250x40xi32, #tpu.memory_space<vmem>> -> memref<1x40xi32, #tpu.memory_space<vmem>>
      %dma_start3A_180 = tpu.memref_squeeze %dma_start3A_179 : memref<1x40xi32, #tpu.memory_space<vmem>> -> memref<40xi32, #tpu.memory_space<vmem>>
      %dma_start3A_181 = arith.constant 0 : i32
      %dma_start3A_182 = arith.constant 0 : i32
      %dma_start3A_183 = tpu.memref_slice %arg20[%dma_start3A_181, %dma_start3A_182] : memref<10000x48xf32, #tpu.memory_space<vmem_shared>> -> memref<10000x48xf32, #tpu.memory_space<vmem_shared>>
      tpu.enqueue_indirect_dma source(%arg17 : memref<40x48xf32, #tpu.memory_space<vmem>>) target(%dma_start3A_183 : memref<10000x48xf32, #tpu.memory_space<vmem_shared>>) offsets(%dma_start3A_180 : memref<40xi32, #tpu.memory_space<vmem>>) semaphore(%run_scoped3A_177 : memref<!tpu.dma_semaphore, #tpu.memory_space<semaphore_mem>>) {add = true}
      %dma_wait3A_184 = arith.constant 0 : i32
      %dma_wait3A_185 = tpu.memref_slice %arg7[%run_scoped3A_172, %dma_wait3A_184] : memref<250x40xi32, #tpu.memory_space<vmem>> -> memref<1x40xi32, #tpu.memory_space<vmem>>
      %dma_wait3A_186 = tpu.memref_squeeze %dma_wait3A_185 : memref<1x40xi32, #tpu.memory_space<vmem>> -> memref<40xi32, #tpu.memory_space<vmem>>
      %dma_wait3A_187 = arith.constant 0 : i32
      %dma_wait3A_188 = arith.constant 0 : i32
      %dma_wait3A_189 = tpu.memref_slice %arg20[%dma_wait3A_187, %dma_wait3A_188] : memref<10000x48xf32, #tpu.memory_space<vmem_shared>> -> memref<10000x48xf32, #tpu.memory_space<vmem_shared>>
      tpu.wait_indirect_dma semaphore(%run_scoped3A_177 : memref<!tpu.dma_semaphore, #tpu.memory_space<semaphore_mem>>) src(%arg17 : memref<40x48xf32, #tpu.memory_space<vmem>>) dst(%dma_wait3A_189 : memref<10000x48xf32, #tpu.memory_space<vmem_shared>>)
      tpu.yield
    }) : () -> ()
    %barrier3A_173 = arith.constant 0 : index
    tpu.barrier barrier_id(%barrier3A_173)
    "tpu.region"() ({
      %run_scoped3A_177 = tpu.sem_alloc : memref<!tpu.dma_semaphore, #tpu.memory_space<semaphore_mem>>
      %dma_start3A_178 = arith.constant 0 : i32
      %dma_start3A_179 = tpu.memref_slice %arg5[%arg0, %mul3A_2, %dma_start3A_178] : memref<2x10000x48xf32, #tpu.memory_space<hbm>> -> memref<1x624x48xf32, #tpu.memory_space<hbm>>
      %dma_start3A_180 = tpu.memref_squeeze %dma_start3A_179 : memref<1x624x48xf32, #tpu.memory_space<hbm>> -> memref<624x48xf32, #tpu.memory_space<hbm>>
      %dma_start3A_181 = arith.constant 0 : i32
      %dma_start3A_182 = tpu.memref_slice %arg20[%mul3A_2, %dma_start3A_181] : memref<10000x48xf32, #tpu.memory_space<vmem_shared>> -> memref<624x48xf32, #tpu.memory_space<vmem_shared>>
      tpu.enqueue_dma source(%dma_start3A_182 : memref<624x48xf32, #tpu.memory_space<vmem_shared>>) target(%dma_start3A_180 : memref<624x48xf32, #tpu.memory_space<hbm>>) target_semaphore(%run_scoped3A_177 : memref<!tpu.dma_semaphore, #tpu.memory_space<semaphore_mem>>)
      %dma_wait3A_183 = arith.constant 0 : i32
      %dma_wait3A_184 = tpu.memref_slice %arg5[%arg0, %mul3A_2, %dma_wait3A_183] : memref<2x10000x48xf32, #tpu.memory_space<hbm>> -> memref<1x624x48xf32, #tpu.memory_space<hbm>>
      %dma_wait3A_185 = tpu.memref_squeeze %dma_wait3A_184 : memref<1x624x48xf32, #tpu.memory_space<hbm>> -> memref<624x48xf32, #tpu.memory_space<hbm>>
      %dma_wait3A_186 = arith.constant 0 : i32
      %dma_wait3A_187 = tpu.memref_slice %arg20[%mul3A_2, %dma_wait3A_186] : memref<10000x48xf32, #tpu.memory_space<vmem_shared>> -> memref<624x48xf32, #tpu.memory_space<vmem_shared>>
      tpu.wait_dma2 semaphore(%run_scoped3A_177 : memref<!tpu.dma_semaphore, #tpu.memory_space<semaphore_mem>>) src(%dma_wait3A_187 : memref<624x48xf32, #tpu.memory_space<vmem_shared>>) dst(%dma_wait3A_185 : memref<624x48xf32, #tpu.memory_space<hbm>>)
      tpu.yield
    }) : () -> ()
    %convert_element_type3A_174 = arith.extui %eq3A_3 : i1 to i32
    %cond3A_175 = arith.constant 0 : i32
    %cond3A_176 = arith.cmpi ne, %convert_element_type3A_174, %cond3A_175 : i32
    scf.if %cond3A_176 {
      "tpu.region"() ({
        %run_scoped3A_177 = tpu.sem_alloc : memref<!tpu.dma_semaphore, #tpu.memory_space<semaphore_mem>>
        %dma_start3A_178 = arith.constant 9984 : i32
        %dma_start3A_179 = arith.constant 0 : i32
        %dma_start3A_180 = tpu.memref_slice %arg5[%arg0, %dma_start3A_178, %dma_start3A_179] : memref<2x10000x48xf32, #tpu.memory_space<hbm>> -> memref<1x16x48xf32, #tpu.memory_space<hbm>>
        %dma_start3A_181 = tpu.memref_squeeze %dma_start3A_180 : memref<1x16x48xf32, #tpu.memory_space<hbm>> -> memref<16x48xf32, #tpu.memory_space<hbm>>
        %dma_start3A_182 = arith.constant 9984 : i32
        %dma_start3A_183 = arith.constant 0 : i32
        %dma_start3A_184 = tpu.memref_slice %arg20[%dma_start3A_182, %dma_start3A_183] : memref<10000x48xf32, #tpu.memory_space<vmem_shared>> -> memref<16x48xf32, #tpu.memory_space<vmem_shared>>
        tpu.enqueue_dma source(%dma_start3A_184 : memref<16x48xf32, #tpu.memory_space<vmem_shared>>) target(%dma_start3A_181 : memref<16x48xf32, #tpu.memory_space<hbm>>) target_semaphore(%run_scoped3A_177 : memref<!tpu.dma_semaphore, #tpu.memory_space<semaphore_mem>>)
        %dma_wait3A_185 = arith.constant 9984 : i32
        %dma_wait3A_186 = arith.constant 0 : i32
        %dma_wait3A_187 = tpu.memref_slice %arg5[%arg0, %dma_wait3A_185, %dma_wait3A_186] : memref<2x10000x48xf32, #tpu.memory_space<hbm>> -> memref<1x16x48xf32, #tpu.memory_space<hbm>>
        %dma_wait3A_188 = tpu.memref_squeeze %dma_wait3A_187 : memref<1x16x48xf32, #tpu.memory_space<hbm>> -> memref<16x48xf32, #tpu.memory_space<hbm>>
        %dma_wait3A_189 = arith.constant 9984 : i32
        %dma_wait3A_190 = arith.constant 0 : i32
        %dma_wait3A_191 = tpu.memref_slice %arg20[%dma_wait3A_189, %dma_wait3A_190] : memref<10000x48xf32, #tpu.memory_space<vmem_shared>> -> memref<16x48xf32, #tpu.memory_space<vmem_shared>>
        tpu.wait_dma2 semaphore(%run_scoped3A_177 : memref<!tpu.dma_semaphore, #tpu.memory_space<semaphore_mem>>) src(%dma_wait3A_191 : memref<16x48xf32, #tpu.memory_space<vmem_shared>>) dst(%dma_wait3A_188 : memref<16x48xf32, #tpu.memory_space<hbm>>)
        tpu.yield
      }) : () -> ()
    } else {
    }
    return
  }
}

#map = affine_map<(d0, d1) -> (0, 0)>
#map1 = affine_map<(d0, d1) -> (0, 0, 0, 0)>
#map2 = affine_map<(d0, d1) -> (0, 0, 0)>
module attributes {stable_mosaic.version = 14 : i64} {
  func.func @body(%arg0: i32, %arg1: i32, %arg2: memref<10000x128xf32, #tpu.memory_space<hbm>>, %arg3: memref<2x32x250x40xi32, #tpu.memory_space<hbm>>, %arg4: memref<10000x128xf32, #tpu.memory_space<hbm>>, %arg5: memref<10000x8xf32, #tpu.memory_space<hbm>>, %arg6: memref<40x8xf32, #tpu.memory_space<hbm>>, %arg7: memref<2x10000x128xf32, #tpu.memory_space<hbm>>, %arg8: memref<2x10000x8xf32, #tpu.memory_space<hbm>>, %arg9: memref<250x40xi32, #tpu.memory_space<vmem>>, %arg10: memref<250x40xi32, #tpu.memory_space<vmem>>, %arg11: memref<40x128xf32, #tpu.memory_space<vmem>>, %arg12: memref<40x128xf32, #tpu.memory_space<vmem>>, %arg13: memref<40x128xf32, #tpu.memory_space<vmem>>, %arg14: memref<40x128xf32, #tpu.memory_space<vmem>>, %arg15: memref<40x128xf32, #tpu.memory_space<vmem>>, %arg16: memref<10000x128xf32, #tpu.memory_space<vmem_shared>>, %arg17: memref<!tpu.dma_semaphore, #tpu.memory_space<semaphore_mem>>, %arg18: memref<!tpu.dma_semaphore, #tpu.memory_space<semaphore_mem>>, %arg19: memref<!tpu.dma_semaphore, #tpu.memory_space<semaphore_mem>>, %arg20: memref<!tpu.dma_semaphore, #tpu.memory_space<semaphore_mem>>, %arg21: memref<!tpu.dma_semaphore, #tpu.memory_space<semaphore_mem>>, %arg22: memref<!tpu.dma_semaphore, #tpu.memory_space<semaphore_mem>>, %arg23: memref<40x8xf32, #tpu.memory_space<vmem>>, %arg24: memref<10000x8xf32, #tpu.memory_space<vmem_shared>>) attributes {dimension_semantics = [#tpu.dimension_semantics<core_parallel>, #tpu.dimension_semantics<subcore_parallel>], iteration_bounds = array<i64: 2, 16>, scalar_prefetch = 0 : i64, scratch_operands = 16 : i64, tpu.core_type = #tpu.core_type<sc_vector_subcore>, window_params = [{transform_indices = #map}, {transform_indices = #map1}, {transform_indices = #map}, {transform_indices = #map}, {transform_indices = #map}, {transform_indices = #map2}, {transform_indices = #map2}]} {
    %mul3A = arith.constant 2 : i32
    %mul3A_0 = arith.muli %arg1, %mul3A : i32
    %add3A = arith.addi %mul3A_0, %arg0 : i32
    %mul3A_1 = arith.constant 624 : i32
    %mul3A_2 = arith.muli %arg1, %mul3A_1 : i32
    %eq3A = arith.constant 15 : i32
    %eq3A_3 = arith.cmpi eq, %arg1, %eq3A : i32
    %run_scoped3A = arith.constant 0 : i32
    "tpu.region"() ({
      %run_scoped3A_52 = tpu.sem_alloc : memref<!tpu.dma_semaphore, #tpu.memory_space<semaphore_mem>>
      %dma_start3A_53 = arith.constant 0 : i32
      %dma_start3A_54 = arith.constant 0 : i32
      %dma_start3A_55 = tpu.memref_slice %arg3[%run_scoped3A, %add3A, %dma_start3A_53, %dma_start3A_54] : memref<2x32x250x40xi32, #tpu.memory_space<hbm>> -> memref<1x1x250x40xi32, #tpu.memory_space<hbm>>
      %dma_start3A_56 = tpu.memref_squeeze %dma_start3A_55 : memref<1x1x250x40xi32, #tpu.memory_space<hbm>> -> memref<250x40xi32, #tpu.memory_space<hbm>>
      %dma_start3A_57 = arith.constant 0 : i32
      %dma_start3A_58 = arith.constant 0 : i32
      %dma_start3A_59 = tpu.memref_slice %arg3[%run_scoped3A, %add3A, %dma_start3A_57, %dma_start3A_58] : memref<2x32x250x40xi32, #tpu.memory_space<hbm>> -> memref<1x1x250x40xi32, #tpu.memory_space<hbm>>
      %dma_start3A_60 = tpu.memref_squeeze %dma_start3A_59 : memref<1x1x250x40xi32, #tpu.memory_space<hbm>> -> memref<250x40xi32, #tpu.memory_space<hbm>>
      tpu.enqueue_dma source(%dma_start3A_60 : memref<250x40xi32, #tpu.memory_space<hbm>>) target(%arg9 : memref<250x40xi32, #tpu.memory_space<vmem>>) target_semaphore(%run_scoped3A_52 : memref<!tpu.dma_semaphore, #tpu.memory_space<semaphore_mem>>)
      %dma_wait3A = arith.constant 0 : i32
      %dma_wait3A_61 = arith.constant 0 : i32
      %dma_wait3A_62 = tpu.memref_slice %arg3[%run_scoped3A, %add3A, %dma_wait3A, %dma_wait3A_61] : memref<2x32x250x40xi32, #tpu.memory_space<hbm>> -> memref<1x1x250x40xi32, #tpu.memory_space<hbm>>
      %dma_wait3A_63 = tpu.memref_squeeze %dma_wait3A_62 : memref<1x1x250x40xi32, #tpu.memory_space<hbm>> -> memref<250x40xi32, #tpu.memory_space<hbm>>
      %dma_wait3A_64 = arith.constant 0 : i32
      %dma_wait3A_65 = arith.constant 0 : i32
      %dma_wait3A_66 = tpu.memref_slice %arg3[%run_scoped3A, %add3A, %dma_wait3A_64, %dma_wait3A_65] : memref<2x32x250x40xi32, #tpu.memory_space<hbm>> -> memref<1x1x250x40xi32, #tpu.memory_space<hbm>>
      %dma_wait3A_67 = tpu.memref_squeeze %dma_wait3A_66 : memref<1x1x250x40xi32, #tpu.memory_space<hbm>> -> memref<250x40xi32, #tpu.memory_space<hbm>>
      tpu.wait_dma2 semaphore(%run_scoped3A_52 : memref<!tpu.dma_semaphore, #tpu.memory_space<semaphore_mem>>) src(%dma_wait3A_67 : memref<250x40xi32, #tpu.memory_space<hbm>>) dst(%arg9 : memref<250x40xi32, #tpu.memory_space<vmem>>)
      tpu.yield
    }) : () -> ()
    %run_scoped3A_4 = arith.constant 1 : i32
    "tpu.region"() ({
      %run_scoped3A_52 = tpu.sem_alloc : memref<!tpu.dma_semaphore, #tpu.memory_space<semaphore_mem>>
      %dma_start3A_53 = arith.constant 0 : i32
      %dma_start3A_54 = arith.constant 0 : i32
      %dma_start3A_55 = tpu.memref_slice %arg3[%run_scoped3A_4, %add3A, %dma_start3A_53, %dma_start3A_54] : memref<2x32x250x40xi32, #tpu.memory_space<hbm>> -> memref<1x1x250x40xi32, #tpu.memory_space<hbm>>
      %dma_start3A_56 = tpu.memref_squeeze %dma_start3A_55 : memref<1x1x250x40xi32, #tpu.memory_space<hbm>> -> memref<250x40xi32, #tpu.memory_space<hbm>>
      %dma_start3A_57 = arith.constant 0 : i32
      %dma_start3A_58 = arith.constant 0 : i32
      %dma_start3A_59 = tpu.memref_slice %arg3[%run_scoped3A_4, %add3A, %dma_start3A_57, %dma_start3A_58] : memref<2x32x250x40xi32, #tpu.memory_space<hbm>> -> memref<1x1x250x40xi32, #tpu.memory_space<hbm>>
      %dma_start3A_60 = tpu.memref_squeeze %dma_start3A_59 : memref<1x1x250x40xi32, #tpu.memory_space<hbm>> -> memref<250x40xi32, #tpu.memory_space<hbm>>
      tpu.enqueue_dma source(%dma_start3A_60 : memref<250x40xi32, #tpu.memory_space<hbm>>) target(%arg10 : memref<250x40xi32, #tpu.memory_space<vmem>>) target_semaphore(%run_scoped3A_52 : memref<!tpu.dma_semaphore, #tpu.memory_space<semaphore_mem>>)
      %dma_wait3A = arith.constant 0 : i32
      %dma_wait3A_61 = arith.constant 0 : i32
      %dma_wait3A_62 = tpu.memref_slice %arg3[%run_scoped3A_4, %add3A, %dma_wait3A, %dma_wait3A_61] : memref<2x32x250x40xi32, #tpu.memory_space<hbm>> -> memref<1x1x250x40xi32, #tpu.memory_space<hbm>>
      %dma_wait3A_63 = tpu.memref_squeeze %dma_wait3A_62 : memref<1x1x250x40xi32, #tpu.memory_space<hbm>> -> memref<250x40xi32, #tpu.memory_space<hbm>>
      %dma_wait3A_64 = arith.constant 0 : i32
      %dma_wait3A_65 = arith.constant 0 : i32
      %dma_wait3A_66 = tpu.memref_slice %arg3[%run_scoped3A_4, %add3A, %dma_wait3A_64, %dma_wait3A_65] : memref<2x32x250x40xi32, #tpu.memory_space<hbm>> -> memref<1x1x250x40xi32, #tpu.memory_space<hbm>>
      %dma_wait3A_67 = tpu.memref_squeeze %dma_wait3A_66 : memref<1x1x250x40xi32, #tpu.memory_space<hbm>> -> memref<250x40xi32, #tpu.memory_space<hbm>>
      tpu.wait_dma2 semaphore(%run_scoped3A_52 : memref<!tpu.dma_semaphore, #tpu.memory_space<semaphore_mem>>) src(%dma_wait3A_67 : memref<250x40xi32, #tpu.memory_space<hbm>>) dst(%arg10 : memref<250x40xi32, #tpu.memory_space<vmem>>)
      tpu.yield
    }) : () -> ()
    "tpu.region"() ({
      %run_scoped3A_52 = tpu.sem_alloc : memref<!tpu.dma_semaphore, #tpu.memory_space<semaphore_mem>>
      tpu.enqueue_dma source(%arg6 : memref<40x8xf32, #tpu.memory_space<hbm>>) target(%arg23 : memref<40x8xf32, #tpu.memory_space<vmem>>) target_semaphore(%run_scoped3A_52 : memref<!tpu.dma_semaphore, #tpu.memory_space<semaphore_mem>>)
      tpu.wait_dma2 semaphore(%run_scoped3A_52 : memref<!tpu.dma_semaphore, #tpu.memory_space<semaphore_mem>>) src(%arg6 : memref<40x8xf32, #tpu.memory_space<hbm>>) dst(%arg23 : memref<40x8xf32, #tpu.memory_space<vmem>>)
      tpu.yield
    }) : () -> ()
    "tpu.region"() ({
      %run_scoped3A_52 = tpu.sem_alloc : memref<!tpu.dma_semaphore, #tpu.memory_space<semaphore_mem>>
      %dma_start3A_53 = arith.constant 0 : i32
      %dma_start3A_54 = tpu.memref_slice %arg24[%mul3A_2, %dma_start3A_53] : memref<10000x8xf32, #tpu.memory_space<vmem_shared>> -> memref<624x8xf32, #tpu.memory_space<vmem_shared>>
      %dma_start3A_55 = arith.constant 0 : i32
      %dma_start3A_56 = tpu.memref_slice %arg5[%mul3A_2, %dma_start3A_55] : memref<10000x8xf32, #tpu.memory_space<hbm>> -> memref<624x8xf32, #tpu.memory_space<hbm>>
      tpu.enqueue_dma source(%dma_start3A_56 : memref<624x8xf32, #tpu.memory_space<hbm>>) target(%dma_start3A_54 : memref<624x8xf32, #tpu.memory_space<vmem_shared>>) target_semaphore(%run_scoped3A_52 : memref<!tpu.dma_semaphore, #tpu.memory_space<semaphore_mem>>)
      %dma_wait3A = arith.constant 0 : i32
      %dma_wait3A_57 = tpu.memref_slice %arg24[%mul3A_2, %dma_wait3A] : memref<10000x8xf32, #tpu.memory_space<vmem_shared>> -> memref<624x8xf32, #tpu.memory_space<vmem_shared>>
      %dma_wait3A_58 = arith.constant 0 : i32
      %dma_wait3A_59 = tpu.memref_slice %arg5[%mul3A_2, %dma_wait3A_58] : memref<10000x8xf32, #tpu.memory_space<hbm>> -> memref<624x8xf32, #tpu.memory_space<hbm>>
      tpu.wait_dma2 semaphore(%run_scoped3A_52 : memref<!tpu.dma_semaphore, #tpu.memory_space<semaphore_mem>>) src(%dma_wait3A_59 : memref<624x8xf32, #tpu.memory_space<hbm>>) dst(%dma_wait3A_57 : memref<624x8xf32, #tpu.memory_space<vmem_shared>>)
      tpu.yield
    }) : () -> ()
    %convert_element_type3A = arith.extui %eq3A_3 : i1 to i32
    %cond3A = arith.constant 0 : i32
    %cond3A_5 = arith.cmpi ne, %convert_element_type3A, %cond3A : i32
    scf.if %cond3A_5 {
      "tpu.region"() ({
        %run_scoped3A_52 = tpu.sem_alloc : memref<!tpu.dma_semaphore, #tpu.memory_space<semaphore_mem>>
        %dma_start3A_53 = arith.constant 9984 : i32
        %dma_start3A_54 = arith.constant 0 : i32
        %dma_start3A_55 = tpu.memref_slice %arg24[%dma_start3A_53, %dma_start3A_54] : memref<10000x8xf32, #tpu.memory_space<vmem_shared>> -> memref<16x8xf32, #tpu.memory_space<vmem_shared>>
        %dma_start3A_56 = arith.constant 9984 : i32
        %dma_start3A_57 = arith.constant 0 : i32
        %dma_start3A_58 = tpu.memref_slice %arg5[%dma_start3A_56, %dma_start3A_57] : memref<10000x8xf32, #tpu.memory_space<hbm>> -> memref<16x8xf32, #tpu.memory_space<hbm>>
        tpu.enqueue_dma source(%dma_start3A_58 : memref<16x8xf32, #tpu.memory_space<hbm>>) target(%dma_start3A_55 : memref<16x8xf32, #tpu.memory_space<vmem_shared>>) target_semaphore(%run_scoped3A_52 : memref<!tpu.dma_semaphore, #tpu.memory_space<semaphore_mem>>)
        %dma_wait3A = arith.constant 9984 : i32
        %dma_wait3A_59 = arith.constant 0 : i32
        %dma_wait3A_60 = tpu.memref_slice %arg24[%dma_wait3A, %dma_wait3A_59] : memref<10000x8xf32, #tpu.memory_space<vmem_shared>> -> memref<16x8xf32, #tpu.memory_space<vmem_shared>>
        %dma_wait3A_61 = arith.constant 9984 : i32
        %dma_wait3A_62 = arith.constant 0 : i32
        %dma_wait3A_63 = tpu.memref_slice %arg5[%dma_wait3A_61, %dma_wait3A_62] : memref<10000x8xf32, #tpu.memory_space<hbm>> -> memref<16x8xf32, #tpu.memory_space<hbm>>
        tpu.wait_dma2 semaphore(%run_scoped3A_52 : memref<!tpu.dma_semaphore, #tpu.memory_space<semaphore_mem>>) src(%dma_wait3A_63 : memref<16x8xf32, #tpu.memory_space<hbm>>) dst(%dma_wait3A_60 : memref<16x8xf32, #tpu.memory_space<vmem_shared>>)
        tpu.yield
      }) : () -> ()
    } else {
    }
    "tpu.region"() ({
      %run_scoped3A_52 = tpu.sem_alloc : memref<!tpu.dma_semaphore, #tpu.memory_space<semaphore_mem>>
      %dma_start3A_53 = arith.constant 0 : i32
      %dma_start3A_54 = tpu.memref_slice %arg16[%mul3A_2, %dma_start3A_53] : memref<10000x128xf32, #tpu.memory_space<vmem_shared>> -> memref<624x128xf32, #tpu.memory_space<vmem_shared>>
      %dma_start3A_55 = arith.constant 0 : i32
      %dma_start3A_56 = tpu.memref_slice %arg4[%mul3A_2, %dma_start3A_55] : memref<10000x128xf32, #tpu.memory_space<hbm>> -> memref<624x128xf32, #tpu.memory_space<hbm>>
      tpu.enqueue_dma source(%dma_start3A_56 : memref<624x128xf32, #tpu.memory_space<hbm>>) target(%dma_start3A_54 : memref<624x128xf32, #tpu.memory_space<vmem_shared>>) target_semaphore(%run_scoped3A_52 : memref<!tpu.dma_semaphore, #tpu.memory_space<semaphore_mem>>)
      %dma_wait3A = arith.constant 0 : i32
      %dma_wait3A_57 = tpu.memref_slice %arg16[%mul3A_2, %dma_wait3A] : memref<10000x128xf32, #tpu.memory_space<vmem_shared>> -> memref<624x128xf32, #tpu.memory_space<vmem_shared>>
      %dma_wait3A_58 = arith.constant 0 : i32
      %dma_wait3A_59 = tpu.memref_slice %arg4[%mul3A_2, %dma_wait3A_58] : memref<10000x128xf32, #tpu.memory_space<hbm>> -> memref<624x128xf32, #tpu.memory_space<hbm>>
      tpu.wait_dma2 semaphore(%run_scoped3A_52 : memref<!tpu.dma_semaphore, #tpu.memory_space<semaphore_mem>>) src(%dma_wait3A_59 : memref<624x128xf32, #tpu.memory_space<hbm>>) dst(%dma_wait3A_57 : memref<624x128xf32, #tpu.memory_space<vmem_shared>>)
      tpu.yield
    }) : () -> ()
    %convert_element_type3A_6 = arith.extui %eq3A_3 : i1 to i32
    %cond3A_7 = arith.constant 0 : i32
    %cond3A_8 = arith.cmpi ne, %convert_element_type3A_6, %cond3A_7 : i32
    scf.if %cond3A_8 {
      "tpu.region"() ({
        %run_scoped3A_52 = tpu.sem_alloc : memref<!tpu.dma_semaphore, #tpu.memory_space<semaphore_mem>>
        %dma_start3A_53 = arith.constant 9984 : i32
        %dma_start3A_54 = arith.constant 0 : i32
        %dma_start3A_55 = tpu.memref_slice %arg16[%dma_start3A_53, %dma_start3A_54] : memref<10000x128xf32, #tpu.memory_space<vmem_shared>> -> memref<16x128xf32, #tpu.memory_space<vmem_shared>>
        %dma_start3A_56 = arith.constant 9984 : i32
        %dma_start3A_57 = arith.constant 0 : i32
        %dma_start3A_58 = tpu.memref_slice %arg4[%dma_start3A_56, %dma_start3A_57] : memref<10000x128xf32, #tpu.memory_space<hbm>> -> memref<16x128xf32, #tpu.memory_space<hbm>>
        tpu.enqueue_dma source(%dma_start3A_58 : memref<16x128xf32, #tpu.memory_space<hbm>>) target(%dma_start3A_55 : memref<16x128xf32, #tpu.memory_space<vmem_shared>>) target_semaphore(%run_scoped3A_52 : memref<!tpu.dma_semaphore, #tpu.memory_space<semaphore_mem>>)
        %dma_wait3A = arith.constant 9984 : i32
        %dma_wait3A_59 = arith.constant 0 : i32
        %dma_wait3A_60 = tpu.memref_slice %arg16[%dma_wait3A, %dma_wait3A_59] : memref<10000x128xf32, #tpu.memory_space<vmem_shared>> -> memref<16x128xf32, #tpu.memory_space<vmem_shared>>
        %dma_wait3A_61 = arith.constant 9984 : i32
        %dma_wait3A_62 = arith.constant 0 : i32
        %dma_wait3A_63 = tpu.memref_slice %arg4[%dma_wait3A_61, %dma_wait3A_62] : memref<10000x128xf32, #tpu.memory_space<hbm>> -> memref<16x128xf32, #tpu.memory_space<hbm>>
        tpu.wait_dma2 semaphore(%run_scoped3A_52 : memref<!tpu.dma_semaphore, #tpu.memory_space<semaphore_mem>>) src(%dma_wait3A_63 : memref<16x128xf32, #tpu.memory_space<hbm>>) dst(%dma_wait3A_60 : memref<16x128xf32, #tpu.memory_space<vmem_shared>>)
        tpu.yield
      }) : () -> ()
    } else {
    }
    %barrier3A = arith.constant 0 : index
    tpu.barrier barrier_id(%barrier3A)
    %dma_start3A = arith.constant 0 : i32
    %dma_start3A_9 = arith.constant 0 : i32
    %dma_start3A_10 = tpu.memref_slice %arg9[%dma_start3A, %dma_start3A_9] : memref<250x40xi32, #tpu.memory_space<vmem>> -> memref<1x40xi32, #tpu.memory_space<vmem>>
    %dma_start3A_11 = tpu.memref_squeeze %dma_start3A_10 : memref<1x40xi32, #tpu.memory_space<vmem>> -> memref<40xi32, #tpu.memory_space<vmem>>
    %dma_start3A_12 = arith.constant 0 : i32
    %dma_start3A_13 = arith.constant 0 : i32
    %dma_start3A_14 = tpu.memref_slice %arg2[%dma_start3A_12, %dma_start3A_13] : memref<10000x128xf32, #tpu.memory_space<hbm>> -> memref<10000x128xf32, #tpu.memory_space<hbm>>
    tpu.enqueue_indirect_dma source(%dma_start3A_14 : memref<10000x128xf32, #tpu.memory_space<hbm>>) target(%arg11 : memref<40x128xf32, #tpu.memory_space<vmem>>) offsets(%dma_start3A_11 : memref<40xi32, #tpu.memory_space<vmem>>) semaphore(%arg17 : memref<!tpu.dma_semaphore, #tpu.memory_space<semaphore_mem>>)
    %dma_start3A_15 = arith.constant 1 : i32
    %dma_start3A_16 = arith.constant 0 : i32
    %dma_start3A_17 = tpu.memref_slice %arg9[%dma_start3A_15, %dma_start3A_16] : memref<250x40xi32, #tpu.memory_space<vmem>> -> memref<1x40xi32, #tpu.memory_space<vmem>>
    %dma_start3A_18 = tpu.memref_squeeze %dma_start3A_17 : memref<1x40xi32, #tpu.memory_space<vmem>> -> memref<40xi32, #tpu.memory_space<vmem>>
    %dma_start3A_19 = arith.constant 0 : i32
    %dma_start3A_20 = arith.constant 0 : i32
    %dma_start3A_21 = tpu.memref_slice %arg2[%dma_start3A_19, %dma_start3A_20] : memref<10000x128xf32, #tpu.memory_space<hbm>> -> memref<10000x128xf32, #tpu.memory_space<hbm>>
    tpu.enqueue_indirect_dma source(%dma_start3A_21 : memref<10000x128xf32, #tpu.memory_space<hbm>>) target(%arg12 : memref<40x128xf32, #tpu.memory_space<vmem>>) offsets(%dma_start3A_18 : memref<40xi32, #tpu.memory_space<vmem>>) semaphore(%arg18 : memref<!tpu.dma_semaphore, #tpu.memory_space<semaphore_mem>>)
    %dma_start3A_22 = arith.constant 2 : i32
    %dma_start3A_23 = arith.constant 0 : i32
    %dma_start3A_24 = tpu.memref_slice %arg9[%dma_start3A_22, %dma_start3A_23] : memref<250x40xi32, #tpu.memory_space<vmem>> -> memref<1x40xi32, #tpu.memory_space<vmem>>
    %dma_start3A_25 = tpu.memref_squeeze %dma_start3A_24 : memref<1x40xi32, #tpu.memory_space<vmem>> -> memref<40xi32, #tpu.memory_space<vmem>>
    %dma_start3A_26 = arith.constant 0 : i32
    %dma_start3A_27 = arith.constant 0 : i32
    %dma_start3A_28 = tpu.memref_slice %arg2[%dma_start3A_26, %dma_start3A_27] : memref<10000x128xf32, #tpu.memory_space<hbm>> -> memref<10000x128xf32, #tpu.memory_space<hbm>>
    tpu.enqueue_indirect_dma source(%dma_start3A_28 : memref<10000x128xf32, #tpu.memory_space<hbm>>) target(%arg13 : memref<40x128xf32, #tpu.memory_space<vmem>>) offsets(%dma_start3A_25 : memref<40xi32, #tpu.memory_space<vmem>>) semaphore(%arg19 : memref<!tpu.dma_semaphore, #tpu.memory_space<semaphore_mem>>)
    %dma_start3A_29 = arith.constant 3 : i32
    %dma_start3A_30 = arith.constant 0 : i32
    %dma_start3A_31 = tpu.memref_slice %arg9[%dma_start3A_29, %dma_start3A_30] : memref<250x40xi32, #tpu.memory_space<vmem>> -> memref<1x40xi32, #tpu.memory_space<vmem>>
    %dma_start3A_32 = tpu.memref_squeeze %dma_start3A_31 : memref<1x40xi32, #tpu.memory_space<vmem>> -> memref<40xi32, #tpu.memory_space<vmem>>
    %dma_start3A_33 = arith.constant 0 : i32
    %dma_start3A_34 = arith.constant 0 : i32
    %dma_start3A_35 = tpu.memref_slice %arg2[%dma_start3A_33, %dma_start3A_34] : memref<10000x128xf32, #tpu.memory_space<hbm>> -> memref<10000x128xf32, #tpu.memory_space<hbm>>
    tpu.enqueue_indirect_dma source(%dma_start3A_35 : memref<10000x128xf32, #tpu.memory_space<hbm>>) target(%arg14 : memref<40x128xf32, #tpu.memory_space<vmem>>) offsets(%dma_start3A_32 : memref<40xi32, #tpu.memory_space<vmem>>) semaphore(%arg20 : memref<!tpu.dma_semaphore, #tpu.memory_space<semaphore_mem>>)
    %dma_start3A_36 = arith.constant 4 : i32
    %dma_start3A_37 = arith.constant 0 : i32
    %dma_start3A_38 = tpu.memref_slice %arg9[%dma_start3A_36, %dma_start3A_37] : memref<250x40xi32, #tpu.memory_space<vmem>> -> memref<1x40xi32, #tpu.memory_space<vmem>>
    %dma_start3A_39 = tpu.memref_squeeze %dma_start3A_38 : memref<1x40xi32, #tpu.memory_space<vmem>> -> memref<40xi32, #tpu.memory_space<vmem>>
    %dma_start3A_40 = arith.constant 0 : i32
    %dma_start3A_41 = arith.constant 0 : i32
    %dma_start3A_42 = tpu.memref_slice %arg2[%dma_start3A_40, %dma_start3A_41] : memref<10000x128xf32, #tpu.memory_space<hbm>> -> memref<10000x128xf32, #tpu.memory_space<hbm>>
    tpu.enqueue_indirect_dma source(%dma_start3A_42 : memref<10000x128xf32, #tpu.memory_space<hbm>>) target(%arg15 : memref<40x128xf32, #tpu.memory_space<vmem>>) offsets(%dma_start3A_39 : memref<40xi32, #tpu.memory_space<vmem>>) semaphore(%arg21 : memref<!tpu.dma_semaphore, #tpu.memory_space<semaphore_mem>>)
    %scan3A = arith.constant 0 : i32
    %scan3A_43 = arith.constant 0 : i32
    %scan3A_44 = arith.constant 50 : i32
    %scan3A_45 = arith.addi %scan3A_43, %scan3A_44 : i32
    %scan3A_46 = arith.constant 1 : i32
    scf.for %scan3A_52 = %scan3A_43 to %scan3A_45 step %scan3A_46  : i32 {
      %mul3A_53 = arith.constant 5 : i32
      %mul3A_54 = arith.muli %scan3A_52, %mul3A_53 : i32
      %add3A_55 = arith.constant 0 : i32
      %add3A_56 = arith.addi %mul3A_54, %add3A_55 : i32
      %dma_wait3A = arith.constant 0 : i32
      %dma_wait3A_57 = tpu.memref_slice %arg9[%add3A_56, %dma_wait3A] : memref<250x40xi32, #tpu.memory_space<vmem>> -> memref<1x40xi32, #tpu.memory_space<vmem>>
      %dma_wait3A_58 = tpu.memref_squeeze %dma_wait3A_57 : memref<1x40xi32, #tpu.memory_space<vmem>> -> memref<40xi32, #tpu.memory_space<vmem>>
      %dma_wait3A_59 = arith.constant 0 : i32
      %dma_wait3A_60 = arith.constant 0 : i32
      %dma_wait3A_61 = tpu.memref_slice %arg2[%dma_wait3A_59, %dma_wait3A_60] : memref<10000x128xf32, #tpu.memory_space<hbm>> -> memref<10000x128xf32, #tpu.memory_space<hbm>>
      tpu.wait_indirect_dma semaphore(%arg17 : memref<!tpu.dma_semaphore, #tpu.memory_space<semaphore_mem>>) src(%dma_wait3A_61 : memref<10000x128xf32, #tpu.memory_space<hbm>>) dst(%arg11 : memref<40x128xf32, #tpu.memory_space<vmem>>)
      "tpu.region"() ({
        %run_scoped3A_196 = tpu.sem_alloc : memref<!tpu.dma_semaphore, #tpu.memory_space<semaphore_mem>>
        %dma_start3A_197 = arith.constant 0 : i32
        %dma_start3A_198 = tpu.memref_slice %arg10[%add3A_56, %dma_start3A_197] : memref<250x40xi32, #tpu.memory_space<vmem>> -> memref<1x40xi32, #tpu.memory_space<vmem>>
        %dma_start3A_199 = tpu.memref_squeeze %dma_start3A_198 : memref<1x40xi32, #tpu.memory_space<vmem>> -> memref<40xi32, #tpu.memory_space<vmem>>
        %dma_start3A_200 = arith.constant 0 : i32
        %dma_start3A_201 = arith.constant 0 : i32
        %dma_start3A_202 = tpu.memref_slice %arg16[%dma_start3A_200, %dma_start3A_201] : memref<10000x128xf32, #tpu.memory_space<vmem_shared>> -> memref<10000x128xf32, #tpu.memory_space<vmem_shared>>
        tpu.enqueue_indirect_dma source(%arg11 : memref<40x128xf32, #tpu.memory_space<vmem>>) target(%dma_start3A_202 : memref<10000x128xf32, #tpu.memory_space<vmem_shared>>) offsets(%dma_start3A_199 : memref<40xi32, #tpu.memory_space<vmem>>) semaphore(%run_scoped3A_196 : memref<!tpu.dma_semaphore, #tpu.memory_space<semaphore_mem>>) {add = true}
        %dma_wait3A_203 = arith.constant 0 : i32
        %dma_wait3A_204 = tpu.memref_slice %arg10[%add3A_56, %dma_wait3A_203] : memref<250x40xi32, #tpu.memory_space<vmem>> -> memref<1x40xi32, #tpu.memory_space<vmem>>
        %dma_wait3A_205 = tpu.memref_squeeze %dma_wait3A_204 : memref<1x40xi32, #tpu.memory_space<vmem>> -> memref<40xi32, #tpu.memory_space<vmem>>
        %dma_wait3A_206 = arith.constant 0 : i32
        %dma_wait3A_207 = arith.constant 0 : i32
        %dma_wait3A_208 = tpu.memref_slice %arg16[%dma_wait3A_206, %dma_wait3A_207] : memref<10000x128xf32, #tpu.memory_space<vmem_shared>> -> memref<10000x128xf32, #tpu.memory_space<vmem_shared>>
        tpu.wait_indirect_dma semaphore(%run_scoped3A_196 : memref<!tpu.dma_semaphore, #tpu.memory_space<semaphore_mem>>) src(%arg11 : memref<40x128xf32, #tpu.memory_space<vmem>>) dst(%dma_wait3A_208 : memref<10000x128xf32, #tpu.memory_space<vmem_shared>>)
        tpu.yield
      }) : () -> ()
      %dma_start3A_62 = arith.constant 0 : i32
      %dma_start3A_63 = tpu.memref_slice %arg10[%add3A_56, %dma_start3A_62] : memref<250x40xi32, #tpu.memory_space<vmem>> -> memref<1x40xi32, #tpu.memory_space<vmem>>
      %dma_start3A_64 = tpu.memref_squeeze %dma_start3A_63 : memref<1x40xi32, #tpu.memory_space<vmem>> -> memref<40xi32, #tpu.memory_space<vmem>>
      %dma_start3A_65 = arith.constant 0 : i32
      %dma_start3A_66 = arith.constant 0 : i32
      %dma_start3A_67 = tpu.memref_slice %arg24[%dma_start3A_65, %dma_start3A_66] : memref<10000x8xf32, #tpu.memory_space<vmem_shared>> -> memref<10000x8xf32, #tpu.memory_space<vmem_shared>>
      tpu.enqueue_indirect_dma source(%arg23 : memref<40x8xf32, #tpu.memory_space<vmem>>) target(%dma_start3A_67 : memref<10000x8xf32, #tpu.memory_space<vmem_shared>>) offsets(%dma_start3A_64 : memref<40xi32, #tpu.memory_space<vmem>>) semaphore(%arg22 : memref<!tpu.dma_semaphore, #tpu.memory_space<semaphore_mem>>) {add = true}
      %add3A_68 = arith.constant 5 : i32
      %add3A_69 = arith.addi %add3A_56, %add3A_68 : i32
      %lt3A = arith.constant 250 : i32
      %lt3A_70 = arith.cmpi slt, %add3A_69, %lt3A : i32
      %convert_element_type3A_71 = arith.extui %lt3A_70 : i1 to i32
      %cond3A_72 = arith.constant 0 : i32
      %cond3A_73 = arith.cmpi ne, %convert_element_type3A_71, %cond3A_72 : i32
      scf.if %cond3A_73 {
        %add3A_196 = arith.constant 5 : i32
        %add3A_197 = arith.addi %add3A_56, %add3A_196 : i32
        %dma_start3A_198 = arith.constant 0 : i32
        %dma_start3A_199 = tpu.memref_slice %arg9[%add3A_197, %dma_start3A_198] : memref<250x40xi32, #tpu.memory_space<vmem>> -> memref<1x40xi32, #tpu.memory_space<vmem>>
        %dma_start3A_200 = tpu.memref_squeeze %dma_start3A_199 : memref<1x40xi32, #tpu.memory_space<vmem>> -> memref<40xi32, #tpu.memory_space<vmem>>
        %dma_start3A_201 = arith.constant 0 : i32
        %dma_start3A_202 = arith.constant 0 : i32
        %dma_start3A_203 = tpu.memref_slice %arg2[%dma_start3A_201, %dma_start3A_202] : memref<10000x128xf32, #tpu.memory_space<hbm>> -> memref<10000x128xf32, #tpu.memory_space<hbm>>
        tpu.enqueue_indirect_dma source(%dma_start3A_203 : memref<10000x128xf32, #tpu.memory_space<hbm>>) target(%arg11 : memref<40x128xf32, #tpu.memory_space<vmem>>) offsets(%dma_start3A_200 : memref<40xi32, #tpu.memory_space<vmem>>) semaphore(%arg17 : memref<!tpu.dma_semaphore, #tpu.memory_space<semaphore_mem>>)
      } else {
      }
      %dma_wait3A_74 = arith.constant 0 : i32
      %dma_wait3A_75 = tpu.memref_slice %arg10[%add3A_56, %dma_wait3A_74] : memref<250x40xi32, #tpu.memory_space<vmem>> -> memref<1x40xi32, #tpu.memory_space<vmem>>
      %dma_wait3A_76 = tpu.memref_squeeze %dma_wait3A_75 : memref<1x40xi32, #tpu.memory_space<vmem>> -> memref<40xi32, #tpu.memory_space<vmem>>
      %dma_wait3A_77 = arith.constant 0 : i32
      %dma_wait3A_78 = arith.constant 0 : i32
      %dma_wait3A_79 = tpu.memref_slice %arg24[%dma_wait3A_77, %dma_wait3A_78] : memref<10000x8xf32, #tpu.memory_space<vmem_shared>> -> memref<10000x8xf32, #tpu.memory_space<vmem_shared>>
      tpu.wait_indirect_dma semaphore(%arg22 : memref<!tpu.dma_semaphore, #tpu.memory_space<semaphore_mem>>) src(%arg23 : memref<40x8xf32, #tpu.memory_space<vmem>>) dst(%dma_wait3A_79 : memref<10000x8xf32, #tpu.memory_space<vmem_shared>>)
      %mul3A_80 = arith.constant 5 : i32
      %mul3A_81 = arith.muli %scan3A_52, %mul3A_80 : i32
      %add3A_82 = arith.constant 1 : i32
      %add3A_83 = arith.addi %mul3A_81, %add3A_82 : i32
      %dma_wait3A_84 = arith.constant 0 : i32
      %dma_wait3A_85 = tpu.memref_slice %arg9[%add3A_83, %dma_wait3A_84] : memref<250x40xi32, #tpu.memory_space<vmem>> -> memref<1x40xi32, #tpu.memory_space<vmem>>
      %dma_wait3A_86 = tpu.memref_squeeze %dma_wait3A_85 : memref<1x40xi32, #tpu.memory_space<vmem>> -> memref<40xi32, #tpu.memory_space<vmem>>
      %dma_wait3A_87 = arith.constant 0 : i32
      %dma_wait3A_88 = arith.constant 0 : i32
      %dma_wait3A_89 = tpu.memref_slice %arg2[%dma_wait3A_87, %dma_wait3A_88] : memref<10000x128xf32, #tpu.memory_space<hbm>> -> memref<10000x128xf32, #tpu.memory_space<hbm>>
      tpu.wait_indirect_dma semaphore(%arg18 : memref<!tpu.dma_semaphore, #tpu.memory_space<semaphore_mem>>) src(%dma_wait3A_89 : memref<10000x128xf32, #tpu.memory_space<hbm>>) dst(%arg12 : memref<40x128xf32, #tpu.memory_space<vmem>>)
      "tpu.region"() ({
        %run_scoped3A_196 = tpu.sem_alloc : memref<!tpu.dma_semaphore, #tpu.memory_space<semaphore_mem>>
        %dma_start3A_197 = arith.constant 0 : i32
        %dma_start3A_198 = tpu.memref_slice %arg10[%add3A_83, %dma_start3A_197] : memref<250x40xi32, #tpu.memory_space<vmem>> -> memref<1x40xi32, #tpu.memory_space<vmem>>
        %dma_start3A_199 = tpu.memref_squeeze %dma_start3A_198 : memref<1x40xi32, #tpu.memory_space<vmem>> -> memref<40xi32, #tpu.memory_space<vmem>>
        %dma_start3A_200 = arith.constant 0 : i32
        %dma_start3A_201 = arith.constant 0 : i32
        %dma_start3A_202 = tpu.memref_slice %arg16[%dma_start3A_200, %dma_start3A_201] : memref<10000x128xf32, #tpu.memory_space<vmem_shared>> -> memref<10000x128xf32, #tpu.memory_space<vmem_shared>>
        tpu.enqueue_indirect_dma source(%arg12 : memref<40x128xf32, #tpu.memory_space<vmem>>) target(%dma_start3A_202 : memref<10000x128xf32, #tpu.memory_space<vmem_shared>>) offsets(%dma_start3A_199 : memref<40xi32, #tpu.memory_space<vmem>>) semaphore(%run_scoped3A_196 : memref<!tpu.dma_semaphore, #tpu.memory_space<semaphore_mem>>) {add = true}
        %dma_wait3A_203 = arith.constant 0 : i32
        %dma_wait3A_204 = tpu.memref_slice %arg10[%add3A_83, %dma_wait3A_203] : memref<250x40xi32, #tpu.memory_space<vmem>> -> memref<1x40xi32, #tpu.memory_space<vmem>>
        %dma_wait3A_205 = tpu.memref_squeeze %dma_wait3A_204 : memref<1x40xi32, #tpu.memory_space<vmem>> -> memref<40xi32, #tpu.memory_space<vmem>>
        %dma_wait3A_206 = arith.constant 0 : i32
        %dma_wait3A_207 = arith.constant 0 : i32
        %dma_wait3A_208 = tpu.memref_slice %arg16[%dma_wait3A_206, %dma_wait3A_207] : memref<10000x128xf32, #tpu.memory_space<vmem_shared>> -> memref<10000x128xf32, #tpu.memory_space<vmem_shared>>
        tpu.wait_indirect_dma semaphore(%run_scoped3A_196 : memref<!tpu.dma_semaphore, #tpu.memory_space<semaphore_mem>>) src(%arg12 : memref<40x128xf32, #tpu.memory_space<vmem>>) dst(%dma_wait3A_208 : memref<10000x128xf32, #tpu.memory_space<vmem_shared>>)
        tpu.yield
      }) : () -> ()
      %dma_start3A_90 = arith.constant 0 : i32
      %dma_start3A_91 = tpu.memref_slice %arg10[%add3A_83, %dma_start3A_90] : memref<250x40xi32, #tpu.memory_space<vmem>> -> memref<1x40xi32, #tpu.memory_space<vmem>>
      %dma_start3A_92 = tpu.memref_squeeze %dma_start3A_91 : memref<1x40xi32, #tpu.memory_space<vmem>> -> memref<40xi32, #tpu.memory_space<vmem>>
      %dma_start3A_93 = arith.constant 0 : i32
      %dma_start3A_94 = arith.constant 0 : i32
      %dma_start3A_95 = tpu.memref_slice %arg24[%dma_start3A_93, %dma_start3A_94] : memref<10000x8xf32, #tpu.memory_space<vmem_shared>> -> memref<10000x8xf32, #tpu.memory_space<vmem_shared>>
      tpu.enqueue_indirect_dma source(%arg23 : memref<40x8xf32, #tpu.memory_space<vmem>>) target(%dma_start3A_95 : memref<10000x8xf32, #tpu.memory_space<vmem_shared>>) offsets(%dma_start3A_92 : memref<40xi32, #tpu.memory_space<vmem>>) semaphore(%arg22 : memref<!tpu.dma_semaphore, #tpu.memory_space<semaphore_mem>>) {add = true}
      %add3A_96 = arith.constant 5 : i32
      %add3A_97 = arith.addi %add3A_83, %add3A_96 : i32
      %lt3A_98 = arith.constant 250 : i32
      %lt3A_99 = arith.cmpi slt, %add3A_97, %lt3A_98 : i32
      %convert_element_type3A_100 = arith.extui %lt3A_99 : i1 to i32
      %cond3A_101 = arith.constant 0 : i32
      %cond3A_102 = arith.cmpi ne, %convert_element_type3A_100, %cond3A_101 : i32
      scf.if %cond3A_102 {
        %add3A_196 = arith.constant 5 : i32
        %add3A_197 = arith.addi %add3A_83, %add3A_196 : i32
        %dma_start3A_198 = arith.constant 0 : i32
        %dma_start3A_199 = tpu.memref_slice %arg9[%add3A_197, %dma_start3A_198] : memref<250x40xi32, #tpu.memory_space<vmem>> -> memref<1x40xi32, #tpu.memory_space<vmem>>
        %dma_start3A_200 = tpu.memref_squeeze %dma_start3A_199 : memref<1x40xi32, #tpu.memory_space<vmem>> -> memref<40xi32, #tpu.memory_space<vmem>>
        %dma_start3A_201 = arith.constant 0 : i32
        %dma_start3A_202 = arith.constant 0 : i32
        %dma_start3A_203 = tpu.memref_slice %arg2[%dma_start3A_201, %dma_start3A_202] : memref<10000x128xf32, #tpu.memory_space<hbm>> -> memref<10000x128xf32, #tpu.memory_space<hbm>>
        tpu.enqueue_indirect_dma source(%dma_start3A_203 : memref<10000x128xf32, #tpu.memory_space<hbm>>) target(%arg12 : memref<40x128xf32, #tpu.memory_space<vmem>>) offsets(%dma_start3A_200 : memref<40xi32, #tpu.memory_space<vmem>>) semaphore(%arg18 : memref<!tpu.dma_semaphore, #tpu.memory_space<semaphore_mem>>)
      } else {
      }
      %dma_wait3A_103 = arith.constant 0 : i32
      %dma_wait3A_104 = tpu.memref_slice %arg10[%add3A_83, %dma_wait3A_103] : memref<250x40xi32, #tpu.memory_space<vmem>> -> memref<1x40xi32, #tpu.memory_space<vmem>>
      %dma_wait3A_105 = tpu.memref_squeeze %dma_wait3A_104 : memref<1x40xi32, #tpu.memory_space<vmem>> -> memref<40xi32, #tpu.memory_space<vmem>>
      %dma_wait3A_106 = arith.constant 0 : i32
      %dma_wait3A_107 = arith.constant 0 : i32
      %dma_wait3A_108 = tpu.memref_slice %arg24[%dma_wait3A_106, %dma_wait3A_107] : memref<10000x8xf32, #tpu.memory_space<vmem_shared>> -> memref<10000x8xf32, #tpu.memory_space<vmem_shared>>
      tpu.wait_indirect_dma semaphore(%arg22 : memref<!tpu.dma_semaphore, #tpu.memory_space<semaphore_mem>>) src(%arg23 : memref<40x8xf32, #tpu.memory_space<vmem>>) dst(%dma_wait3A_108 : memref<10000x8xf32, #tpu.memory_space<vmem_shared>>)
      %mul3A_109 = arith.constant 5 : i32
      %mul3A_110 = arith.muli %scan3A_52, %mul3A_109 : i32
      %add3A_111 = arith.constant 2 : i32
      %add3A_112 = arith.addi %mul3A_110, %add3A_111 : i32
      %dma_wait3A_113 = arith.constant 0 : i32
      %dma_wait3A_114 = tpu.memref_slice %arg9[%add3A_112, %dma_wait3A_113] : memref<250x40xi32, #tpu.memory_space<vmem>> -> memref<1x40xi32, #tpu.memory_space<vmem>>
      %dma_wait3A_115 = tpu.memref_squeeze %dma_wait3A_114 : memref<1x40xi32, #tpu.memory_space<vmem>> -> memref<40xi32, #tpu.memory_space<vmem>>
      %dma_wait3A_116 = arith.constant 0 : i32
      %dma_wait3A_117 = arith.constant 0 : i32
      %dma_wait3A_118 = tpu.memref_slice %arg2[%dma_wait3A_116, %dma_wait3A_117] : memref<10000x128xf32, #tpu.memory_space<hbm>> -> memref<10000x128xf32, #tpu.memory_space<hbm>>
      tpu.wait_indirect_dma semaphore(%arg19 : memref<!tpu.dma_semaphore, #tpu.memory_space<semaphore_mem>>) src(%dma_wait3A_118 : memref<10000x128xf32, #tpu.memory_space<hbm>>) dst(%arg13 : memref<40x128xf32, #tpu.memory_space<vmem>>)
      "tpu.region"() ({
        %run_scoped3A_196 = tpu.sem_alloc : memref<!tpu.dma_semaphore, #tpu.memory_space<semaphore_mem>>
        %dma_start3A_197 = arith.constant 0 : i32
        %dma_start3A_198 = tpu.memref_slice %arg10[%add3A_112, %dma_start3A_197] : memref<250x40xi32, #tpu.memory_space<vmem>> -> memref<1x40xi32, #tpu.memory_space<vmem>>
        %dma_start3A_199 = tpu.memref_squeeze %dma_start3A_198 : memref<1x40xi32, #tpu.memory_space<vmem>> -> memref<40xi32, #tpu.memory_space<vmem>>
        %dma_start3A_200 = arith.constant 0 : i32
        %dma_start3A_201 = arith.constant 0 : i32
        %dma_start3A_202 = tpu.memref_slice %arg16[%dma_start3A_200, %dma_start3A_201] : memref<10000x128xf32, #tpu.memory_space<vmem_shared>> -> memref<10000x128xf32, #tpu.memory_space<vmem_shared>>
        tpu.enqueue_indirect_dma source(%arg13 : memref<40x128xf32, #tpu.memory_space<vmem>>) target(%dma_start3A_202 : memref<10000x128xf32, #tpu.memory_space<vmem_shared>>) offsets(%dma_start3A_199 : memref<40xi32, #tpu.memory_space<vmem>>) semaphore(%run_scoped3A_196 : memref<!tpu.dma_semaphore, #tpu.memory_space<semaphore_mem>>) {add = true}
        %dma_wait3A_203 = arith.constant 0 : i32
        %dma_wait3A_204 = tpu.memref_slice %arg10[%add3A_112, %dma_wait3A_203] : memref<250x40xi32, #tpu.memory_space<vmem>> -> memref<1x40xi32, #tpu.memory_space<vmem>>
        %dma_wait3A_205 = tpu.memref_squeeze %dma_wait3A_204 : memref<1x40xi32, #tpu.memory_space<vmem>> -> memref<40xi32, #tpu.memory_space<vmem>>
        %dma_wait3A_206 = arith.constant 0 : i32
        %dma_wait3A_207 = arith.constant 0 : i32
        %dma_wait3A_208 = tpu.memref_slice %arg16[%dma_wait3A_206, %dma_wait3A_207] : memref<10000x128xf32, #tpu.memory_space<vmem_shared>> -> memref<10000x128xf32, #tpu.memory_space<vmem_shared>>
        tpu.wait_indirect_dma semaphore(%run_scoped3A_196 : memref<!tpu.dma_semaphore, #tpu.memory_space<semaphore_mem>>) src(%arg13 : memref<40x128xf32, #tpu.memory_space<vmem>>) dst(%dma_wait3A_208 : memref<10000x128xf32, #tpu.memory_space<vmem_shared>>)
        tpu.yield
      }) : () -> ()
      %dma_start3A_119 = arith.constant 0 : i32
      %dma_start3A_120 = tpu.memref_slice %arg10[%add3A_112, %dma_start3A_119] : memref<250x40xi32, #tpu.memory_space<vmem>> -> memref<1x40xi32, #tpu.memory_space<vmem>>
      %dma_start3A_121 = tpu.memref_squeeze %dma_start3A_120 : memref<1x40xi32, #tpu.memory_space<vmem>> -> memref<40xi32, #tpu.memory_space<vmem>>
      %dma_start3A_122 = arith.constant 0 : i32
      %dma_start3A_123 = arith.constant 0 : i32
      %dma_start3A_124 = tpu.memref_slice %arg24[%dma_start3A_122, %dma_start3A_123] : memref<10000x8xf32, #tpu.memory_space<vmem_shared>> -> memref<10000x8xf32, #tpu.memory_space<vmem_shared>>
      tpu.enqueue_indirect_dma source(%arg23 : memref<40x8xf32, #tpu.memory_space<vmem>>) target(%dma_start3A_124 : memref<10000x8xf32, #tpu.memory_space<vmem_shared>>) offsets(%dma_start3A_121 : memref<40xi32, #tpu.memory_space<vmem>>) semaphore(%arg22 : memref<!tpu.dma_semaphore, #tpu.memory_space<semaphore_mem>>) {add = true}
      %add3A_125 = arith.constant 5 : i32
      %add3A_126 = arith.addi %add3A_112, %add3A_125 : i32
      %lt3A_127 = arith.constant 250 : i32
      %lt3A_128 = arith.cmpi slt, %add3A_126, %lt3A_127 : i32
      %convert_element_type3A_129 = arith.extui %lt3A_128 : i1 to i32
      %cond3A_130 = arith.constant 0 : i32
      %cond3A_131 = arith.cmpi ne, %convert_element_type3A_129, %cond3A_130 : i32
      scf.if %cond3A_131 {
        %add3A_196 = arith.constant 5 : i32
        %add3A_197 = arith.addi %add3A_112, %add3A_196 : i32
        %dma_start3A_198 = arith.constant 0 : i32
        %dma_start3A_199 = tpu.memref_slice %arg9[%add3A_197, %dma_start3A_198] : memref<250x40xi32, #tpu.memory_space<vmem>> -> memref<1x40xi32, #tpu.memory_space<vmem>>
        %dma_start3A_200 = tpu.memref_squeeze %dma_start3A_199 : memref<1x40xi32, #tpu.memory_space<vmem>> -> memref<40xi32, #tpu.memory_space<vmem>>
        %dma_start3A_201 = arith.constant 0 : i32
        %dma_start3A_202 = arith.constant 0 : i32
        %dma_start3A_203 = tpu.memref_slice %arg2[%dma_start3A_201, %dma_start3A_202] : memref<10000x128xf32, #tpu.memory_space<hbm>> -> memref<10000x128xf32, #tpu.memory_space<hbm>>
        tpu.enqueue_indirect_dma source(%dma_start3A_203 : memref<10000x128xf32, #tpu.memory_space<hbm>>) target(%arg13 : memref<40x128xf32, #tpu.memory_space<vmem>>) offsets(%dma_start3A_200 : memref<40xi32, #tpu.memory_space<vmem>>) semaphore(%arg19 : memref<!tpu.dma_semaphore, #tpu.memory_space<semaphore_mem>>)
      } else {
      }
      %dma_wait3A_132 = arith.constant 0 : i32
      %dma_wait3A_133 = tpu.memref_slice %arg10[%add3A_112, %dma_wait3A_132] : memref<250x40xi32, #tpu.memory_space<vmem>> -> memref<1x40xi32, #tpu.memory_space<vmem>>
      %dma_wait3A_134 = tpu.memref_squeeze %dma_wait3A_133 : memref<1x40xi32, #tpu.memory_space<vmem>> -> memref<40xi32, #tpu.memory_space<vmem>>
      %dma_wait3A_135 = arith.constant 0 : i32
      %dma_wait3A_136 = arith.constant 0 : i32
      %dma_wait3A_137 = tpu.memref_slice %arg24[%dma_wait3A_135, %dma_wait3A_136] : memref<10000x8xf32, #tpu.memory_space<vmem_shared>> -> memref<10000x8xf32, #tpu.memory_space<vmem_shared>>
      tpu.wait_indirect_dma semaphore(%arg22 : memref<!tpu.dma_semaphore, #tpu.memory_space<semaphore_mem>>) src(%arg23 : memref<40x8xf32, #tpu.memory_space<vmem>>) dst(%dma_wait3A_137 : memref<10000x8xf32, #tpu.memory_space<vmem_shared>>)
      %mul3A_138 = arith.constant 5 : i32
      %mul3A_139 = arith.muli %scan3A_52, %mul3A_138 : i32
      %add3A_140 = arith.constant 3 : i32
      %add3A_141 = arith.addi %mul3A_139, %add3A_140 : i32
      %dma_wait3A_142 = arith.constant 0 : i32
      %dma_wait3A_143 = tpu.memref_slice %arg9[%add3A_141, %dma_wait3A_142] : memref<250x40xi32, #tpu.memory_space<vmem>> -> memref<1x40xi32, #tpu.memory_space<vmem>>
      %dma_wait3A_144 = tpu.memref_squeeze %dma_wait3A_143 : memref<1x40xi32, #tpu.memory_space<vmem>> -> memref<40xi32, #tpu.memory_space<vmem>>
      %dma_wait3A_145 = arith.constant 0 : i32
      %dma_wait3A_146 = arith.constant 0 : i32
      %dma_wait3A_147 = tpu.memref_slice %arg2[%dma_wait3A_145, %dma_wait3A_146] : memref<10000x128xf32, #tpu.memory_space<hbm>> -> memref<10000x128xf32, #tpu.memory_space<hbm>>
      tpu.wait_indirect_dma semaphore(%arg20 : memref<!tpu.dma_semaphore, #tpu.memory_space<semaphore_mem>>) src(%dma_wait3A_147 : memref<10000x128xf32, #tpu.memory_space<hbm>>) dst(%arg14 : memref<40x128xf32, #tpu.memory_space<vmem>>)
      "tpu.region"() ({
        %run_scoped3A_196 = tpu.sem_alloc : memref<!tpu.dma_semaphore, #tpu.memory_space<semaphore_mem>>
        %dma_start3A_197 = arith.constant 0 : i32
        %dma_start3A_198 = tpu.memref_slice %arg10[%add3A_141, %dma_start3A_197] : memref<250x40xi32, #tpu.memory_space<vmem>> -> memref<1x40xi32, #tpu.memory_space<vmem>>
        %dma_start3A_199 = tpu.memref_squeeze %dma_start3A_198 : memref<1x40xi32, #tpu.memory_space<vmem>> -> memref<40xi32, #tpu.memory_space<vmem>>
        %dma_start3A_200 = arith.constant 0 : i32
        %dma_start3A_201 = arith.constant 0 : i32
        %dma_start3A_202 = tpu.memref_slice %arg16[%dma_start3A_200, %dma_start3A_201] : memref<10000x128xf32, #tpu.memory_space<vmem_shared>> -> memref<10000x128xf32, #tpu.memory_space<vmem_shared>>
        tpu.enqueue_indirect_dma source(%arg14 : memref<40x128xf32, #tpu.memory_space<vmem>>) target(%dma_start3A_202 : memref<10000x128xf32, #tpu.memory_space<vmem_shared>>) offsets(%dma_start3A_199 : memref<40xi32, #tpu.memory_space<vmem>>) semaphore(%run_scoped3A_196 : memref<!tpu.dma_semaphore, #tpu.memory_space<semaphore_mem>>) {add = true}
        %dma_wait3A_203 = arith.constant 0 : i32
        %dma_wait3A_204 = tpu.memref_slice %arg10[%add3A_141, %dma_wait3A_203] : memref<250x40xi32, #tpu.memory_space<vmem>> -> memref<1x40xi32, #tpu.memory_space<vmem>>
        %dma_wait3A_205 = tpu.memref_squeeze %dma_wait3A_204 : memref<1x40xi32, #tpu.memory_space<vmem>> -> memref<40xi32, #tpu.memory_space<vmem>>
        %dma_wait3A_206 = arith.constant 0 : i32
        %dma_wait3A_207 = arith.constant 0 : i32
        %dma_wait3A_208 = tpu.memref_slice %arg16[%dma_wait3A_206, %dma_wait3A_207] : memref<10000x128xf32, #tpu.memory_space<vmem_shared>> -> memref<10000x128xf32, #tpu.memory_space<vmem_shared>>
        tpu.wait_indirect_dma semaphore(%run_scoped3A_196 : memref<!tpu.dma_semaphore, #tpu.memory_space<semaphore_mem>>) src(%arg14 : memref<40x128xf32, #tpu.memory_space<vmem>>) dst(%dma_wait3A_208 : memref<10000x128xf32, #tpu.memory_space<vmem_shared>>)
        tpu.yield
      }) : () -> ()
      %dma_start3A_148 = arith.constant 0 : i32
      %dma_start3A_149 = tpu.memref_slice %arg10[%add3A_141, %dma_start3A_148] : memref<250x40xi32, #tpu.memory_space<vmem>> -> memref<1x40xi32, #tpu.memory_space<vmem>>
      %dma_start3A_150 = tpu.memref_squeeze %dma_start3A_149 : memref<1x40xi32, #tpu.memory_space<vmem>> -> memref<40xi32, #tpu.memory_space<vmem>>
      %dma_start3A_151 = arith.constant 0 : i32
      %dma_start3A_152 = arith.constant 0 : i32
      %dma_start3A_153 = tpu.memref_slice %arg24[%dma_start3A_151, %dma_start3A_152] : memref<10000x8xf32, #tpu.memory_space<vmem_shared>> -> memref<10000x8xf32, #tpu.memory_space<vmem_shared>>
      tpu.enqueue_indirect_dma source(%arg23 : memref<40x8xf32, #tpu.memory_space<vmem>>) target(%dma_start3A_153 : memref<10000x8xf32, #tpu.memory_space<vmem_shared>>) offsets(%dma_start3A_150 : memref<40xi32, #tpu.memory_space<vmem>>) semaphore(%arg22 : memref<!tpu.dma_semaphore, #tpu.memory_space<semaphore_mem>>) {add = true}
      %add3A_154 = arith.constant 5 : i32
      %add3A_155 = arith.addi %add3A_141, %add3A_154 : i32
      %lt3A_156 = arith.constant 250 : i32
      %lt3A_157 = arith.cmpi slt, %add3A_155, %lt3A_156 : i32
      %convert_element_type3A_158 = arith.extui %lt3A_157 : i1 to i32
      %cond3A_159 = arith.constant 0 : i32
      %cond3A_160 = arith.cmpi ne, %convert_element_type3A_158, %cond3A_159 : i32
      scf.if %cond3A_160 {
        %add3A_196 = arith.constant 5 : i32
        %add3A_197 = arith.addi %add3A_141, %add3A_196 : i32
        %dma_start3A_198 = arith.constant 0 : i32
        %dma_start3A_199 = tpu.memref_slice %arg9[%add3A_197, %dma_start3A_198] : memref<250x40xi32, #tpu.memory_space<vmem>> -> memref<1x40xi32, #tpu.memory_space<vmem>>
        %dma_start3A_200 = tpu.memref_squeeze %dma_start3A_199 : memref<1x40xi32, #tpu.memory_space<vmem>> -> memref<40xi32, #tpu.memory_space<vmem>>
        %dma_start3A_201 = arith.constant 0 : i32
        %dma_start3A_202 = arith.constant 0 : i32
        %dma_start3A_203 = tpu.memref_slice %arg2[%dma_start3A_201, %dma_start3A_202] : memref<10000x128xf32, #tpu.memory_space<hbm>> -> memref<10000x128xf32, #tpu.memory_space<hbm>>
        tpu.enqueue_indirect_dma source(%dma_start3A_203 : memref<10000x128xf32, #tpu.memory_space<hbm>>) target(%arg14 : memref<40x128xf32, #tpu.memory_space<vmem>>) offsets(%dma_start3A_200 : memref<40xi32, #tpu.memory_space<vmem>>) semaphore(%arg20 : memref<!tpu.dma_semaphore, #tpu.memory_space<semaphore_mem>>)
      } else {
      }
      %dma_wait3A_161 = arith.constant 0 : i32
      %dma_wait3A_162 = tpu.memref_slice %arg10[%add3A_141, %dma_wait3A_161] : memref<250x40xi32, #tpu.memory_space<vmem>> -> memref<1x40xi32, #tpu.memory_space<vmem>>
      %dma_wait3A_163 = tpu.memref_squeeze %dma_wait3A_162 : memref<1x40xi32, #tpu.memory_space<vmem>> -> memref<40xi32, #tpu.memory_space<vmem>>
      %dma_wait3A_164 = arith.constant 0 : i32
      %dma_wait3A_165 = arith.constant 0 : i32
      %dma_wait3A_166 = tpu.memref_slice %arg24[%dma_wait3A_164, %dma_wait3A_165] : memref<10000x8xf32, #tpu.memory_space<vmem_shared>> -> memref<10000x8xf32, #tpu.memory_space<vmem_shared>>
      tpu.wait_indirect_dma semaphore(%arg22 : memref<!tpu.dma_semaphore, #tpu.memory_space<semaphore_mem>>) src(%arg23 : memref<40x8xf32, #tpu.memory_space<vmem>>) dst(%dma_wait3A_166 : memref<10000x8xf32, #tpu.memory_space<vmem_shared>>)
      %mul3A_167 = arith.constant 5 : i32
      %mul3A_168 = arith.muli %scan3A_52, %mul3A_167 : i32
      %add3A_169 = arith.constant 4 : i32
      %add3A_170 = arith.addi %mul3A_168, %add3A_169 : i32
      %dma_wait3A_171 = arith.constant 0 : i32
      %dma_wait3A_172 = tpu.memref_slice %arg9[%add3A_170, %dma_wait3A_171] : memref<250x40xi32, #tpu.memory_space<vmem>> -> memref<1x40xi32, #tpu.memory_space<vmem>>
      %dma_wait3A_173 = tpu.memref_squeeze %dma_wait3A_172 : memref<1x40xi32, #tpu.memory_space<vmem>> -> memref<40xi32, #tpu.memory_space<vmem>>
      %dma_wait3A_174 = arith.constant 0 : i32
      %dma_wait3A_175 = arith.constant 0 : i32
      %dma_wait3A_176 = tpu.memref_slice %arg2[%dma_wait3A_174, %dma_wait3A_175] : memref<10000x128xf32, #tpu.memory_space<hbm>> -> memref<10000x128xf32, #tpu.memory_space<hbm>>
      tpu.wait_indirect_dma semaphore(%arg21 : memref<!tpu.dma_semaphore, #tpu.memory_space<semaphore_mem>>) src(%dma_wait3A_176 : memref<10000x128xf32, #tpu.memory_space<hbm>>) dst(%arg15 : memref<40x128xf32, #tpu.memory_space<vmem>>)
      "tpu.region"() ({
        %run_scoped3A_196 = tpu.sem_alloc : memref<!tpu.dma_semaphore, #tpu.memory_space<semaphore_mem>>
        %dma_start3A_197 = arith.constant 0 : i32
        %dma_start3A_198 = tpu.memref_slice %arg10[%add3A_170, %dma_start3A_197] : memref<250x40xi32, #tpu.memory_space<vmem>> -> memref<1x40xi32, #tpu.memory_space<vmem>>
        %dma_start3A_199 = tpu.memref_squeeze %dma_start3A_198 : memref<1x40xi32, #tpu.memory_space<vmem>> -> memref<40xi32, #tpu.memory_space<vmem>>
        %dma_start3A_200 = arith.constant 0 : i32
        %dma_start3A_201 = arith.constant 0 : i32
        %dma_start3A_202 = tpu.memref_slice %arg16[%dma_start3A_200, %dma_start3A_201] : memref<10000x128xf32, #tpu.memory_space<vmem_shared>> -> memref<10000x128xf32, #tpu.memory_space<vmem_shared>>
        tpu.enqueue_indirect_dma source(%arg15 : memref<40x128xf32, #tpu.memory_space<vmem>>) target(%dma_start3A_202 : memref<10000x128xf32, #tpu.memory_space<vmem_shared>>) offsets(%dma_start3A_199 : memref<40xi32, #tpu.memory_space<vmem>>) semaphore(%run_scoped3A_196 : memref<!tpu.dma_semaphore, #tpu.memory_space<semaphore_mem>>) {add = true}
        %dma_wait3A_203 = arith.constant 0 : i32
        %dma_wait3A_204 = tpu.memref_slice %arg10[%add3A_170, %dma_wait3A_203] : memref<250x40xi32, #tpu.memory_space<vmem>> -> memref<1x40xi32, #tpu.memory_space<vmem>>
        %dma_wait3A_205 = tpu.memref_squeeze %dma_wait3A_204 : memref<1x40xi32, #tpu.memory_space<vmem>> -> memref<40xi32, #tpu.memory_space<vmem>>
        %dma_wait3A_206 = arith.constant 0 : i32
        %dma_wait3A_207 = arith.constant 0 : i32
        %dma_wait3A_208 = tpu.memref_slice %arg16[%dma_wait3A_206, %dma_wait3A_207] : memref<10000x128xf32, #tpu.memory_space<vmem_shared>> -> memref<10000x128xf32, #tpu.memory_space<vmem_shared>>
        tpu.wait_indirect_dma semaphore(%run_scoped3A_196 : memref<!tpu.dma_semaphore, #tpu.memory_space<semaphore_mem>>) src(%arg15 : memref<40x128xf32, #tpu.memory_space<vmem>>) dst(%dma_wait3A_208 : memref<10000x128xf32, #tpu.memory_space<vmem_shared>>)
        tpu.yield
      }) : () -> ()
      %dma_start3A_177 = arith.constant 0 : i32
      %dma_start3A_178 = tpu.memref_slice %arg10[%add3A_170, %dma_start3A_177] : memref<250x40xi32, #tpu.memory_space<vmem>> -> memref<1x40xi32, #tpu.memory_space<vmem>>
      %dma_start3A_179 = tpu.memref_squeeze %dma_start3A_178 : memref<1x40xi32, #tpu.memory_space<vmem>> -> memref<40xi32, #tpu.memory_space<vmem>>
      %dma_start3A_180 = arith.constant 0 : i32
      %dma_start3A_181 = arith.constant 0 : i32
      %dma_start3A_182 = tpu.memref_slice %arg24[%dma_start3A_180, %dma_start3A_181] : memref<10000x8xf32, #tpu.memory_space<vmem_shared>> -> memref<10000x8xf32, #tpu.memory_space<vmem_shared>>
      tpu.enqueue_indirect_dma source(%arg23 : memref<40x8xf32, #tpu.memory_space<vmem>>) target(%dma_start3A_182 : memref<10000x8xf32, #tpu.memory_space<vmem_shared>>) offsets(%dma_start3A_179 : memref<40xi32, #tpu.memory_space<vmem>>) semaphore(%arg22 : memref<!tpu.dma_semaphore, #tpu.memory_space<semaphore_mem>>) {add = true}
      %add3A_183 = arith.constant 5 : i32
      %add3A_184 = arith.addi %add3A_170, %add3A_183 : i32
      %lt3A_185 = arith.constant 250 : i32
      %lt3A_186 = arith.cmpi slt, %add3A_184, %lt3A_185 : i32
      %convert_element_type3A_187 = arith.extui %lt3A_186 : i1 to i32
      %cond3A_188 = arith.constant 0 : i32
      %cond3A_189 = arith.cmpi ne, %convert_element_type3A_187, %cond3A_188 : i32
      scf.if %cond3A_189 {
        %add3A_196 = arith.constant 5 : i32
        %add3A_197 = arith.addi %add3A_170, %add3A_196 : i32
        %dma_start3A_198 = arith.constant 0 : i32
        %dma_start3A_199 = tpu.memref_slice %arg9[%add3A_197, %dma_start3A_198] : memref<250x40xi32, #tpu.memory_space<vmem>> -> memref<1x40xi32, #tpu.memory_space<vmem>>
        %dma_start3A_200 = tpu.memref_squeeze %dma_start3A_199 : memref<1x40xi32, #tpu.memory_space<vmem>> -> memref<40xi32, #tpu.memory_space<vmem>>
        %dma_start3A_201 = arith.constant 0 : i32
        %dma_start3A_202 = arith.constant 0 : i32
        %dma_start3A_203 = tpu.memref_slice %arg2[%dma_start3A_201, %dma_start3A_202] : memref<10000x128xf32, #tpu.memory_space<hbm>> -> memref<10000x128xf32, #tpu.memory_space<hbm>>
        tpu.enqueue_indirect_dma source(%dma_start3A_203 : memref<10000x128xf32, #tpu.memory_space<hbm>>) target(%arg15 : memref<40x128xf32, #tpu.memory_space<vmem>>) offsets(%dma_start3A_200 : memref<40xi32, #tpu.memory_space<vmem>>) semaphore(%arg21 : memref<!tpu.dma_semaphore, #tpu.memory_space<semaphore_mem>>)
      } else {
      }
      %dma_wait3A_190 = arith.constant 0 : i32
      %dma_wait3A_191 = tpu.memref_slice %arg10[%add3A_170, %dma_wait3A_190] : memref<250x40xi32, #tpu.memory_space<vmem>> -> memref<1x40xi32, #tpu.memory_space<vmem>>
      %dma_wait3A_192 = tpu.memref_squeeze %dma_wait3A_191 : memref<1x40xi32, #tpu.memory_space<vmem>> -> memref<40xi32, #tpu.memory_space<vmem>>
      %dma_wait3A_193 = arith.constant 0 : i32
      %dma_wait3A_194 = arith.constant 0 : i32
      %dma_wait3A_195 = tpu.memref_slice %arg24[%dma_wait3A_193, %dma_wait3A_194] : memref<10000x8xf32, #tpu.memory_space<vmem_shared>> -> memref<10000x8xf32, #tpu.memory_space<vmem_shared>>
      tpu.wait_indirect_dma semaphore(%arg22 : memref<!tpu.dma_semaphore, #tpu.memory_space<semaphore_mem>>) src(%arg23 : memref<40x8xf32, #tpu.memory_space<vmem>>) dst(%dma_wait3A_195 : memref<10000x8xf32, #tpu.memory_space<vmem_shared>>)
    }
    %scan3A_47 = arith.constant 50 : i32
    %barrier3A_48 = arith.constant 0 : index
    tpu.barrier barrier_id(%barrier3A_48)
    "tpu.region"() ({
      %run_scoped3A_52 = tpu.sem_alloc : memref<!tpu.dma_semaphore, #tpu.memory_space<semaphore_mem>>
      %dma_start3A_53 = arith.constant 0 : i32
      %dma_start3A_54 = tpu.memref_slice %arg7[%arg0, %mul3A_2, %dma_start3A_53] : memref<2x10000x128xf32, #tpu.memory_space<hbm>> -> memref<1x624x128xf32, #tpu.memory_space<hbm>>
      %dma_start3A_55 = tpu.memref_squeeze %dma_start3A_54 : memref<1x624x128xf32, #tpu.memory_space<hbm>> -> memref<624x128xf32, #tpu.memory_space<hbm>>
      %dma_start3A_56 = arith.constant 0 : i32
      %dma_start3A_57 = tpu.memref_slice %arg16[%mul3A_2, %dma_start3A_56] : memref<10000x128xf32, #tpu.memory_space<vmem_shared>> -> memref<624x128xf32, #tpu.memory_space<vmem_shared>>
      tpu.enqueue_dma source(%dma_start3A_57 : memref<624x128xf32, #tpu.memory_space<vmem_shared>>) target(%dma_start3A_55 : memref<624x128xf32, #tpu.memory_space<hbm>>) target_semaphore(%run_scoped3A_52 : memref<!tpu.dma_semaphore, #tpu.memory_space<semaphore_mem>>)
      %dma_wait3A = arith.constant 0 : i32
      %dma_wait3A_58 = tpu.memref_slice %arg7[%arg0, %mul3A_2, %dma_wait3A] : memref<2x10000x128xf32, #tpu.memory_space<hbm>> -> memref<1x624x128xf32, #tpu.memory_space<hbm>>
      %dma_wait3A_59 = tpu.memref_squeeze %dma_wait3A_58 : memref<1x624x128xf32, #tpu.memory_space<hbm>> -> memref<624x128xf32, #tpu.memory_space<hbm>>
      %dma_wait3A_60 = arith.constant 0 : i32
      %dma_wait3A_61 = tpu.memref_slice %arg16[%mul3A_2, %dma_wait3A_60] : memref<10000x128xf32, #tpu.memory_space<vmem_shared>> -> memref<624x128xf32, #tpu.memory_space<vmem_shared>>
      tpu.wait_dma2 semaphore(%run_scoped3A_52 : memref<!tpu.dma_semaphore, #tpu.memory_space<semaphore_mem>>) src(%dma_wait3A_61 : memref<624x128xf32, #tpu.memory_space<vmem_shared>>) dst(%dma_wait3A_59 : memref<624x128xf32, #tpu.memory_space<hbm>>)
      tpu.yield
    }) : () -> ()
    "tpu.region"() ({
      %run_scoped3A_52 = tpu.sem_alloc : memref<!tpu.dma_semaphore, #tpu.memory_space<semaphore_mem>>
      %dma_start3A_53 = arith.constant 0 : i32
      %dma_start3A_54 = tpu.memref_slice %arg8[%arg0, %mul3A_2, %dma_start3A_53] : memref<2x10000x8xf32, #tpu.memory_space<hbm>> -> memref<1x624x8xf32, #tpu.memory_space<hbm>>
      %dma_start3A_55 = tpu.memref_squeeze %dma_start3A_54 : memref<1x624x8xf32, #tpu.memory_space<hbm>> -> memref<624x8xf32, #tpu.memory_space<hbm>>
      %dma_start3A_56 = arith.constant 0 : i32
      %dma_start3A_57 = tpu.memref_slice %arg24[%mul3A_2, %dma_start3A_56] : memref<10000x8xf32, #tpu.memory_space<vmem_shared>> -> memref<624x8xf32, #tpu.memory_space<vmem_shared>>
      tpu.enqueue_dma source(%dma_start3A_57 : memref<624x8xf32, #tpu.memory_space<vmem_shared>>) target(%dma_start3A_55 : memref<624x8xf32, #tpu.memory_space<hbm>>) target_semaphore(%run_scoped3A_52 : memref<!tpu.dma_semaphore, #tpu.memory_space<semaphore_mem>>)
      %dma_wait3A = arith.constant 0 : i32
      %dma_wait3A_58 = tpu.memref_slice %arg8[%arg0, %mul3A_2, %dma_wait3A] : memref<2x10000x8xf32, #tpu.memory_space<hbm>> -> memref<1x624x8xf32, #tpu.memory_space<hbm>>
      %dma_wait3A_59 = tpu.memref_squeeze %dma_wait3A_58 : memref<1x624x8xf32, #tpu.memory_space<hbm>> -> memref<624x8xf32, #tpu.memory_space<hbm>>
      %dma_wait3A_60 = arith.constant 0 : i32
      %dma_wait3A_61 = tpu.memref_slice %arg24[%mul3A_2, %dma_wait3A_60] : memref<10000x8xf32, #tpu.memory_space<vmem_shared>> -> memref<624x8xf32, #tpu.memory_space<vmem_shared>>
      tpu.wait_dma2 semaphore(%run_scoped3A_52 : memref<!tpu.dma_semaphore, #tpu.memory_space<semaphore_mem>>) src(%dma_wait3A_61 : memref<624x8xf32, #tpu.memory_space<vmem_shared>>) dst(%dma_wait3A_59 : memref<624x8xf32, #tpu.memory_space<hbm>>)
      tpu.yield
    }) : () -> ()
    %convert_element_type3A_49 = arith.extui %eq3A_3 : i1 to i32
    %cond3A_50 = arith.constant 0 : i32
    %cond3A_51 = arith.cmpi ne, %convert_element_type3A_49, %cond3A_50 : i32
    scf.if %cond3A_51 {
      "tpu.region"() ({
        %run_scoped3A_52 = tpu.sem_alloc : memref<!tpu.dma_semaphore, #tpu.memory_space<semaphore_mem>>
        %dma_start3A_53 = arith.constant 9984 : i32
        %dma_start3A_54 = arith.constant 0 : i32
        %dma_start3A_55 = tpu.memref_slice %arg7[%arg0, %dma_start3A_53, %dma_start3A_54] : memref<2x10000x128xf32, #tpu.memory_space<hbm>> -> memref<1x16x128xf32, #tpu.memory_space<hbm>>
        %dma_start3A_56 = tpu.memref_squeeze %dma_start3A_55 : memref<1x16x128xf32, #tpu.memory_space<hbm>> -> memref<16x128xf32, #tpu.memory_space<hbm>>
        %dma_start3A_57 = arith.constant 9984 : i32
        %dma_start3A_58 = arith.constant 0 : i32
        %dma_start3A_59 = tpu.memref_slice %arg16[%dma_start3A_57, %dma_start3A_58] : memref<10000x128xf32, #tpu.memory_space<vmem_shared>> -> memref<16x128xf32, #tpu.memory_space<vmem_shared>>
        tpu.enqueue_dma source(%dma_start3A_59 : memref<16x128xf32, #tpu.memory_space<vmem_shared>>) target(%dma_start3A_56 : memref<16x128xf32, #tpu.memory_space<hbm>>) target_semaphore(%run_scoped3A_52 : memref<!tpu.dma_semaphore, #tpu.memory_space<semaphore_mem>>)
        %dma_wait3A = arith.constant 9984 : i32
        %dma_wait3A_60 = arith.constant 0 : i32
        %dma_wait3A_61 = tpu.memref_slice %arg7[%arg0, %dma_wait3A, %dma_wait3A_60] : memref<2x10000x128xf32, #tpu.memory_space<hbm>> -> memref<1x16x128xf32, #tpu.memory_space<hbm>>
        %dma_wait3A_62 = tpu.memref_squeeze %dma_wait3A_61 : memref<1x16x128xf32, #tpu.memory_space<hbm>> -> memref<16x128xf32, #tpu.memory_space<hbm>>
        %dma_wait3A_63 = arith.constant 9984 : i32
        %dma_wait3A_64 = arith.constant 0 : i32
        %dma_wait3A_65 = tpu.memref_slice %arg16[%dma_wait3A_63, %dma_wait3A_64] : memref<10000x128xf32, #tpu.memory_space<vmem_shared>> -> memref<16x128xf32, #tpu.memory_space<vmem_shared>>
        tpu.wait_dma2 semaphore(%run_scoped3A_52 : memref<!tpu.dma_semaphore, #tpu.memory_space<semaphore_mem>>) src(%dma_wait3A_65 : memref<16x128xf32, #tpu.memory_space<vmem_shared>>) dst(%dma_wait3A_62 : memref<16x128xf32, #tpu.memory_space<hbm>>)
        tpu.yield
      }) : () -> ()
      "tpu.region"() ({
        %run_scoped3A_52 = tpu.sem_alloc : memref<!tpu.dma_semaphore, #tpu.memory_space<semaphore_mem>>
        %dma_start3A_53 = arith.constant 9984 : i32
        %dma_start3A_54 = arith.constant 0 : i32
        %dma_start3A_55 = tpu.memref_slice %arg8[%arg0, %dma_start3A_53, %dma_start3A_54] : memref<2x10000x8xf32, #tpu.memory_space<hbm>> -> memref<1x16x8xf32, #tpu.memory_space<hbm>>
        %dma_start3A_56 = tpu.memref_squeeze %dma_start3A_55 : memref<1x16x8xf32, #tpu.memory_space<hbm>> -> memref<16x8xf32, #tpu.memory_space<hbm>>
        %dma_start3A_57 = arith.constant 9984 : i32
        %dma_start3A_58 = arith.constant 0 : i32
        %dma_start3A_59 = tpu.memref_slice %arg24[%dma_start3A_57, %dma_start3A_58] : memref<10000x8xf32, #tpu.memory_space<vmem_shared>> -> memref<16x8xf32, #tpu.memory_space<vmem_shared>>
        tpu.enqueue_dma source(%dma_start3A_59 : memref<16x8xf32, #tpu.memory_space<vmem_shared>>) target(%dma_start3A_56 : memref<16x8xf32, #tpu.memory_space<hbm>>) target_semaphore(%run_scoped3A_52 : memref<!tpu.dma_semaphore, #tpu.memory_space<semaphore_mem>>)
        %dma_wait3A = arith.constant 9984 : i32
        %dma_wait3A_60 = arith.constant 0 : i32
        %dma_wait3A_61 = tpu.memref_slice %arg8[%arg0, %dma_wait3A, %dma_wait3A_60] : memref<2x10000x8xf32, #tpu.memory_space<hbm>> -> memref<1x16x8xf32, #tpu.memory_space<hbm>>
        %dma_wait3A_62 = tpu.memref_squeeze %dma_wait3A_61 : memref<1x16x8xf32, #tpu.memory_space<hbm>> -> memref<16x8xf32, #tpu.memory_space<hbm>>
        %dma_wait3A_63 = arith.constant 9984 : i32
        %dma_wait3A_64 = arith.constant 0 : i32
        %dma_wait3A_65 = tpu.memref_slice %arg24[%dma_wait3A_63, %dma_wait3A_64] : memref<10000x8xf32, #tpu.memory_space<vmem_shared>> -> memref<16x8xf32, #tpu.memory_space<vmem_shared>>
        tpu.wait_dma2 semaphore(%run_scoped3A_52 : memref<!tpu.dma_semaphore, #tpu.memory_space<semaphore_mem>>) src(%dma_wait3A_65 : memref<16x8xf32, #tpu.memory_space<vmem_shared>>) dst(%dma_wait3A_62 : memref<16x8xf32, #tpu.memory_space<hbm>>)
        tpu.yield
      }) : () -> ()
    } else {
    }
    return
  }
}

module attributes {stable_mosaic.version = 14 : i64} {
  func.func @_tc2a_body(%arg0: i32, %arg1: memref<2x1000x128xf32, #tpu.memory_space<vmem>>, %arg2: memref<2x1000x8xf32, #tpu.memory_space<vmem>>, %arg3: memref<1000x128xf32, #tpu.memory_space<vmem>>, %arg4: memref<128x48xf32, #tpu.memory_space<vmem>>, %arg5: memref<1000x48xf32, #tpu.memory_space<vmem>>, %arg6: memref<1000x128xf32, #tpu.memory_space<vmem>>, %arg7: memref<1000x8xf32, #tpu.memory_space<vmem>>) attributes {dimension_semantics = [#tpu.dimension_semantics<arbitrary>], iteration_bounds = array<i64: 10>, scalar_prefetch = 0 : i64, scratch_operands = 0 : i64, tpu.core_type = #tpu.core_type<tc>, window_params = [{transform_indices = @transform_0, window_bounds = array<i64: 2, 1000, 128>}, {transform_indices = @transform_1, window_bounds = array<i64: 2, 1000, 8>}, {transform_indices = @transform_2, window_bounds = array<i64: 1000, 128>}, {pipeline_mode = #tpu.pipeline_mode<synchronous>, transform_indices = @transform_3, window_bounds = array<i64: 128, 48>}, {transform_indices = @transform_4, window_bounds = array<i64: 1000, 48>}, {transform_indices = @transform_5, window_bounds = array<i64: 1000, 128>}, {transform_indices = @transform_6, window_bounds = array<i64: 1000, 8>}]} {
    %get3A = arith.constant 0 : index
    %get3A_0 = arith.constant 0 : index
    %get3A_1 = arith.constant 0 : index
    %get3A_2 = vector.load %arg1[%get3A, %get3A_0, %get3A_1] : memref<2x1000x128xf32, #tpu.memory_space<vmem>>, vector<1x1000x128xf32>
    %get3A_3 = vector.shape_cast %get3A_2 : vector<1x1000x128xf32> to vector<1000x128xf32>
    %get3A_4 = arith.constant 1 : index
    %get3A_5 = arith.constant 0 : index
    %get3A_6 = arith.constant 0 : index
    %get3A_7 = vector.load %arg1[%get3A_4, %get3A_5, %get3A_6] : memref<2x1000x128xf32, #tpu.memory_space<vmem>>, vector<1x1000x128xf32>
    %get3A_8 = vector.shape_cast %get3A_7 : vector<1x1000x128xf32> to vector<1000x128xf32>
    %add3A = arith.addf %get3A_3, %get3A_8 : vector<1000x128xf32>
    %get3A_9 = arith.constant 0 : index
    %get3A_10 = arith.constant 0 : index
    %get3A_11 = arith.constant 0 : index
    %get3A_12 = vector.load %arg2[%get3A_9, %get3A_10, %get3A_11] : memref<2x1000x8xf32, #tpu.memory_space<vmem>>, vector<1x1000x8xf32>
    %get3A_13 = vector.shape_cast %get3A_12 : vector<1x1000x8xf32> to vector<1000x8xf32>
    %get3A_14 = arith.constant 1 : index
    %get3A_15 = arith.constant 0 : index
    %get3A_16 = arith.constant 0 : index
    %get3A_17 = vector.load %arg2[%get3A_14, %get3A_15, %get3A_16] : memref<2x1000x8xf32, #tpu.memory_space<vmem>>, vector<1x1000x8xf32>
    %get3A_18 = vector.shape_cast %get3A_17 : vector<1x1000x8xf32> to vector<1000x8xf32>
    %add3A_19 = arith.addf %get3A_13, %get3A_18 : vector<1000x8xf32>
    %max3A = arith.constant 1.000000e+00 : f32
    %max3A_20 = vector.broadcast %max3A : f32 to vector<1000x8xf32>
    %max3A_21 = arith.maximumf %add3A_19, %max3A_20 : vector<1000x8xf32>
    %slice3A = vector.extract_strided_slice %max3A_21 {offsets = [0, 0], sizes = [1000, 1], strides = [1, 1]} : vector<1000x8xf32> to vector<1000x1xf32>
    %div3A = vector.broadcast %slice3A : vector<1000x1xf32> to vector<1000x128xf32>
    %div3A_22 = arith.divf %add3A, %div3A : vector<1000x128xf32>
    %get3A_23 = arith.constant 0 : index
    %get3A_24 = arith.constant 0 : index
    %get3A_25 = vector.load %arg3[%get3A_23, %get3A_24] : memref<1000x128xf32, #tpu.memory_space<vmem>>, vector<1000x128xf32>
    %add3A_26 = arith.addf %div3A_22, %get3A_25 : vector<1000x128xf32>
    %gt3A = arith.constant 0.000000e+00 : f32
    %gt3A_27 = vector.broadcast %gt3A : f32 to vector<1000x128xf32>
    %gt3A_28 = arith.cmpf ogt, %add3A_26, %gt3A_27 : vector<1000x128xf32>
    %min3A = arith.constant 0.000000e+00 : f32
    %min3A_29 = vector.broadcast %min3A : f32 to vector<1000x128xf32>
    %min3A_30 = arith.minimumf %add3A_26, %min3A_29 : vector<1000x128xf32>
    %exp3A = math.exp %min3A_30 : vector<1000x128xf32>
    %sub3A = arith.constant 1.000000e+00 : f32
    %sub3A_31 = vector.broadcast %sub3A : f32 to vector<1000x128xf32>
    %sub3A_32 = arith.subf %exp3A, %sub3A_31 : vector<1000x128xf32>
    %select_n3A = arith.select %gt3A_28, %add3A_26, %sub3A_32 : vector<1000x128xi1>, vector<1000x128xf32>
    %get3A_33 = arith.constant 0 : index
    %get3A_34 = arith.constant 0 : index
    %get3A_35 = vector.load %arg4[%get3A_33, %get3A_34] : memref<128x48xf32, #tpu.memory_space<vmem>>, vector<128x48xf32>
    %dot_general3A = arith.constant dense<0.000000e+00> : vector<1000x48xf32>
    %dot_general3A_36 = tpu.matmul %select_n3A, %get3A_35, %dot_general3A {dimension_numbers = #tpu.dot_dimension_numbers<[1], [0], [0], [1], [0, 0, 1, 1], [], []>, transpose_lhs_hint = false} : vector<1000x128xf32>, vector<128x48xf32>, vector<1000x48xf32> -> vector<1000x48xf32>
    %swap3A = arith.constant 0 : index
    %swap3A_37 = arith.constant 0 : index
    %swap3A_38 = vector.load %arg5[%swap3A, %swap3A_37] : memref<1000x48xf32, #tpu.memory_space<vmem>>, vector<1000x48xf32>
    tpu.vector_store %arg5[%swap3A, %swap3A_37], %dot_general3A_36 {strides = array<i32>} : memref<1000x48xf32, #tpu.memory_space<vmem>>, vector<1000x48xf32>,
    %swap3A_39 = arith.constant 0 : index
    %swap3A_40 = arith.constant 0 : index
    %swap3A_41 = vector.load %arg6[%swap3A_39, %swap3A_40] : memref<1000x128xf32, #tpu.memory_space<vmem>>, vector<1000x128xf32>
    tpu.vector_store %arg6[%swap3A_39, %swap3A_40], %select_n3A {strides = array<i32>} : memref<1000x128xf32, #tpu.memory_space<vmem>>, vector<1000x128xf32>,
    %swap3A_42 = arith.constant 0 : index
    %swap3A_43 = arith.constant 0 : index
    %swap3A_44 = vector.load %arg7[%swap3A_42, %swap3A_43] : memref<1000x8xf32, #tpu.memory_space<vmem>>, vector<1000x8xf32>
    tpu.vector_store %arg7[%swap3A_42, %swap3A_43], %max3A_21 {strides = array<i32>} : memref<1000x8xf32, #tpu.memory_space<vmem>>, vector<1000x8xf32>,
    return
  }
  func.func @transform_0(%arg0: i32) -> (i32, i32, i32) {
    %c0_i32 = arith.constant 0 : i32
    %c0_i32_0 = arith.constant 0 : i32
    %c0_i32_1 = arith.constant 0 : i32
    return %c0_i32, %arg0, %c0_i32_0 : i32, i32, i32
  }
  func.func @transform_1(%arg0: i32) -> (i32, i32, i32) {
    %c0_i32 = arith.constant 0 : i32
    %c0_i32_0 = arith.constant 0 : i32
    %c0_i32_1 = arith.constant 0 : i32
    return %c0_i32, %arg0, %c0_i32_0 : i32, i32, i32
  }
  func.func @transform_2(%arg0: i32) -> (i32, i32) {
    %c0_i32 = arith.constant 0 : i32
    %c0_i32_0 = arith.constant 0 : i32
    return %arg0, %c0_i32 : i32, i32
  }
  func.func @transform_3(%arg0: i32) -> (i32, i32) {
    %c0_i32 = arith.constant 0 : i32
    %c0_i32_0 = arith.constant 0 : i32
    %c0_i32_1 = arith.constant 0 : i32
    return %c0_i32, %c0_i32_0 : i32, i32
  }
  func.func @transform_4(%arg0: i32) -> (i32, i32) {
    %c0_i32 = arith.constant 0 : i32
    %c0_i32_0 = arith.constant 0 : i32
    return %arg0, %c0_i32 : i32, i32
  }
  func.func @transform_5(%arg0: i32) -> (i32, i32) {
    %c0_i32 = arith.constant 0 : i32
    %c0_i32_0 = arith.constant 0 : i32
    return %arg0, %c0_i32 : i32, i32
  }
  func.func @transform_6(%arg0: i32) -> (i32, i32) {
    %c0_i32 = arith.constant 0 : i32
    %c0_i32_0 = arith.constant 0 : i32
    return %arg0, %c0_i32 : i32, i32
  }
}

module attributes {stable_mosaic.version = 14 : i64} {
  func.func @_tc1_body(%arg0: i32, %arg1: memref<1000x128xf32, #tpu.memory_space<vmem>>, %arg2: memref<128x128xf32, #tpu.memory_space<vmem>>, %arg3: memref<128x128xf32, #tpu.memory_space<vmem>>, %arg4: memref<1x128xf32, #tpu.memory_space<vmem>>, %arg5: memref<1000x128xf32, #tpu.memory_space<vmem>>, %arg6: memref<1000x128xf32, #tpu.memory_space<vmem>>) attributes {dimension_semantics = [#tpu.dimension_semantics<arbitrary>], iteration_bounds = array<i64: 10>, scalar_prefetch = 0 : i64, scratch_operands = 0 : i64, tpu.core_type = #tpu.core_type<tc>, window_params = [{transform_indices = @transform_0, window_bounds = array<i64: 1000, 128>}, {pipeline_mode = #tpu.pipeline_mode<synchronous>, transform_indices = @transform_1, window_bounds = array<i64: 128, 128>}, {pipeline_mode = #tpu.pipeline_mode<synchronous>, transform_indices = @transform_2, window_bounds = array<i64: 128, 128>}, {pipeline_mode = #tpu.pipeline_mode<synchronous>, transform_indices = @transform_3, window_bounds = array<i64: 1, 128>}, {transform_indices = @transform_4, window_bounds = array<i64: 1000, 128>}, {transform_indices = @transform_5, window_bounds = array<i64: 1000, 128>}]} {
    %get3A = arith.constant 0 : index
    %get3A_0 = arith.constant 0 : index
    %get3A_1 = vector.load %arg1[%get3A, %get3A_0] : memref<1000x128xf32, #tpu.memory_space<vmem>>, vector<1000x128xf32>
    %get3A_2 = arith.constant 0 : index
    %get3A_3 = arith.constant 0 : index
    %get3A_4 = vector.load %arg2[%get3A_2, %get3A_3] : memref<128x128xf32, #tpu.memory_space<vmem>>, vector<128x128xf32>
    %dot_general3A = arith.constant dense<0.000000e+00> : vector<1000x128xf32>
    %dot_general3A_5 = tpu.matmul %get3A_1, %get3A_4, %dot_general3A {dimension_numbers = #tpu.dot_dimension_numbers<[1], [0], [0], [1], [0, 0, 1, 1], [], []>, transpose_lhs_hint = false} : vector<1000x128xf32>, vector<128x128xf32>, vector<1000x128xf32> -> vector<1000x128xf32>
    %swap3A = arith.constant 0 : index
    %swap3A_6 = arith.constant 0 : index
    %swap3A_7 = vector.load %arg5[%swap3A, %swap3A_6] : memref<1000x128xf32, #tpu.memory_space<vmem>>, vector<1000x128xf32>
    tpu.vector_store %arg5[%swap3A, %swap3A_6], %dot_general3A_5 {strides = array<i32>} : memref<1000x128xf32, #tpu.memory_space<vmem>>, vector<1000x128xf32>,
    %get3A_8 = arith.constant 0 : index
    %get3A_9 = arith.constant 0 : index
    %get3A_10 = vector.load %arg3[%get3A_8, %get3A_9] : memref<128x128xf32, #tpu.memory_space<vmem>>, vector<128x128xf32>
    %dot_general3A_11 = arith.constant dense<0.000000e+00> : vector<1000x128xf32>
    %dot_general3A_12 = tpu.matmul %get3A_1, %get3A_10, %dot_general3A_11 {dimension_numbers = #tpu.dot_dimension_numbers<[1], [0], [0], [1], [0, 0, 1, 1], [], []>, transpose_lhs_hint = false} : vector<1000x128xf32>, vector<128x128xf32>, vector<1000x128xf32> -> vector<1000x128xf32>
    %get3A_13 = arith.constant 0 : index
    %get3A_14 = arith.constant 0 : index
    %get3A_15 = vector.load %arg4[%get3A_13, %get3A_14] : memref<1x128xf32, #tpu.memory_space<vmem>>, vector<1x128xf32>
    %add3A = vector.broadcast %get3A_15 : vector<1x128xf32> to vector<1000x128xf32>
    %add3A_16 = arith.addf %dot_general3A_12, %add3A : vector<1000x128xf32>
    %swap3A_17 = arith.constant 0 : index
    %swap3A_18 = arith.constant 0 : index
    %swap3A_19 = vector.load %arg6[%swap3A_17, %swap3A_18] : memref<1000x128xf32, #tpu.memory_space<vmem>>, vector<1000x128xf32>
    tpu.vector_store %arg6[%swap3A_17, %swap3A_18], %add3A_16 {strides = array<i32>} : memref<1000x128xf32, #tpu.memory_space<vmem>>, vector<1000x128xf32>,
    return
  }
  func.func @transform_0(%arg0: i32) -> (i32, i32) {
    %c0_i32 = arith.constant 0 : i32
    %c0_i32_0 = arith.constant 0 : i32
    return %arg0, %c0_i32 : i32, i32
  }
  func.func @transform_1(%arg0: i32) -> (i32, i32) {
    %c0_i32 = arith.constant 0 : i32
    %c0_i32_0 = arith.constant 0 : i32
    %c0_i32_1 = arith.constant 0 : i32
    return %c0_i32, %c0_i32_0 : i32, i32
  }
  func.func @transform_2(%arg0: i32) -> (i32, i32) {
    %c0_i32 = arith.constant 0 : i32
    %c0_i32_0 = arith.constant 0 : i32
    %c0_i32_1 = arith.constant 0 : i32
    return %c0_i32, %c0_i32_0 : i32, i32
  }
  func.func @transform_3(%arg0: i32) -> (i32, i32) {
    %c0_i32 = arith.constant 0 : i32
    %c0_i32_0 = arith.constant 0 : i32
    %c0_i32_1 = arith.constant 0 : i32
    return %c0_i32, %c0_i32_0 : i32, i32
  }
  func.func @transform_4(%arg0: i32) -> (i32, i32) {
    %c0_i32 = arith.constant 0 : i32
    %c0_i32_0 = arith.constant 0 : i32
    return %arg0, %c0_i32 : i32, i32
  }
  func.func @transform_5(%arg0: i32) -> (i32, i32) {
    %c0_i32 = arith.constant 0 : i32
    %c0_i32_0 = arith.constant 0 : i32
    return %arg0, %c0_i32 : i32, i32
  }
}

module attributes {stable_mosaic.version = 14 : i64} {
  func.func @_tc2b_body(%arg0: i32, %arg1: memref<1000x128xf32, #tpu.memory_space<vmem>>, %arg2: memref<128x40xf32, #tpu.memory_space<vmem>>, %arg3: memref<1x40xf32, #tpu.memory_space<vmem>>, %arg4: memref<1000x40xf32, #tpu.memory_space<vmem>>) attributes {dimension_semantics = [#tpu.dimension_semantics<arbitrary>], iteration_bounds = array<i64: 10>, scalar_prefetch = 0 : i64, scratch_operands = 0 : i64, tpu.core_type = #tpu.core_type<tc>, window_params = [{transform_indices = @transform_0, window_bounds = array<i64: 1000, 128>}, {pipeline_mode = #tpu.pipeline_mode<synchronous>, transform_indices = @transform_1, window_bounds = array<i64: 128, 40>}, {pipeline_mode = #tpu.pipeline_mode<synchronous>, transform_indices = @transform_2, window_bounds = array<i64: 1, 40>}, {transform_indices = @transform_3, window_bounds = array<i64: 1000, 40>}]} {
    %get3A = arith.constant 0 : index
    %get3A_0 = arith.constant 0 : index
    %get3A_1 = vector.load %arg1[%get3A, %get3A_0] : memref<1000x128xf32, #tpu.memory_space<vmem>>, vector<1000x128xf32>
    %get3A_2 = arith.constant 0 : index
    %get3A_3 = arith.constant 0 : index
    %get3A_4 = vector.load %arg2[%get3A_2, %get3A_3] : memref<128x40xf32, #tpu.memory_space<vmem>>, vector<128x40xf32>
    %dot_general3A = arith.constant dense<0.000000e+00> : vector<1000x40xf32>
    %dot_general3A_5 = tpu.matmul %get3A_1, %get3A_4, %dot_general3A {dimension_numbers = #tpu.dot_dimension_numbers<[1], [0], [0], [1], [0, 0, 1, 1], [], []>, transpose_lhs_hint = false} : vector<1000x128xf32>, vector<128x40xf32>, vector<1000x40xf32> -> vector<1000x40xf32>
    %get3A_6 = arith.constant 0 : index
    %get3A_7 = arith.constant 0 : index
    %get3A_8 = vector.load %arg3[%get3A_6, %get3A_7] : memref<1x40xf32, #tpu.memory_space<vmem>>, vector<1x40xf32>
    %add3A = vector.broadcast %get3A_8 : vector<1x40xf32> to vector<1000x40xf32>
    %add3A_9 = arith.addf %dot_general3A_5, %add3A : vector<1000x40xf32>
    %swap3A = arith.constant 0 : index
    %swap3A_10 = arith.constant 0 : index
    %swap3A_11 = vector.load %arg4[%swap3A, %swap3A_10] : memref<1000x40xf32, #tpu.memory_space<vmem>>, vector<1000x40xf32>
    tpu.vector_store %arg4[%swap3A, %swap3A_10], %add3A_9 {strides = array<i32>} : memref<1000x40xf32, #tpu.memory_space<vmem>>, vector<1000x40xf32>,
    return
  }
  func.func @transform_0(%arg0: i32) -> (i32, i32) {
    %c0_i32 = arith.constant 0 : i32
    %c0_i32_0 = arith.constant 0 : i32
    return %arg0, %c0_i32 : i32, i32
  }
  func.func @transform_1(%arg0: i32) -> (i32, i32) {
    %c0_i32 = arith.constant 0 : i32
    %c0_i32_0 = arith.constant 0 : i32
    %c0_i32_1 = arith.constant 0 : i32
    return %c0_i32, %c0_i32_0 : i32, i32
  }
  func.func @transform_2(%arg0: i32) -> (i32, i32) {
    %c0_i32 = arith.constant 0 : i32
    %c0_i32_0 = arith.constant 0 : i32
    %c0_i32_1 = arith.constant 0 : i32
    return %c0_i32, %c0_i32_0 : i32, i32
  }
  func.func @transform_3(%arg0: i32) -> (i32, i32) {
    %c0_i32 = arith.constant 0 : i32
    %c0_i32_0 = arith.constant 0 : i32
    return %arg0, %c0_i32 : i32, i32
  }
}

module attributes {stable_mosaic.version = 14 : i64} {
  func.func @_tc3_body(%arg0: i32, %arg1: memref<2x1000x48xf32, #tpu.memory_space<vmem>>, %arg2: memref<1000x8xf32, #tpu.memory_space<vmem>>, %arg3: memref<1000x40xf32, #tpu.memory_space<vmem>>, %arg4: memref<1000x40xf32, #tpu.memory_space<vmem>>) attributes {dimension_semantics = [#tpu.dimension_semantics<arbitrary>], iteration_bounds = array<i64: 10>, scalar_prefetch = 0 : i64, scratch_operands = 0 : i64, tpu.core_type = #tpu.core_type<tc>, window_params = [{transform_indices = @transform_0, window_bounds = array<i64: 2, 1000, 48>}, {transform_indices = @transform_1, window_bounds = array<i64: 1000, 8>}, {transform_indices = @transform_2, window_bounds = array<i64: 1000, 40>}, {transform_indices = @transform_3, window_bounds = array<i64: 1000, 40>}]} {
    %get3A = arith.constant 0 : index
    %get3A_0 = arith.constant 0 : index
    %get3A_1 = arith.constant 0 : index
    %get3A_2 = vector.load %arg1[%get3A, %get3A_0, %get3A_1] : memref<2x1000x48xf32, #tpu.memory_space<vmem>>, vector<1x1000x40xf32>
    %get3A_3 = vector.shape_cast %get3A_2 : vector<1x1000x40xf32> to vector<1000x40xf32>
    %get3A_4 = arith.constant 1 : index
    %get3A_5 = arith.constant 0 : index
    %get3A_6 = arith.constant 0 : index
    %get3A_7 = vector.load %arg1[%get3A_4, %get3A_5, %get3A_6] : memref<2x1000x48xf32, #tpu.memory_space<vmem>>, vector<1x1000x40xf32>
    %get3A_8 = vector.shape_cast %get3A_7 : vector<1x1000x40xf32> to vector<1000x40xf32>
    %add3A = arith.addf %get3A_3, %get3A_8 : vector<1000x40xf32>
    %get3A_9 = arith.constant 0 : index
    %get3A_10 = arith.constant 0 : index
    %get3A_11 = vector.load %arg2[%get3A_9, %get3A_10] : memref<1000x8xf32, #tpu.memory_space<vmem>>, vector<1000x1xf32>
    %div3A = vector.broadcast %get3A_11 : vector<1000x1xf32> to vector<1000x40xf32>
    %div3A_12 = arith.divf %add3A, %div3A : vector<1000x40xf32>
    %get3A_13 = arith.constant 0 : index
    %get3A_14 = arith.constant 0 : index
    %get3A_15 = vector.load %arg3[%get3A_13, %get3A_14] : memref<1000x40xf32, #tpu.memory_space<vmem>>, vector<1000x40xf32>
    %add3A_16 = arith.addf %div3A_12, %get3A_15 : vector<1000x40xf32>
    %swap3A = arith.constant 0 : index
    %swap3A_17 = arith.constant 0 : index
    %swap3A_18 = vector.load %arg4[%swap3A, %swap3A_17] : memref<1000x40xf32, #tpu.memory_space<vmem>>, vector<1000x40xf32>
    tpu.vector_store %arg4[%swap3A, %swap3A_17], %add3A_16 {strides = array<i32>} : memref<1000x40xf32, #tpu.memory_space<vmem>>, vector<1000x40xf32>,
    return
  }
  func.func @transform_0(%arg0: i32) -> (i32, i32, i32) {
    %c0_i32 = arith.constant 0 : i32
    %c0_i32_0 = arith.constant 0 : i32
    %c0_i32_1 = arith.constant 0 : i32
    return %c0_i32, %arg0, %c0_i32_0 : i32, i32, i32
  }
  func.func @transform_1(%arg0: i32) -> (i32, i32) {
    %c0_i32 = arith.constant 0 : i32
    %c0_i32_0 = arith.constant 0 : i32
    return %arg0, %c0_i32 : i32, i32
  }
  func.func @transform_2(%arg0: i32) -> (i32, i32) {
    %c0_i32 = arith.constant 0 : i32
    %c0_i32_0 = arith.constant 0 : i32
    return %arg0, %c0_i32 : i32, i32
  }
  func.func @transform_3(%arg0: i32) -> (i32, i32) {
    %c0_i32 = arith.constant 0 : i32
    %c0_i32_0 = arith.constant 0 : i32
    return %arg0, %c0_i32 : i32, i32
  }
}

</mosaic_0001>

<sc_bundles>
// kernel: kernel.11.cloned.1.call-start
scs
__scs_entry_jumppad:
0x0: {  	(pc) =	sbr.rel $0x88, $3  }
0x1: {  	(tag) =	ssettag $0x0;
	lr =	simm.s32 $0x1  }
0x2: {  	[smem:$0x3F98] =	sst lr;
	_ =	strace $0xD0000000  }
0x3: {  	_ = 	snop  }
0x4: {  	_ = 	snop  }
0x5: {  	_ = 	snop  }
0x6: {  	_ = 	snop  }
0x7: {  	_ = 	snop  }
__scs_overlays_trampoline_lowered:
0x8: {  	[smem:$0x3FA7] =	sst s0  }
0x9: {  	[smem:$0x3FA8] =	sst s1  }
0xa: {  	[smem:$0x3FA9] =	sst s2  }
0xb: {  	[smem:$0x3FAA] =	sst s3  }
0xc: {  	[smem:$0x3FAB] =	sst s4  }
0xd: {  	[smem:$0x3FAC] =	sst s5  }
0xe: {  	[smem:$0x3FAD] =	sst s6  }
0xf: {  	[smem:$0x3FAE] =	sst s7  }
0x10: {  	[smem:$0x3FAF] =	sst s8  }
0x11: {  	[smem:$0x3FB0] =	sst s9;
	s0 =	simm.s32 @!p0 $0x0  }
0x12: {  	s1 =	sld [smem:$0x3F96];
	s0 =	simm.s32 @p0 $0x1  }
0x13: {  	[smem:$0x3FB1] =	sst s0;
	s0 =	simm.s32 @!p1 $0x0  }
0x14: {  	s2 =	sld [smem:$0x3F95];
	s0 =	simm.s32 @p1 $0x1  }
0x15: {  	[smem:$0x3FB2] =	sst s0;
	s0 =	simm.s32 @!p2 $0x0  }
0x16: {  	s3 =	sld [smem:$0x3FDB];
	s0 =	simm.s32 @p2 $0x1  }
0x17: {  	s4 =	simm.s32 $0x1BF5;
	[smem:$0x3FB4] =	sst s0  }
0x18: {  	s0 =	sld [smem:$0x3F97];
	_ =	swait.ge [sflag:s4], $0x0  }
0x19: {  	s7 =	sld [smem:$0x3F98]  }
0x1a: {  	s8 =	sadd.s32 $0xFFFFE003, lr  }
0x1b: {  	s9 =	sadd.s32 $0xFFFFFEF7, lr;
	s5 =	simm.s32 $0xFFFFFFFF;
	p2 =	slt.u32 s8, $0xFFFFF086  }
0x1c: {  	p1 =	slt.u32 s9, $0xF7A;
	s5 =	simm.s32 @!p2 $0x0  }
0x1d: {  	s5 =	simm.s32 @p1 $0x1;
	p0 =	seq.s32 s7, s2  }
0x1e: {  	s7 =	smul.u32 @!p0 $0xF7A, s2;
	p2 =	seq.s32 @!p0 s5, $0x0  }
0x1f: {  	s9 =	smul.u32 $0xF7A, s1;
	s8 =	simm.s32 @!p0 $0x1BF5;
	p2 =	por !p2, p0  }
0x20: {  	[sflag:s8] =	ssyncset.s32 @!p0 $0xFFFFF086;
	s6 =	sadd.s32 @!p0 s3, s7;
	s7 =	simm.s32 @!p0 $0x108  }
0x21: {  	s3 =	sadd.s32 s3, s9;
	s6 =	sadd.s32 @!p0 $0x88, s6;
	s7 =	simm.s32 @p2 $0x1082  }
0x22: {  	[simem:s7], [sflag:s8] =	dma.local @!p0 [hbm:s6], $0xF7A  }
0x23: {  	s9 =	sor.u32 $0xD0000000, s2;
	s6 =	simm.s32 $0x108;
	_ =	swait.ge @!p0 [sflag:s8], $0x0  }
0x24: {  	s3 =	sadd.s32 $0x88, s3;
	s6 =	simm.s32 @!p1 $0x1082;
	[sflag:s4] =	ssyncset.s32 $0xFFFFF086  }
0x25: {  	[simem:s6], [sflag:s4] =	dma.local [hbm:s3], $0xF7A  }
0x26: {  	[smem:$0x3F98] =	sst s1;
	(tag) =	ssettag s2;
	_ =	strace s9  }
0x27: {  	s1 =	sld [smem:$0x3FA8]  }
0x28: {  	s2 =	sld [smem:$0x3FA9]  }
0x29: {  	s4 =	sld [smem:$0x3FAB]  }
0x2a: {  	p0 =	seq.s32 s5, $0x0;
	s5 =	sld [smem:$0x3FAC]  }
0x2b: {  	s6 =	sld [smem:$0x3FAD]  }
0x2c: {  	s7 =	sld [smem:$0x3FAE]  }
0x2d: {  	s3 =	simm.s32 $0x108;
	s8 =	sld [smem:$0x3FAF]  }
0x2e: {  	s3 =	simm.s32 @!p0 $0x1082;
	s9 =	sld [smem:$0x3FB0]  }
0x2f: {  	lr =	sadd.s32 s0, s3;
	s0 =	sld [smem:$0x3FA7]  }
0x30: {  	s3 =	sld [smem:$0x3FAA]  }
0x31: {  	[smem:$0x3FB3] =	sst s10  }
0x32: {  	s10 =	sld [smem:$0x3FB1];
	_ =	sdelay $0x3  }
0x33: {  	p0 =	seq.s32 s10, $0x1;
	s10 =	sld [smem:$0x3FB3];
	_ =	sdelay $0x3  }
0x34: {  	[smem:$0x3FB3] =	sst s10  }
0x35: {  	s10 =	sld [smem:$0x3FB2];
	_ =	sdelay $0x3  }
0x36: {  	p1 =	seq.s32 s10, $0x1;
	s10 =	sld [smem:$0x3FB3];
	_ =	sdelay $0x3  }
0x37: {  	[smem:$0x3FB3] =	sst s10  }
0x38: {  	s10 =	sld [smem:$0x3FB4]  }
0x39: {  	_ = 	snop;
	(pc) =	sbr.ind lr, $3  }
0x3a: {  	_ = 	snop  }
0x3b: {  	_ = 	snop  }
0x3c: {  	p2 =	seq.s32 s10, $0x1;
	s10 =	sld [smem:$0x3FB3]  }
0x3d: {  	_ =	shalt  }
0x3e: {  	_ =	shalt  }
0x3f: {  	_ =	shalt  }
0x40: {  	_ =	shalt  }
0x41: {  	_ =	shalt  }
0x42: {  	_ =	shalt  }
0x43: {  	_ =	shalt  }
0x44: {  	_ =	shalt  }
0x45: {  	_ =	shalt  }
0x46: {  	_ =	shalt  }
0x47: {  	_ =	shalt  }
0x48: {  	_ =	shalt  }
0x49: {  	_ =	shalt  }
0x4a: {  	_ =	shalt  }
0x4b: {  	_ =	shalt  }
0x4c: {  	_ =	shalt  }
0x4d: {  	_ =	shalt  }
0x4e: {  	_ =	shalt  }
0x4f: {  	_ =	shalt  }
0x50: {  	_ =	shalt  }
0x51: {  	_ =	shalt  }
0x52: {  	_ =	shalt  }
0x53: {  	_ =	shalt  }
0x54: {  	_ =	shalt  }
0x55: {  	_ =	shalt  }
0x56: {  	_ =	shalt  }
0x57: {  	_ =	shalt  }
0x58: {  	_ =	shalt  }
0x59: {  	_ =	shalt  }
0x5a: {  	_ =	shalt  }
0x5b: {  	_ =	shalt  }
0x5c: {  	_ =	shalt  }
0x5d: {  	_ =	shalt  }
0x5e: {  	_ =	shalt  }
0x5f: {  	_ =	shalt  }
0x60: {  	_ =	shalt  }
0x61: {  	_ =	shalt  }
0x62: {  	_ =	shalt  }
0x63: {  	_ =	shalt  }
0x64: {  	_ =	shalt  }
0x65: {  	_ =	shalt  }
0x66: {  	_ =	shalt  }
0x67: {  	_ =	shalt  }
0x68: {  	_ =	shalt  }
0x69: {  	_ =	shalt  }
0x6a: {  	_ =	shalt  }
0x6b: {  	_ =	shalt  }
0x6c: {  	_ =	shalt  }
0x6d: {  	_ =	shalt  }
0x6e: {  	_ =	shalt  }
0x6f: {  	_ =	shalt  }
0x70: {  	_ =	shalt  }
0x71: {  	_ =	shalt  }
0x72: {  	_ =	shalt  }
0x73: {  	_ =	shalt  }
0x74: {  	_ =	shalt  }
0x75: {  	_ =	shalt  }
0x76: {  	_ =	shalt  }
0x77: {  	_ =	shalt  }
0x78: {  	_ =	shalt  }
0x79: {  	_ =	shalt  }
0x7a: {  	_ =	shalt  }
0x7b: {  	_ =	shalt  }
0x7c: {  	_ =	shalt  }
0x7d: {  	_ =	shalt  }
0x7e: {  	_ =	shalt  }
0x7f: {  	_ =	shalt  }
0x80: {  	_ =	shalt  }
0x81: {  	_ =	shalt  }
0x82: {  	_ =	shalt  }
0x83: {  	_ =	shalt  }
0x84: {  	_ =	shalt  }
0x85: {  	_ =	shalt  }
0x86: {  	_ =	shalt  }
0x87: {  	_ =	shalt  }
.Lfunc_end0:
.L_simem_size_0:
called_computation.1_lowered:
.L_overlay_start_0:
0x88: {  	s2 =	sld [smem:$0x3FD9]  }
0x89: {  	s3 =	sld [smem:$0x3FFE];
	_ =	sdelay $0x1  }
0x8a: {  	s1 =	srdreg.scid  }
0x8b: {  	s0 =	sand.u32 $0x1, s1  }
0x8c: {  	s14 =	sshll.u32 s0, $0xA;
	s2 =	sadd.s32 s3, s2  }
0x8d: {  	s2 =	sadd.s32 s2, s14  }
0x8e: {  	[smem:$0x3FBF] =	sst s2  }
0x8f: {  	_ = 	snop  }
0x90: {  	s2 =	sld [smem:$0x3FD0];
	_ =	sdelay $0x2  }
0x91: {  	s15 =	simm.s32 $0xA;
	s4 =	simm.s32 $0x10  }
0x92: {  	[smem:s4], [sflag:s15] =	dma.local [hbm:s2], $0x1  }
0x93: {  	_ =	swait.eq [sflag:s15], $0x1  }
0x94: {  	[sflag:s15] =	ssyncset.done $0x0  }
0x95: {  	[sflag:s15] =	ssyncadd.s32 $0xFFFFFFFF  }
0x96: {  	s16 =	sld [smem:$0x11];
	(tm) =	ssettm $0x1  }
0x97: {  	s17 =	sld [smem:$0x3FFB];
	_ =	sdelay $0x3  }
0x98: {  	_ =	strace s17  }
0x99: {  	s3 =	sld [smem:$0x3FFC];
	_ =	sdelay $0x3  }
0x9a: {  	_ =	strace s3  }
0x9b: {  	s3 =	sld [smem:$0x3FFD];
	_ =	sdelay $0x3  }
0x9c: {  	_ =	strace s3  }
0x9d: {  	_ =	strace $0x8FFFFFFF  }
0x9e: {  	s18 =	sld [smem:$0x3FDB];
	_ =	sdelay $0x1  }
0x9f: {  	s19 =	simm.s32 $_scs_section_size  }
0xa0: {  	s5 =	simm.s32 $_size__tile_overlayer_lowered;
	s6 =	simm.s32 $_tile_overlayer_lowered  }
0xa1: {  	s22 =	simm.s32 $0x1BFF;
	s21 =	sshll.u32 s6, $0x1;
	s3 =	sadd.s32 s19, s18  }
0xa2: {  	s7 =	simm.s32 $0x0;
	s20 =	sshll.u32 s5, $0x1;
	s5 =	sadd.s32 s21, s3  }
0xa3: {  	[timem:s7], [sflag:s22] =	dma.local [hbm:s5], s20  }
0xa4: {  	_ =	swait.ge [sflag:s22], s20  }
0xa5: {  	s4 =	ssub.s32 $0x0, s20;
	[sflag:s22] =	ssyncset.done $0x0  }
0xa6: {  	[sflag:s22] =	ssyncadd.s32 s4;
	_ =	sdelay $0x1  }
0xa7: {  	s23 =	simm.s32 $0x1B8B  }
0xa8: {  	_ =	swait.ge [sflag:s23], $0x1  }
0xa9: {  	[sflag:s23] =	ssyncset.done $0x0  }
0xaa: {  	s25 =	simm.s32 $0x1B8E;
	s24 =	sld [smem:$0x3FFE];
	[sflag:s23] =	ssyncadd.s32 $0xFFFFFFFF  }
0xab: {  	s26 =	simm.s32 $execute0_lowered;
	[smem:$0x3FD2] =	sst s25  }
0xac: {  	s5 =	sshll.u32 s26, $0x1;
	_ =	strace $0x80000049;
	[dreg:$0x1] =	wrdreg $0xFFFFFFFF  }
0xad: {  	s28 =	simm.s32 $_size_execute0_lowered;
	s3 =	sadd.s32 s3, s5;
	[dreg:$0x0] =	wrdreg $0x0  }
0xae: {  	s5 =	sshll.u32 s28, $0x1;
	[dreg:$0x2] =	wrdreg s3  }
0xaf: {  	[dreg:$0x3] =	wrdreg s5  }
0xb0: {  	[dreg:$0x4] =	wrdreg $0xC0  }
0xb1: {  	_ =	task [dreg:s7], $0x5FFFF  }
0xb2: {  	[dreg:$0x1] =	wrdreg $0xFFFFFFFF  }
0xb3: {  	[dreg:$0x0] =	wrdreg $0x60  }
0xb4: {  	[dreg:$0x2] =	wrdreg s16  }
0xb5: {  	[dreg:$0x3] =	wrdreg s24  }
0xb6: {  	[dreg:$0x4] =	wrdreg $0xA8200  }
0xb7: {  	[dreg:$0x5] =	wrdreg $0x9  }
0xb8: {  	_ =	task.clear_ibuf [dreg:s7], $0x6FFFF;
	_ =	strace $0x90000049  }
0xb9: {  	s29 =	simm.s32 $0x9;
	_ =	strace $0x8000004B  }
0xba: {  	_ =	swait.ge [sflag:s29], $0x1  }
0xbb: {  	[sflag:s29] =	ssyncadd.s32 $0xFFFFFFFF  }
0xbc: {  	_ =	strace $0x9000004B  }
0xbd: {  	_ =	sfence  }
0xbe: {  	s30 =	sld [smem:$0x0];
	_ =	sdelay $0x2  }
0xbf: {  	s31 =	sshll.u32 s1, $0xD;
	s1 =	sshrl.u32 s1, $0x2  }
0xc0: {  	s3 =	sand.u32 $0x4000, s31;
	s1 =	sadd.s32 s1, s30  }
0xc1: {  	s0 =	sor.u32 s3, s0;
	s1 =	sshll.u32 s1, $0x11  }
0xc2: {  	s0 =	sor.u32 s1, s0  }
0xc3: {  	s0 =	sadd.s32 $0x8F2B, s0  }
0xc4: {  	[sflag:s0] =	ssyncadd.remote.s32 $0x1  }
0xc5: {  	_ =	sfence.sel $0xFFFF  }
0xc6: {  	[dreg:$0x0] =	wrdreg $0xFFFFFFFF;
	(pc) =	sbr.abs _section_cstart, $3  }
0xc7: {  	[dreg:$0x1] =	wrdreg $0xFFFFFFFF  }
0xc8: {  	_ =	task.clear_ibuf [dreg:s7], $0x2FFFF;
	_ =	strace $0x9FFFFFFF  }
0xc9: {  	(tm) =	ssettm $0x7FFFFFFF  }
tec
execute0_lowered:
.L_overlay_start_1:
0x0: {  	(tag) =	ssettag $0x1  }
0x1: {  	s1 =	rddreg [dreg:$0x0]  }
0x2: {  	s0 =	srdreg.scid;
	s2 =	rddreg [dreg:$0x1]  }
0x3: {  	s10 =	stileid.u32;
	s3 =	rddreg [dreg:$0x2]  }
0x4: {  	s5 =	simm.s32 $0x0;
	s12 =	simm.s32 $0xD;
	s17 =	simm.s32 $0x28  }
0x5: {  	s19 =	simm.s32 $0x55A0;
	s28 =	simm.s32 $0x73A0;
	s30 =	simm.s32 $0x7B20  }
0x6: {  	s13 =	simm.s32 $0x8A20;
	s31 =	simm.s32 $0xA0A0;
	s20 =	simm.s32 $0x2  }
0x7: {  	s29 =	simm.s32 $0x4;
	s11 =	simm.s32 $0xB;
	s14 =	simm.s32 $0x0  }
0x8: {  	s0 =	sand.u32 $0x1, s0;
	s4 =	sshll.u32 s10, $0x1;
	[smem:$0x7FF] =	sst s5  }
0x9: {  	s21 =	smul.u32 $0x7500, s10;
	s9 =	sadd.s32 $0x24600, s2;
	p0 =	sne.s32 s10, $0xF  }
0xa: {  	s26 =	sshll.u32 s10, $0x6;
	s10 =	simm.s32 $0xA;
	s4 =	sor.u32 s0, s4  }
0xb: {  	_ =	strace $0x8000004A;
	s7 =	ssub.s32 $0x2, s0;
	s0 =	smul.u32 $0x75300, s0  }
0xc: {  	s18 =	sor.u32 $0x1C0D, s26;
	s26 =	simm.s32 $0x9920;
	[dreg:$0xe] =	wrdreg s14  }
0xd: {  	s4 =	smul.u32 $0x2710, s4;
	s6 =	sshrl.u32 s21, $0x3;
	s8 =	sshrl.u32 s7, $0x1  }
0xe: {  	s23 =	sadd.s32 s21, s3;
	[dreg:$0xb] =	wrdreg s18;
	s6 =	sadd.s32 s6, s2  }
0xf: {  	s7 =	ssub.s32 s7, s8;
	s5 =	sadd.s32 s21, s0;
	s0 =	sshrl.u32 s0, $0x3  }
0x10: {  	s15 =	sshrl.u32 s23, $0x3;
	s23 =	simm.s32 $0x64A0;
	s8 =	simm.s32 $0x8  }
0x11: {  	s4 =	sshrl.u32 s4, $0x3;
	s6 =	sadd.s32 $0x15A00, s6;
	s5 =	sshrl.u32 s5, $0x3  }
0x12: {  	s0 =	sadd.s32 s9, s0;
	s25 =	smax.u32 s7, $0x1;
	[dreg:$0xc] =	wrdreg s15  }
0x13: {  	s7 =	simm.s32 $0x7;
	s4 =	sadd.s32 s4, s2;
	[dreg:$0x6] =	wrdreg s6  }
0x14: {  	s6 =	sadd.s32 $0x75000, s3;
	s2 =	sadd.s32 $0x24400, s2;
	[dreg:$0xa] =	wrdreg s25  }
0x15: {  	s24 =	sadd.s32 s9, s5;
	s0 =	sadd.s32 $0xEA00, s0;
	[dreg:$0x7] =	wrdreg s2  }
0x16: {  	s25 =	simm.s32 $0x6C20;
	s5 =	simm.s32 $0x5;
	[dreg:$0x8] =	wrdreg s24  }
.Ltmp0:
0x17: {  	s22 =	sadd.s32 $0x2000, s4;
	[dreg:$0x9] =	wrdreg s0;
	(pc) =	sbr.rel .LBB2_1-.Ltmp0, $4  }
0x18: {  	s9 =	simm.s32 $0x9;
	s4 =	sadd.s32 $0xBC40, s4;
	[dreg:$0x4] =	wrdreg s22  }
0x19: {  	s0 =	sshrl.u32 @!p0 s6, $0x3;
	s2 =	simm.s32 $0x82A0;
	[dreg:$0x5] =	wrdreg s4  }
0x1a: {  	s24 =	simm.s32 $0x3;
	s6 =	simm.s32 $0x6;
	[dreg:$0xd] =	wrdreg s0  }
0x1b: {  	s22 =	simm.s32 $0x91A0;
	s0 =	simm.s32 $0x1;
	s4 =	simm.s32 $0xC  }
.LBB2_4:
0x1c: {  	_ =	swait.ge [sflag:s4], $0x780  }
0x1d: {  	[sflag:s4] =	ssyncset.done $0x0  }
0x1e: {  	[sflag:s4] =	ssyncadd.s32 $0xFFFFF880  }
0x1f: {  	[spmem:s3] =	stream.indirect.scatter.add.f32 [tilespmem:s31], [sflag:$0xD], $0x30, s15, s17, $0xb8;
	[tilespmem:$0x11D50] =	vst v63  }
0x20: {  	_ =	swait.ge [sflag:s12], $0x780  }
0x21: {  	[sflag:s12] =	ssyncset.done $0x0  }
0x22: {  	[sflag:s12] =	ssyncadd.s32 $0xFFFFF880  }
0x23: {  	_ =	swait.ge [sflag:s0], $0x780  }
0x24: {  	[sflag:s0] =	ssyncset.done $0x0  }
0x25: {  	s14 =	simm.s32 $0x4C90;
	[sflag:s0] =	ssyncadd.s32 $0xFFFFF880  }
0x26: {  	[spmem:s3] =	stream.indirect.scatter.add.f32 [tilespmem:s18], [sflag:$0xD], $0x30, s14, s17, $0xb8;
	[tilespmem:$0x11D50] =	vst v63  }
0x27: {  	_ =	swait.ge [sflag:s12], $0x780  }
0x28: {  	[sflag:s12] =	ssyncset.done $0x0  }
0x29: {  	[sflag:s12] =	ssyncadd.s32 $0xFFFFF880  }
0x2a: {  	_ =	swait.ge [sflag:s20], $0x780  }
0x2b: {  	[sflag:s20] =	ssyncset.done $0x0  }
0x2c: {  	s15 =	simm.s32 $0x4CB8;
	[sflag:s20] =	ssyncadd.s32 $0xFFFFF880  }
0x2d: {  	[spmem:s3] =	stream.indirect.scatter.add.f32 [tilespmem:s19], [sflag:$0xD], $0x30, s15, s17, $0xb8;
	[tilespmem:$0x11D50] =	vst v63  }
0x2e: {  	_ =	swait.ge [sflag:s12], $0x780  }
0x2f: {  	[sflag:s12] =	ssyncset.done $0x0  }
0x30: {  	[sflag:s12] =	ssyncadd.s32 $0xFFFFF880  }
0x31: {  	_ =	swait.ge [sflag:s24], $0x780  }
0x32: {  	[sflag:s24] =	ssyncset.done $0x0  }
0x33: {  	s16 =	simm.s32 $0x4CE0;
	[sflag:s24] =	ssyncadd.s32 $0xFFFFF880  }
0x34: {  	[spmem:s3] =	stream.indirect.scatter.add.f32 [tilespmem:s21], [sflag:$0xD], $0x30, s16, s17, $0xb8;
	[tilespmem:$0x11D50] =	vst v63  }
0x35: {  	_ =	swait.ge [sflag:s12], $0x780  }
0x36: {  	[sflag:s12] =	ssyncset.done $0x0  }
0x37: {  	[sflag:s12] =	ssyncadd.s32 $0xFFFFF880  }
0x38: {  	_ =	swait.ge [sflag:s29], $0x780  }
0x39: {  	[sflag:s29] =	ssyncset.done $0x0  }
0x3a: {  	s18 =	simm.s32 $0x4D08;
	[sflag:s29] =	ssyncadd.s32 $0xFFFFF880  }
0x3b: {  	[spmem:s3] =	stream.indirect.scatter.add.f32 [tilespmem:s23], [sflag:$0xD], $0x30, s18, s17, $0xb8;
	[tilespmem:$0x11D50] =	vst v63  }
0x3c: {  	_ =	swait.ge [sflag:s12], $0x780  }
0x3d: {  	[sflag:s12] =	ssyncset.done $0x0  }
0x3e: {  	[sflag:s12] =	ssyncadd.s32 $0xFFFFF880  }
0x3f: {  	_ =	swait.ge [sflag:s5], $0x780  }
0x40: {  	[sflag:s5] =	ssyncset.done $0x0  }
0x41: {  	s19 =	simm.s32 $0x4D30;
	[sflag:s5] =	ssyncadd.s32 $0xFFFFF880  }
0x42: {  	[spmem:s3] =	stream.indirect.scatter.add.f32 [tilespmem:s25], [sflag:$0xD], $0x30, s19, s17, $0xb8;
	[tilespmem:$0x11D50] =	vst v63  }
0x43: {  	_ =	swait.ge [sflag:s12], $0x780  }
0x44: {  	[sflag:s12] =	ssyncset.done $0x0  }
0x45: {  	[sflag:s12] =	ssyncadd.s32 $0xFFFFF880  }
0x46: {  	_ =	swait.ge [sflag:s6], $0x780  }
0x47: {  	[sflag:s6] =	ssyncset.done $0x0  }
0x48: {  	s21 =	simm.s32 $0x4D58;
	[sflag:s6] =	ssyncadd.s32 $0xFFFFF880  }
0x49: {  	[spmem:s3] =	stream.indirect.scatter.add.f32 [tilespmem:s28], [sflag:$0xD], $0x30, s21, s17, $0xb8;
	[tilespmem:$0x11D50] =	vst v63  }
0x4a: {  	_ =	swait.ge [sflag:s12], $0x780  }
0x4b: {  	[sflag:s12] =	ssyncset.done $0x0  }
0x4c: {  	[sflag:s12] =	ssyncadd.s32 $0xFFFFF880  }
0x4d: {  	_ =	swait.ge [sflag:s7], $0x780  }
0x4e: {  	[sflag:s7] =	ssyncset.done $0x0  }
0x4f: {  	s15 =	simm.s32 $0x4D80;
	[sflag:s7] =	ssyncadd.s32 $0xFFFFF880  }
0x50: {  	[spmem:s3] =	stream.indirect.scatter.add.f32 [tilespmem:s30], [sflag:$0xD], $0x30, s15, s17, $0xb8;
	[tilespmem:$0x11D50] =	vst v63  }
0x51: {  	_ =	swait.ge [sflag:s12], $0x780  }
0x52: {  	[sflag:s12] =	ssyncset.done $0x0  }
0x53: {  	[sflag:s12] =	ssyncadd.s32 $0xFFFFF880  }
0x54: {  	_ =	swait.ge [sflag:s8], $0x780  }
0x55: {  	[sflag:s8] =	ssyncset.done $0x0  }
0x56: {  	s16 =	simm.s32 $0x4DA8;
	[sflag:s8] =	ssyncadd.s32 $0xFFFFF880  }
0x57: {  	[spmem:s3] =	stream.indirect.scatter.add.f32 [tilespmem:s2], [sflag:$0xD], $0x30, s16, s17, $0xb8;
	[tilespmem:$0x11D50] =	vst v63  }
0x58: {  	_ =	swait.ge [sflag:s12], $0x780  }
0x59: {  	[sflag:s12] =	ssyncset.done $0x0  }
0x5a: {  	[sflag:s12] =	ssyncadd.s32 $0xFFFFF880  }
0x5b: {  	_ =	swait.ge [sflag:s9], $0x780  }
0x5c: {  	[sflag:s9] =	ssyncset.done $0x0  }
0x5d: {  	s18 =	simm.s32 $0x4DD0;
	[sflag:s9] =	ssyncadd.s32 $0xFFFFF880  }
0x5e: {  	[spmem:s3] =	stream.indirect.scatter.add.f32 [tilespmem:s13], [sflag:$0xD], $0x30, s18, s17, $0xb8;
	[tilespmem:$0x11D50] =	vst v63  }
0x5f: {  	_ =	swait.ge [sflag:s12], $0x780  }
0x60: {  	[sflag:s12] =	ssyncset.done $0x0  }
0x61: {  	[sflag:s12] =	ssyncadd.s32 $0xFFFFF880  }
0x62: {  	_ =	swait.ge [sflag:s10], $0x780  }
0x63: {  	[sflag:s10] =	ssyncset.done $0x0  }
0x64: {  	s19 =	simm.s32 $0x4DF8;
	[sflag:s10] =	ssyncadd.s32 $0xFFFFF880  }
0x65: {  	[spmem:s3] =	stream.indirect.scatter.add.f32 [tilespmem:s22], [sflag:$0xD], $0x30, s19, s17, $0xb8;
	[tilespmem:$0x11D50] =	vst v63  }
0x66: {  	_ =	swait.ge [sflag:s12], $0x780  }
0x67: {  	[sflag:s12] =	ssyncset.done $0x0  }
0x68: {  	[sflag:s12] =	ssyncadd.s32 $0xFFFFF880  }
0x69: {  	[bflag:$0x0] =	sbarrier.arrive $0xFFFF  }
0x6a: {  	s21 =	rddreg [dreg:$0x8]  }
0x6b: {  	s19 =	rddreg [dreg:$0xb]  }
0x6c: {  	s16 =	rddreg [dreg:$0xc]  }
0x6d: {  	[hbm:s21], [sflag:s19] =	dma.local [spmem:s16], $0xEA0  }
0x6e: {  	_ =	swait.ge [sflag:s12], $0xEA0  }
0x6f: {  	[sflag:s12] =	ssyncset.done $0x0;
	s14 =	rddreg [dreg:$0x9]  }
0x70: {  	s15 =	rddreg [dreg:$0xd];
	[sflag:s12] =	ssyncadd.s32 $0xFFFFF160  }
0x71: {  	[hbm:s14], [sflag:s19] =	dma.local @!p0 [spmem:s15], $0x60  }
0x72: {  	s14 =	simm.s32 @!p0 $0xD  }
0x73: {  	_ =	swait.ge @!p0 [sflag:s14], $0x60  }
0x74: {  	s15 =	rddreg [dreg:$0xe]  }
0x75: {  	s21 =	rddreg [dreg:$0xa];
	s18 =	sadd.s32 $0x1, s15  }
0x76: {  	p1 =	sne.s32 s18, s21  }
.Ltmp1:
0x77: {  	_ = 	snop;
	(pc) =	sbr.rel @!p1 .LBB2_5-.Ltmp1, $4  }
0x78: {  	_ = 	snop  }
0x79: {  	[sflag:s14] =	ssyncset.done @!p0 $0x0  }
0x7a: {  	s15 =	smov.u32 s16;
	[sflag:s14] =	ssyncadd.s32 @!p0 $0xFFFFFFA0  }
0x7b: {  	[dreg:$0xe] =	wrdreg s18;
	s18 =	smov.u32 s19;
	s19 =	simm.s32 $0x55A0  }
.LBB2_1:
0x7c: {  	s16 =	simm.s32 $0x0;
	s14 =	rddreg [dreg:$0x4]  }
0x7d: {  	[tilespmem:s16], [sflag:$0xD] =	stream.linear.gather [hbm4b:s14+s16], $0x2710, $0x38;
	[tilespmem:$0x11D50] =	vst v63  }
0x7e: {  	_ =	swait.ge [sflag:s12], $0x2710  }
0x7f: {  	s21 =	simm.s32 $0x0;
	[sflag:s12] =	ssyncset.done $0x0  }
0x80: {  	s16 =	simm.s32 $0x2710;
	s14 =	rddreg [dreg:$0x5];
	[sflag:s12] =	ssyncadd.s32 $0xFFFFD8F0  }
0x81: {  	[tilespmem:s16], [sflag:$0xD] =	stream.linear.gather [hbm4b:s14+s21], $0x2710, $0x38;
	[tilespmem:$0x11D50] =	vst v63  }
0x82: {  	_ =	swait.ge [sflag:s12], $0x2710  }
0x83: {  	[sflag:s12] =	ssyncset.done $0x0  }
0x84: {  	s16 =	rddreg [dreg:$0x6];
	[sflag:s12] =	ssyncadd.s32 $0xFFFFD8F0  }
0x85: {  	[spmem:s15], [sflag:s18] =	dma.local [hbm:s16], $0xEA0  }
0x86: {  	_ =	swait.ge [sflag:s12], $0xEA0  }
0x87: {  	[sflag:s12] =	ssyncset.done $0x0;
	s14 =	rddreg [dreg:$0x7]  }
0x88: {  	s15 =	rddreg [dreg:$0xd];
	[sflag:s12] =	ssyncadd.s32 $0xFFFFF160  }
0x89: {  	[spmem:s15], [sflag:s18] =	dma.local @!p0 [hbm:s14], $0x60  }
0x8a: {  	s14 =	simm.s32 @!p0 $0xD  }
0x8b: {  	_ =	swait.ge @!p0 [sflag:s14], $0x60  }
0x8c: {  	[sflag:s14] =	ssyncset.done @!p0 $0x0  }
0x8d: {  	[sflag:s14] =	ssyncadd.s32 @!p0 $0xFFFFFFA0  }
0x8e: {  	s16 =	simm.s32 $0x0;
	s15 =	simm.s32 $0x4E20;
	[bflag:$0x0] =	sbarrier.arrive $0xFFFF  }
0x8f: {  	[tilespmem:s15], [sflag:$0x1] =	stream.indirect.gather [hbm4b:s1+s17], $0x30, s16, s17, $0xb8;
	[tilespmem:$0x11D50] =	vst v63  }
0x90: {  	_ = 	snop  }
0x91: {  	[tilespmem:s19], [sflag:$0x2] =	stream.indirect.gather [hbm4b:s1+s17], $0x30, s17, s17, $0xb8;
	[tilespmem:$0x11D50] =	vst v63  }
0x92: {  	s21 =	simm.s32 $0x5D20;
	s18 =	simm.s32 $0x50  }
0x93: {  	[tilespmem:s21], [sflag:$0x3] =	stream.indirect.gather [hbm4b:s1+s17], $0x30, s18, s17, $0xb8;
	[tilespmem:$0x11D50] =	vst v63  }
0x94: {  	s15 =	simm.s32 $0x78  }
0x95: {  	[tilespmem:s23], [sflag:$0x4] =	stream.indirect.gather [hbm4b:s1+s17], $0x30, s15, s17, $0xb8;
	[tilespmem:$0x11D50] =	vst v63  }
0x96: {  	s16 =	simm.s32 $0xA0  }
0x97: {  	[tilespmem:s25], [sflag:$0x5] =	stream.indirect.gather [hbm4b:s1+s17], $0x30, s16, s17, $0xb8;
	[tilespmem:$0x11D50] =	vst v63  }
0x98: {  	s18 =	simm.s32 $0xC8  }
0x99: {  	[tilespmem:s28], [sflag:$0x6] =	stream.indirect.gather [hbm4b:s1+s17], $0x30, s18, s17, $0xb8;
	[tilespmem:$0x11D50] =	vst v63  }
0x9a: {  	s15 =	simm.s32 $0xF0  }
0x9b: {  	[tilespmem:s30], [sflag:$0x7] =	stream.indirect.gather [hbm4b:s1+s17], $0x30, s15, s17, $0xb8;
	[tilespmem:$0x11D50] =	vst v63  }
0x9c: {  	s16 =	simm.s32 $0x118  }
0x9d: {  	[tilespmem:s2], [sflag:$0x8] =	stream.indirect.gather [hbm4b:s1+s17], $0x30, s16, s17, $0xb8;
	[tilespmem:$0x11D50] =	vst v63  }
0x9e: {  	s18 =	simm.s32 $0x140  }
0x9f: {  	[tilespmem:s13], [sflag:$0x9] =	stream.indirect.gather [hbm4b:s1+s17], $0x30, s18, s17, $0xb8;
	[tilespmem:$0x11D50] =	vst v63  }
0xa0: {  	s15 =	simm.s32 $0x168  }
0xa1: {  	[tilespmem:s22], [sflag:$0xA] =	stream.indirect.gather [hbm4b:s1+s17], $0x30, s15, s17, $0xb8;
	[tilespmem:$0x11D50] =	vst v63  }
0xa2: {  	s16 =	simm.s32 $0x190  }
0xa3: {  	[tilespmem:s26], [sflag:$0xB] =	stream.indirect.gather [hbm4b:s1+s17], $0x30, s16, s17, $0xb8;
	[tilespmem:$0x11D50] =	vst v63  }
0xa4: {  	s18 =	simm.s32 $0x1B8  }
0xa5: {  	[tilespmem:s31], [sflag:$0xC] =	stream.indirect.gather [hbm4b:s1+s17], $0x30, s18, s17, $0xb8;
	[tilespmem:$0x11D50] =	vst v63  }
0xa6: {  	s16 =	simm.s32 $0x0;
	s18 =	simm.s32 $0x4E20  }
.LBB2_2:
0xa7: {  	_ =	swait.ge [sflag:s0], $0x780  }
0xa8: {  	s14 =	sshra.s32 s16, $0x2;
	[sflag:s0] =	ssyncset.done $0x0  }
0xa9: {  	s15 =	sadd.s32 $0x2710, s14;
	[sflag:s0] =	ssyncadd.s32 $0xFFFFF880  }
0xaa: {  	[spmem:s3] =	stream.indirect.scatter.add.f32 [tilespmem:s18], [sflag:$0xD], $0x30, s15, s17, $0xb8;
	[tilespmem:$0x11D50] =	vst v63  }
0xab: {  	_ =	swait.ge [sflag:s12], $0x780  }
0xac: {  	[sflag:s12] =	ssyncset.done $0x0  }
0xad: {  	s15 =	sadd.s32 $0x1E0, s14;
	[sflag:s12] =	ssyncadd.s32 $0xFFFFF880  }
0xae: {  	[tilespmem:s18], [sflag:$0x1] =	stream.indirect.gather [hbm4b:s1+s17], $0x30, s15, s17, $0xb8;
	[tilespmem:$0x11D50] =	vst v63  }
0xaf: {  	_ =	swait.ge [sflag:s20], $0x780  }
0xb0: {  	[sflag:s20] =	ssyncset.done $0x0  }
0xb1: {  	s15 =	sadd.s32 $0x2738, s14;
	[sflag:s20] =	ssyncadd.s32 $0xFFFFF880  }
0xb2: {  	[spmem:s3] =	stream.indirect.scatter.add.f32 [tilespmem:s19], [sflag:$0xD], $0x30, s15, s17, $0xb8;
	[tilespmem:$0x11D50] =	vst v63  }
0xb3: {  	_ =	swait.ge [sflag:s12], $0x780  }
0xb4: {  	[sflag:s12] =	ssyncset.done $0x0  }
0xb5: {  	s15 =	sadd.s32 $0x208, s14;
	[sflag:s12] =	ssyncadd.s32 $0xFFFFF880  }
0xb6: {  	[tilespmem:s19], [sflag:$0x2] =	stream.indirect.gather [hbm4b:s1+s17], $0x30, s15, s17, $0xb8;
	[tilespmem:$0x11D50] =	vst v63  }
0xb7: {  	_ =	swait.ge [sflag:s24], $0x780  }
0xb8: {  	[sflag:s24] =	ssyncset.done $0x0  }
0xb9: {  	s15 =	sadd.s32 $0x2760, s14;
	[sflag:s24] =	ssyncadd.s32 $0xFFFFF880  }
0xba: {  	[spmem:s3] =	stream.indirect.scatter.add.f32 [tilespmem:s21], [sflag:$0xD], $0x30, s15, s17, $0xb8;
	[tilespmem:$0x11D50] =	vst v63  }
0xbb: {  	_ =	swait.ge [sflag:s12], $0x780  }
0xbc: {  	[sflag:s12] =	ssyncset.done $0x0  }
0xbd: {  	s15 =	sadd.s32 $0x230, s14;
	[sflag:s12] =	ssyncadd.s32 $0xFFFFF880  }
0xbe: {  	[tilespmem:s21], [sflag:$0x3] =	stream.indirect.gather [hbm4b:s1+s17], $0x30, s15, s17, $0xb8;
	[tilespmem:$0x11D50] =	vst v63  }
0xbf: {  	_ =	swait.ge [sflag:s29], $0x780  }
0xc0: {  	[sflag:s29] =	ssyncset.done $0x0  }
0xc1: {  	s15 =	sadd.s32 $0x2788, s14;
	[sflag:s29] =	ssyncadd.s32 $0xFFFFF880  }
0xc2: {  	[spmem:s3] =	stream.indirect.scatter.add.f32 [tilespmem:s23], [sflag:$0xD], $0x30, s15, s17, $0xb8;
	[tilespmem:$0x11D50] =	vst v63  }
0xc3: {  	_ =	swait.ge [sflag:s12], $0x780  }
0xc4: {  	[sflag:s12] =	ssyncset.done $0x0  }
0xc5: {  	s15 =	sadd.s32 $0x258, s14;
	[sflag:s12] =	ssyncadd.s32 $0xFFFFF880  }
0xc6: {  	[tilespmem:s23], [sflag:$0x4] =	stream.indirect.gather [hbm4b:s1+s17], $0x30, s15, s17, $0xb8;
	[tilespmem:$0x11D50] =	vst v63  }
0xc7: {  	_ =	swait.ge [sflag:s5], $0x780  }
0xc8: {  	[sflag:s5] =	ssyncset.done $0x0  }
0xc9: {  	s15 =	sadd.s32 $0x27B0, s14;
	[sflag:s5] =	ssyncadd.s32 $0xFFFFF880  }
0xca: {  	[spmem:s3] =	stream.indirect.scatter.add.f32 [tilespmem:s25], [sflag:$0xD], $0x30, s15, s17, $0xb8;
	[tilespmem:$0x11D50] =	vst v63  }
0xcb: {  	_ =	swait.ge [sflag:s12], $0x780  }
0xcc: {  	[sflag:s12] =	ssyncset.done $0x0  }
0xcd: {  	s15 =	sadd.s32 $0x280, s14;
	[sflag:s12] =	ssyncadd.s32 $0xFFFFF880  }
0xce: {  	[tilespmem:s25], [sflag:$0x5] =	stream.indirect.gather [hbm4b:s1+s17], $0x30, s15, s17, $0xb8;
	[tilespmem:$0x11D50] =	vst v63  }
0xcf: {  	_ =	swait.ge [sflag:s6], $0x780  }
0xd0: {  	[sflag:s6] =	ssyncset.done $0x0  }
0xd1: {  	s15 =	sadd.s32 $0x27D8, s14;
	[sflag:s6] =	ssyncadd.s32 $0xFFFFF880  }
0xd2: {  	[spmem:s3] =	stream.indirect.scatter.add.f32 [tilespmem:s28], [sflag:$0xD], $0x30, s15, s17, $0xb8;
	[tilespmem:$0x11D50] =	vst v63  }
0xd3: {  	_ =	swait.ge [sflag:s12], $0x780  }
0xd4: {  	[sflag:s12] =	ssyncset.done $0x0  }
0xd5: {  	s15 =	sadd.s32 $0x2A8, s14;
	[sflag:s12] =	ssyncadd.s32 $0xFFFFF880  }
0xd6: {  	[tilespmem:s28], [sflag:$0x6] =	stream.indirect.gather [hbm4b:s1+s17], $0x30, s15, s17, $0xb8;
	[tilespmem:$0x11D50] =	vst v63  }
0xd7: {  	_ =	swait.ge [sflag:s7], $0x780  }
0xd8: {  	[sflag:s7] =	ssyncset.done $0x0  }
0xd9: {  	s15 =	sadd.s32 $0x2800, s14;
	[sflag:s7] =	ssyncadd.s32 $0xFFFFF880  }
0xda: {  	[spmem:s3] =	stream.indirect.scatter.add.f32 [tilespmem:s30], [sflag:$0xD], $0x30, s15, s17, $0xb8;
	[tilespmem:$0x11D50] =	vst v63  }
0xdb: {  	_ =	swait.ge [sflag:s12], $0x780  }
0xdc: {  	[sflag:s12] =	ssyncset.done $0x0  }
0xdd: {  	s15 =	sadd.s32 $0x2D0, s14;
	[sflag:s12] =	ssyncadd.s32 $0xFFFFF880  }
0xde: {  	[tilespmem:s30], [sflag:$0x7] =	stream.indirect.gather [hbm4b:s1+s17], $0x30, s15, s17, $0xb8;
	[tilespmem:$0x11D50] =	vst v63  }
0xdf: {  	_ =	swait.ge [sflag:s8], $0x780  }
0xe0: {  	[sflag:s8] =	ssyncset.done $0x0  }
0xe1: {  	s15 =	sadd.s32 $0x2828, s14;
	[sflag:s8] =	ssyncadd.s32 $0xFFFFF880  }
0xe2: {  	[spmem:s3] =	stream.indirect.scatter.add.f32 [tilespmem:s2], [sflag:$0xD], $0x30, s15, s17, $0xb8;
	[tilespmem:$0x11D50] =	vst v63  }
0xe3: {  	_ =	swait.ge [sflag:s12], $0x780  }
0xe4: {  	[sflag:s12] =	ssyncset.done $0x0  }
0xe5: {  	s15 =	sadd.s32 $0x2F8, s14;
	[sflag:s12] =	ssyncadd.s32 $0xFFFFF880  }
0xe6: {  	[tilespmem:s2], [sflag:$0x8] =	stream.indirect.gather [hbm4b:s1+s17], $0x30, s15, s17, $0xb8;
	[tilespmem:$0x11D50] =	vst v63  }
0xe7: {  	_ =	swait.ge [sflag:s9], $0x780  }
0xe8: {  	[sflag:s9] =	ssyncset.done $0x0  }
0xe9: {  	s15 =	sadd.s32 $0x2850, s14;
	[sflag:s9] =	ssyncadd.s32 $0xFFFFF880  }
0xea: {  	[spmem:s3] =	stream.indirect.scatter.add.f32 [tilespmem:s13], [sflag:$0xD], $0x30, s15, s17, $0xb8;
	[tilespmem:$0x11D50] =	vst v63  }
0xeb: {  	_ =	swait.ge [sflag:s12], $0x780  }
0xec: {  	[sflag:s12] =	ssyncset.done $0x0  }
0xed: {  	s15 =	sadd.s32 $0x320, s14;
	[sflag:s12] =	ssyncadd.s32 $0xFFFFF880  }
0xee: {  	[tilespmem:s13], [sflag:$0x9] =	stream.indirect.gather [hbm4b:s1+s17], $0x30, s15, s17, $0xb8;
	[tilespmem:$0x11D50] =	vst v63  }
0xef: {  	_ =	swait.ge [sflag:s10], $0x780  }
0xf0: {  	[sflag:s10] =	ssyncset.done $0x0  }
0xf1: {  	s15 =	sadd.s32 $0x2878, s14;
	[sflag:s10] =	ssyncadd.s32 $0xFFFFF880  }
0xf2: {  	[spmem:s3] =	stream.indirect.scatter.add.f32 [tilespmem:s22], [sflag:$0xD], $0x30, s15, s17, $0xb8;
	[tilespmem:$0x11D50] =	vst v63  }
0xf3: {  	_ =	swait.ge [sflag:s12], $0x780  }
0xf4: {  	[sflag:s12] =	ssyncset.done $0x0  }
0xf5: {  	s15 =	sadd.s32 $0x348, s14;
	[sflag:s12] =	ssyncadd.s32 $0xFFFFF880  }
0xf6: {  	[tilespmem:s22], [sflag:$0xA] =	stream.indirect.gather [hbm4b:s1+s17], $0x30, s15, s17, $0xb8;
	[tilespmem:$0x11D50] =	vst v63  }
0xf7: {  	_ =	swait.ge [sflag:s11], $0x780  }
0xf8: {  	p1 =	seq.s32 s16, $0x8E80;
	[sflag:s11] =	ssyncset.done $0x0  }
.Ltmp2:
0xf9: {  	s15 =	sadd.s32 $0x28A0, s14;
	[sflag:s11] =	ssyncadd.s32 $0xFFFFF880;
	(pc) =	sbr.rel @p1 .LBB2_4-.Ltmp2, $4  }
0xfa: {  	[spmem:s3] =	stream.indirect.scatter.add.f32 [tilespmem:s26], [sflag:$0xD], $0x30, s15, s17, $0xb8;
	[tilespmem:$0x11D50] =	vst v63  }
0xfb: {  	_ =	swait.ge [sflag:s12], $0x780  }
0xfc: {  	[sflag:s12] =	ssyncset.done $0x0  }
0xfd: {  	s15 =	sadd.s32 $0x28C8, s14;
	[sflag:s12] =	ssyncadd.s32 $0xFFFFF880  }
0xfe: {  	s18 =	sadd.s32 $0x370, s14  }
0xff: {  	[tilespmem:s26], [sflag:$0xB] =	stream.indirect.gather [hbm4b:s1+s17], $0x30, s18, s17, $0xb8;
	[tilespmem:$0x11D50] =	vst v63  }
0x100: {  	_ =	swait.ge [sflag:s4], $0x780  }
0x101: {  	[sflag:s4] =	ssyncset.done $0x0  }
0x102: {  	[sflag:s4] =	ssyncadd.s32 $0xFFFFF880  }
0x103: {  	[spmem:s3] =	stream.indirect.scatter.add.f32 [tilespmem:s31], [sflag:$0xD], $0x30, s15, s17, $0xb8;
	[tilespmem:$0x11D50] =	vst v63  }
.Ltmp3:
0x104: {  	_ = 	snop;
	(pc) =	sbr.rel .LBB2_2-.Ltmp3, $4  }
0x105: {  	_ =	swait.ge [sflag:s12], $0x780  }
0x106: {  	s16 =	sadd.s32 $0x780, s16;
	[sflag:s12] =	ssyncset.done $0x0  }
0x107: {  	s18 =	simm.s32 $0x4E20;
	s15 =	sadd.s32 $0x398, s14;
	[sflag:s12] =	ssyncadd.s32 $0xFFFFF880  }
0x108: {  	[tilespmem:s31], [sflag:$0xC] =	stream.indirect.gather [hbm4b:s1+s17], $0x30, s15, s17, $0xb8;
	[tilespmem:$0x11D50] =	vst v63  }
.LBB2_5:
0x109: {  	_ =	sfence.sel $0x180000  }
0x10a: {  	[bflag:$0x0] =	sbarrier.arrive $0xFFFF  }
0x10b: {  	_ =	strace $0x9000004A  }
0x10c: {  	s0 =	stileid.u32;
	[bflag:$0x2] =	sbarrier.arrive $0xFFFF  }
0x10d: {  	p0 =	sne.s32 s0, $0x0;
	s0 =	rddreg [dreg:$0x3]  }
0x10e: {  	s0 =	sadd.s32 @!p0 $0x100000, s0  }
0x10f: {  	[sflag:s0] =	ssyncadd.tile.s32 @!p0 $0x1;
	_ =	shalt  }
.Lfunc_end2:
_tile_overlayer_lowered:
.L_overlay_start_2:
0x110: {  	(tag) =	ssettag $0x2  }
0x111: {  	s0 =	rddreg [dreg:$0x0];
	s2 =	stileid.u32  }
0x112: {  	s1 =	rddreg [dreg:$0x1];
	p0 =	sne.s32 s2, $0x0  }
0x113: {  	s3 =	rddreg [dreg:$0x2];
	[bflag:$0x3] =	sbarrier.arrive $0xFFFF;
	s2 =	simm.s32 @!p0 $0x1C0D  }
0x114: {  	[timem:s3], [sflag:s2] =	dma.local @!p0 [hbm:s0], s1  }
0x115: {  	s0 =	simm.s32 @!p0 $0xD  }
0x116: {  	_ =	swait.ge @!p0 [sflag:s0], s1  }
0x117: {  	s1 =	ssub.s32 @!p0 $0x0, s1;
	[sflag:s0] =	ssyncset.done @!p0 $0x0  }
0x118: {  	[sflag:s0] =	ssyncadd.s32 @!p0 s1  }
0x119: {  	[bflag:$0x3] =	sbarrier.arrive $0xFFFF  }
0x11a: {  	_ =	shalt  }

// kernel: kernel.8.cloned.1.call-start
scs
__scs_entry_jumppad:
0x0: {  	(pc) =	sbr.rel $0x88, $3  }
0x1: {  	(tag) =	ssettag $0x0;
	lr =	simm.s32 $0x1  }
0x2: {  	[smem:$0x3F98] =	sst lr;
	_ =	strace $0xD0000000  }
0x3: {  	_ = 	snop  }
0x4: {  	_ = 	snop  }
0x5: {  	_ = 	snop  }
0x6: {  	_ = 	snop  }
0x7: {  	_ = 	snop  }
__scs_overlays_trampoline_lowered:
0x8: {  	[smem:$0x3FA7] =	sst s0  }
0x9: {  	[smem:$0x3FA8] =	sst s1  }
0xa: {  	[smem:$0x3FA9] =	sst s2  }
0xb: {  	[smem:$0x3FAA] =	sst s3  }
0xc: {  	[smem:$0x3FAB] =	sst s4  }
0xd: {  	[smem:$0x3FAC] =	sst s5  }
0xe: {  	[smem:$0x3FAD] =	sst s6  }
0xf: {  	[smem:$0x3FAE] =	sst s7  }
0x10: {  	[smem:$0x3FAF] =	sst s8  }
0x11: {  	[smem:$0x3FB0] =	sst s9;
	s0 =	simm.s32 @!p0 $0x0  }
0x12: {  	s1 =	sld [smem:$0x3F96];
	s0 =	simm.s32 @p0 $0x1  }
0x13: {  	[smem:$0x3FB1] =	sst s0;
	s0 =	simm.s32 @!p1 $0x0  }
0x14: {  	s2 =	sld [smem:$0x3F95];
	s0 =	simm.s32 @p1 $0x1  }
0x15: {  	[smem:$0x3FB2] =	sst s0;
	s0 =	simm.s32 @!p2 $0x0  }
0x16: {  	s3 =	sld [smem:$0x3FDB];
	s0 =	simm.s32 @p2 $0x1  }
0x17: {  	s4 =	simm.s32 $0x1BF5;
	[smem:$0x3FB4] =	sst s0  }
0x18: {  	s0 =	sld [smem:$0x3F97];
	_ =	swait.ge [sflag:s4], $0x0  }
0x19: {  	s7 =	sld [smem:$0x3F98]  }
0x1a: {  	s8 =	sadd.s32 $0xFFFFE003, lr  }
0x1b: {  	s9 =	sadd.s32 $0xFFFFFEF7, lr;
	s5 =	simm.s32 $0xFFFFFFFF;
	p2 =	slt.u32 s8, $0xFFFFF086  }
0x1c: {  	p1 =	slt.u32 s9, $0xF7A;
	s5 =	simm.s32 @!p2 $0x0  }
0x1d: {  	s5 =	simm.s32 @p1 $0x1;
	p0 =	seq.s32 s7, s2  }
0x1e: {  	s7 =	smul.u32 @!p0 $0xF7A, s2;
	p2 =	seq.s32 @!p0 s5, $0x0  }
0x1f: {  	s9 =	smul.u32 $0xF7A, s1;
	s8 =	simm.s32 @!p0 $0x1BF5;
	p2 =	por !p2, p0  }
0x20: {  	[sflag:s8] =	ssyncset.s32 @!p0 $0xFFFFF086;
	s6 =	sadd.s32 @!p0 s3, s7;
	s7 =	simm.s32 @!p0 $0x108  }
0x21: {  	s3 =	sadd.s32 s3, s9;
	s6 =	sadd.s32 @!p0 $0x88, s6;
	s7 =	simm.s32 @p2 $0x1082  }
0x22: {  	[simem:s7], [sflag:s8] =	dma.local @!p0 [hbm:s6], $0xF7A  }
0x23: {  	s9 =	sor.u32 $0xD0000000, s2;
	s6 =	simm.s32 $0x108;
	_ =	swait.ge @!p0 [sflag:s8], $0x0  }
0x24: {  	s3 =	sadd.s32 $0x88, s3;
	s6 =	simm.s32 @!p1 $0x1082;
	[sflag:s4] =	ssyncset.s32 $0xFFFFF086  }
0x25: {  	[simem:s6], [sflag:s4] =	dma.local [hbm:s3], $0xF7A  }
0x26: {  	[smem:$0x3F98] =	sst s1;
	(tag) =	ssettag s2;
	_ =	strace s9  }
0x27: {  	s1 =	sld [smem:$0x3FA8]  }
0x28: {  	s2 =	sld [smem:$0x3FA9]  }
0x29: {  	s4 =	sld [smem:$0x3FAB]  }
0x2a: {  	p0 =	seq.s32 s5, $0x0;
	s5 =	sld [smem:$0x3FAC]  }
0x2b: {  	s6 =	sld [smem:$0x3FAD]  }
0x2c: {  	s7 =	sld [smem:$0x3FAE]  }
0x2d: {  	s3 =	simm.s32 $0x108;
	s8 =	sld [smem:$0x3FAF]  }
0x2e: {  	s3 =	simm.s32 @!p0 $0x1082;
	s9 =	sld [smem:$0x3FB0]  }
0x2f: {  	lr =	sadd.s32 s0, s3;
	s0 =	sld [smem:$0x3FA7]  }
0x30: {  	s3 =	sld [smem:$0x3FAA]  }
0x31: {  	[smem:$0x3FB3] =	sst s10  }
0x32: {  	s10 =	sld [smem:$0x3FB1];
	_ =	sdelay $0x3  }
0x33: {  	p0 =	seq.s32 s10, $0x1;
	s10 =	sld [smem:$0x3FB3];
	_ =	sdelay $0x3  }
0x34: {  	[smem:$0x3FB3] =	sst s10  }
0x35: {  	s10 =	sld [smem:$0x3FB2];
	_ =	sdelay $0x3  }
0x36: {  	p1 =	seq.s32 s10, $0x1;
	s10 =	sld [smem:$0x3FB3];
	_ =	sdelay $0x3  }
0x37: {  	[smem:$0x3FB3] =	sst s10  }
0x38: {  	s10 =	sld [smem:$0x3FB4]  }
0x39: {  	_ = 	snop;
	(pc) =	sbr.ind lr, $3  }
0x3a: {  	_ = 	snop  }
0x3b: {  	_ = 	snop  }
0x3c: {  	p2 =	seq.s32 s10, $0x1;
	s10 =	sld [smem:$0x3FB3]  }
0x3d: {  	_ =	shalt  }
0x3e: {  	_ =	shalt  }
0x3f: {  	_ =	shalt  }
0x40: {  	_ =	shalt  }
0x41: {  	_ =	shalt  }
0x42: {  	_ =	shalt  }
0x43: {  	_ =	shalt  }
0x44: {  	_ =	shalt  }
0x45: {  	_ =	shalt  }
0x46: {  	_ =	shalt  }
0x47: {  	_ =	shalt  }
0x48: {  	_ =	shalt  }
0x49: {  	_ =	shalt  }
0x4a: {  	_ =	shalt  }
0x4b: {  	_ =	shalt  }
0x4c: {  	_ =	shalt  }
0x4d: {  	_ =	shalt  }
0x4e: {  	_ =	shalt  }
0x4f: {  	_ =	shalt  }
0x50: {  	_ =	shalt  }
0x51: {  	_ =	shalt  }
0x52: {  	_ =	shalt  }
0x53: {  	_ =	shalt  }
0x54: {  	_ =	shalt  }
0x55: {  	_ =	shalt  }
0x56: {  	_ =	shalt  }
0x57: {  	_ =	shalt  }
0x58: {  	_ =	shalt  }
0x59: {  	_ =	shalt  }
0x5a: {  	_ =	shalt  }
0x5b: {  	_ =	shalt  }
0x5c: {  	_ =	shalt  }
0x5d: {  	_ =	shalt  }
0x5e: {  	_ =	shalt  }
0x5f: {  	_ =	shalt  }
0x60: {  	_ =	shalt  }
0x61: {  	_ =	shalt  }
0x62: {  	_ =	shalt  }
0x63: {  	_ =	shalt  }
0x64: {  	_ =	shalt  }
0x65: {  	_ =	shalt  }
0x66: {  	_ =	shalt  }
0x67: {  	_ =	shalt  }
0x68: {  	_ =	shalt  }
0x69: {  	_ =	shalt  }
0x6a: {  	_ =	shalt  }
0x6b: {  	_ =	shalt  }
0x6c: {  	_ =	shalt  }
0x6d: {  	_ =	shalt  }
0x6e: {  	_ =	shalt  }
0x6f: {  	_ =	shalt  }
0x70: {  	_ =	shalt  }
0x71: {  	_ =	shalt  }
0x72: {  	_ =	shalt  }
0x73: {  	_ =	shalt  }
0x74: {  	_ =	shalt  }
0x75: {  	_ =	shalt  }
0x76: {  	_ =	shalt  }
0x77: {  	_ =	shalt  }
0x78: {  	_ =	shalt  }
0x79: {  	_ =	shalt  }
0x7a: {  	_ =	shalt  }
0x7b: {  	_ =	shalt  }
0x7c: {  	_ =	shalt  }
0x7d: {  	_ =	shalt  }
0x7e: {  	_ =	shalt  }
0x7f: {  	_ =	shalt  }
0x80: {  	_ =	shalt  }
0x81: {  	_ =	shalt  }
0x82: {  	_ =	shalt  }
0x83: {  	_ =	shalt  }
0x84: {  	_ =	shalt  }
0x85: {  	_ =	shalt  }
0x86: {  	_ =	shalt  }
0x87: {  	_ =	shalt  }
.Lfunc_end0:
.L_simem_size_0:
called_computation_lowered:
.L_overlay_start_0:
0x88: {  	s2 =	sld [smem:$0x3FD9]  }
0x89: {  	s3 =	sld [smem:$0x3FFE];
	_ =	sdelay $0x1  }
0x8a: {  	s1 =	srdreg.scid  }
0x8b: {  	s0 =	sand.u32 $0x1, s1  }
0x8c: {  	s14 =	sshll.u32 s0, $0xA;
	s2 =	sadd.s32 s3, s2  }
0x8d: {  	s2 =	sadd.s32 s2, s14  }
0x8e: {  	[smem:$0x3FBF] =	sst s2  }
0x8f: {  	_ = 	snop  }
0x90: {  	s2 =	sld [smem:$0x3FD0];
	_ =	sdelay $0x2  }
0x91: {  	s15 =	simm.s32 $0xA;
	s4 =	simm.s32 $0x10  }
0x92: {  	[smem:s4], [sflag:s15] =	dma.local [hbm:s2], $0x1  }
0x93: {  	_ =	swait.eq [sflag:s15], $0x1  }
0x94: {  	[sflag:s15] =	ssyncset.done $0x0  }
0x95: {  	s16 =	sld [smem:$0x10];
	[sflag:s15] =	ssyncadd.s32 $0xFFFFFFFF  }
0x96: {  	s17 =	sld [smem:$0x11];
	(tm) =	ssettm $0x1  }
0x97: {  	s18 =	sld [smem:$0x3FFB];
	_ =	sdelay $0x3  }
0x98: {  	_ =	strace s18  }
0x99: {  	s4 =	sld [smem:$0x3FFC];
	_ =	sdelay $0x3  }
0x9a: {  	_ =	strace s4  }
0x9b: {  	s4 =	sld [smem:$0x3FFD];
	_ =	sdelay $0x3  }
0x9c: {  	_ =	strace s4  }
0x9d: {  	_ =	strace $0x8FFFFFFF  }
0x9e: {  	s19 =	sld [smem:$0x3FDB];
	_ =	sdelay $0x1  }
0x9f: {  	s5 =	simm.s32 $_scs_section_size  }
0xa0: {  	s6 =	simm.s32 $_size__tile_overlayer_lowered;
	s7 =	simm.s32 $_tile_overlayer_lowered  }
0xa1: {  	s22 =	simm.s32 $0x1BFF;
	s21 =	sshll.u32 s7, $0x1;
	s4 =	sadd.s32 s5, s19  }
0xa2: {  	s8 =	simm.s32 $0x0;
	s20 =	sshll.u32 s6, $0x1;
	s6 =	sadd.s32 s21, s4  }
0xa3: {  	[timem:s8], [sflag:s22] =	dma.local [hbm:s6], s20  }
0xa4: {  	_ =	swait.ge [sflag:s22], s20  }
0xa5: {  	s5 =	ssub.s32 $0x0, s20;
	[sflag:s22] =	ssyncset.done $0x0  }
0xa6: {  	[sflag:s22] =	ssyncadd.s32 s5;
	_ =	sdelay $0x1  }
0xa7: {  	s23 =	simm.s32 $0x1B8B  }
0xa8: {  	_ =	swait.ge [sflag:s23], $0x1  }
0xa9: {  	[sflag:s23] =	ssyncset.done $0x0  }
0xaa: {  	s25 =	simm.s32 $0x1B8E;
	s24 =	sld [smem:$0x3FFE];
	[sflag:s23] =	ssyncadd.s32 $0xFFFFFFFF  }
0xab: {  	s26 =	simm.s32 $execute0_lowered;
	[smem:$0x3FD2] =	sst s25  }
0xac: {  	s6 =	sshll.u32 s26, $0x1;
	_ =	strace $0x80000046;
	[dreg:$0x1] =	wrdreg $0xFFFFFFFF  }
0xad: {  	s28 =	simm.s32 $_size_execute0_lowered;
	s4 =	sadd.s32 s4, s6;
	[dreg:$0x0] =	wrdreg $0x0  }
0xae: {  	s6 =	sshll.u32 s28, $0x1;
	[dreg:$0x2] =	wrdreg s4  }
0xaf: {  	[dreg:$0x3] =	wrdreg s6  }
0xb0: {  	[dreg:$0x4] =	wrdreg $0xC0  }
0xb1: {  	_ =	task [dreg:s8], $0x5FFFF  }
0xb2: {  	[dreg:$0x1] =	wrdreg $0xFFFFFFFF  }
0xb3: {  	[dreg:$0x0] =	wrdreg $0x60  }
0xb4: {  	[dreg:$0x2] =	wrdreg s17  }
0xb5: {  	[dreg:$0x3] =	wrdreg s24  }
0xb6: {  	[dreg:$0x4] =	wrdreg s16  }
0xb7: {  	[dreg:$0x5] =	wrdreg $0x1EBE00  }
0xb8: {  	[dreg:$0x6] =	wrdreg $0xB2200  }
0xb9: {  	[dreg:$0x7] =	wrdreg $0x9  }
0xba: {  	_ =	task.clear_ibuf [dreg:s8], $0x8FFFF;
	_ =	strace $0x90000046  }
0xbb: {  	s29 =	simm.s32 $0x9;
	_ =	strace $0x80000048  }
0xbc: {  	_ =	swait.ge [sflag:s29], $0x1  }
0xbd: {  	[sflag:s29] =	ssyncadd.s32 $0xFFFFFFFF  }
0xbe: {  	_ =	strace $0x90000048  }
0xbf: {  	_ =	sfence  }
0xc0: {  	s30 =	sld [smem:$0x0];
	_ =	sdelay $0x2  }
0xc1: {  	s31 =	sshll.u32 s1, $0xD;
	s1 =	sshrl.u32 s1, $0x2  }
0xc2: {  	s3 =	sand.u32 $0x4000, s31;
	s1 =	sadd.s32 s1, s30  }
0xc3: {  	s0 =	sor.u32 s3, s0;
	s1 =	sshll.u32 s1, $0x11  }
0xc4: {  	s0 =	sor.u32 s1, s0  }
0xc5: {  	s0 =	sadd.s32 $0x8F2B, s0  }
0xc6: {  	[sflag:s0] =	ssyncadd.remote.s32 $0x1  }
0xc7: {  	_ =	sfence.sel $0xFFFF  }
0xc8: {  	[dreg:$0x0] =	wrdreg $0xFFFFFFFF;
	(pc) =	sbr.abs _section_cstart, $3  }
0xc9: {  	[dreg:$0x1] =	wrdreg $0xFFFFFFFF  }
0xca: {  	_ =	task.clear_ibuf [dreg:s8], $0x2FFFF;
	_ =	strace $0x9FFFFFFF  }
0xcb: {  	(tm) =	ssettm $0x7FFFFFFF  }
tec
execute0_lowered:
.L_overlay_start_1:
0x0: {  	(tag) =	ssettag $0x1  }
0x1: {  	s1 =	rddreg [dreg:$0x0]  }
0x2: {  	s0 =	rddreg [dreg:$0x1]  }
0x3: {  	s2 =	srdreg.scid;
	s6 =	rddreg [dreg:$0x2]  }
0x4: {  	s16 =	stileid.u32;
	s3 =	rddreg [dreg:$0x3];
	s28 =	simm.s32 $0x6220  }
0x5: {  	s30 =	simm.s32 $0x7620;
	s29 =	simm.s32 $0x1;
	s31 =	simm.s32 $0x6  }
0x6: {  	s2 =	sand.u32 $0x1, s2;
	s4 =	sshll.u32 s16, $0x1;
	s8 =	smul.u32 $0x13800, s16  }
0x7: {  	s9 =	smul.u32 $0x1380, s16;
	s13 =	sadd.s32 $0x3F400, s0;
	s15 =	sadd.s32 $0x3F600, s0  }
0x8: {  	s19 =	sadd.s32 $0x13800, s3;
	s20 =	sadd.s32 $0x3F300, s0;
	p0 =	sne.s32 s16, $0xF  }
0x9: {  	s16 =	simm.s32 $0x0;
	s5 =	sor.u32 s2, s4;
	s18 =	smul.u32 $0x138800, s2  }
0xa: {  	s4 =	rddreg [dreg:$0x4];
	s12 =	ssub.s32 $0x2, s2;
	s2 =	smul.u32 $0x13880, s2  }
0xb: {  	s7 =	smul.u32 $0x2710, s5;
	s5 =	simm.s32 $0x0;
	s10 =	sshrl.u32 s8, $0x3  }
0xc: {  	s11 =	sshrl.u32 s9, $0x3;
	s25 =	sshrl.u32 s12, $0x1;
	s14 =	sadd.s32 s9, s3  }
0xd: {  	s21 =	sadd.s32 $0x138000, s4;
	[smem:$0x7FF] =	sst s5;
	s10 =	sadd.s32 s10, s0  }
0xe: {  	s11 =	sadd.s32 s11, s0;
	_ =	strace $0x80000047;
	[dreg:$0x6] =	wrdreg s13  }
0xf: {  	s12 =	ssub.s32 s12, s25;
	s23 =	sadd.s32 s9, s2;
	[dreg:$0x9] =	wrdreg s14  }
0x10: {  	s2 =	sshrl.u32 s2, $0x3;
	s7 =	sshrl.u32 s7, $0x3;
	[dreg:$0xb] =	wrdreg s19  }
0x11: {  	s17 =	sadd.s32 $0x3CC00, s11;
	[dreg:$0xc] =	wrdreg s20;
	s13 =	sadd.s32 s8, s4  }
0x12: {  	s14 =	sadd.s32 $0x15A00, s10;
	s8 =	sadd.s32 s8, s18;
	[dreg:$0xd] =	wrdreg s21  }
0x13: {  	s25 =	sadd.s32 s6, s2;
	s2 =	simm.s32 $0x8A20;
	s11 =	simm.s32 $0x4DA8  }
0x14: {  	s7 =	sadd.s32 s7, s0;
	[dreg:$0xa] =	wrdreg s17;
	s0 =	sadd.s32 $0x3CA00, s0  }
0x15: {  	s22 =	sshrl.u32 s8, $0x3;
	s26 =	sadd.s32 $0x2000, s7;
	[dreg:$0xe] =	wrdreg s0  }
0x16: {  	s8 =	simm.s32 $0x5;
	s7 =	sadd.s32 $0xBC40, s7;
	[dreg:$0x7] =	wrdreg s26  }
0x17: {  	s0 =	sadd.s32 s15, s22;
	s22 =	simm.s32 $0x7;
	[dreg:$0x8] =	wrdreg s7  }
0x18: {  	[dreg:$0xf] =	wrdreg s0;
	s7 =	sshrl.u32 s18, $0x3;
	s0 =	sshrl.u32 s23, $0x3  }
0x19: {  	s26 =	smax.u32 s12, $0x1;
	s23 =	simm.s32 $0x2;
	s12 =	simm.s32 $0x4DD0  }
0x1a: {  	s7 =	sadd.s32 s15, s7;
	s0 =	sadd.s32 s6, s0;
	[dreg:$0x13] =	wrdreg s26  }
0x1b: {  	s26 =	simm.s32 $0x4E20;
	s6 =	simm.s32 $0x3;
	s15 =	simm.s32 $0x4DF8  }
0x1c: {  	[dreg:$0x10] =	wrdreg s0;
	s24 =	sadd.s32 $0x27000, s7;
	s0 =	sadd.s32 $0x2700, s25  }
0x1d: {  	s25 =	simm.s32 $0x28;
	s7 =	simm.s32 $0x4;
	[dreg:$0x11] =	wrdreg s24  }
0x1e: {  	[dreg:$0x12] =	wrdreg s0;
	s24 =	simm.s32 $0x1EAA0;
	s0 =	simm.s32 $0x9E20  }
.LBB2_1:
0x1f: {  	s9 =	rddreg [dreg:$0x7]  }
0x20: {  	[tilespmem:s5], [sflag:$0x7] =	stream.linear.gather [hbm4b:s9+s5], $0x2710, $0x38;
	[tilespmem:$0x1FF68] =	vst v63  }
0x21: {  	_ =	swait.ge [sflag:s22], $0x2710  }
0x22: {  	[sflag:s22] =	ssyncset.done $0x0  }
0x23: {  	s10 =	simm.s32 $0x2710;
	s21 =	rddreg [dreg:$0x8];
	[sflag:s22] =	ssyncadd.s32 $0xFFFFD8F0  }
0x24: {  	[tilespmem:s10], [sflag:$0x7] =	stream.linear.gather [hbm4b:s21+s5], $0x2710, $0x38;
	[tilespmem:$0x1FF68] =	vst v63  }
0x25: {  	_ =	swait.ge [sflag:s22], $0x2710  }
0x26: {  	[sflag:s22] =	ssyncset.done $0x0  }
0x27: {  	s18 =	stileid.u32;
	s17 =	rddreg [dreg:$0x6];
	[sflag:s22] =	ssyncadd.s32 $0xFFFFD8F0  }
0x28: {  	[tilespmem:s24], [sflag:$0x7] =	stream.linear.gather [hbm4b:s17+s5], $0x140, $0x38;
	[tilespmem:$0x1FF68] =	vst v63  }
0x29: {  	s9 =	sshll.u32 s18, $0x6;
	_ =	swait.ge [sflag:s22], $0x140  }
0x2a: {  	s17 =	sor.u32 $0x1C07, s9;
	[sflag:s22] =	ssyncset.done $0x0;
	s19 =	rddreg [dreg:$0x9]  }
0x2b: {  	s20 =	rddreg [dreg:$0xa];
	[sflag:s22] =	ssyncadd.s32 $0xFFFFFEC0;
	s18 =	sshrl.u32 s19, $0x3  }
0x2c: {  	[spmem:s18], [sflag:s17] =	dma.local [hbm:s20], $0x270  }
0x2d: {  	_ =	swait.ge [sflag:s22], $0x270  }
0x2e: {  	[sflag:s22] =	ssyncset.done $0x0  }
0x2f: {  	s9 =	sshrl.u32 @p0 s13, $0x3;
	[sflag:s22] =	ssyncadd.s32 $0xFFFFFD90  }
0x30: {  	[spmem:s9], [sflag:s17] =	dma.local @p0 [hbm:s14], $0x2700  }
0x31: {  	s9 =	simm.s32 @p0 $0x7  }
0x32: {  	_ =	swait.ge @p0 [sflag:s9], $0x2700  }
0x33: {  	[sflag:s9] =	ssyncset.done @p0 $0x0  }
0x34: {  	[sflag:s9] =	ssyncadd.s32 @p0 $0xFFFFD900;
	s9 =	rddreg [dreg:$0xb]  }
0x35: {  	s19 =	sshrl.u32 @!p0 s9, $0x3;
	s9 =	rddreg [dreg:$0xc]  }
0x36: {  	[spmem:s19], [sflag:s17] =	dma.local @!p0 [hbm:s9], $0x10  }
0x37: {  	s9 =	simm.s32 @!p0 $0x7  }
0x38: {  	_ =	swait.ge @!p0 [sflag:s9], $0x10  }
0x39: {  	[sflag:s9] =	ssyncset.done @!p0 $0x0  }
0x3a: {  	s20 =	sshrl.u32 @!p0 s13, $0x3;
	[sflag:s9] =	ssyncadd.s32 @!p0 $0xFFFFFFF0  }
0x3b: {  	[spmem:s20], [sflag:s17] =	dma.local @!p0 [hbm:s14], $0x2700  }
0x3c: {  	_ =	swait.ge @!p0 [sflag:s9], $0x2700  }
0x3d: {  	[sflag:s9] =	ssyncset.done @!p0 $0x0;
	s10 =	rddreg [dreg:$0xd]  }
0x3e: {  	[sflag:s9] =	ssyncadd.s32 @!p0 $0xFFFFD900;
	s20 =	sshrl.u32 @!p0 s10, $0x3;
	s10 =	rddreg [dreg:$0xe]  }
0x3f: {  	[spmem:s20], [sflag:s17] =	dma.local @!p0 [hbm:s10], $0x100  }
0x40: {  	_ =	swait.ge @!p0 [sflag:s9], $0x100  }
0x41: {  	[sflag:s9] =	ssyncset.done @!p0 $0x0  }
0x42: {  	[sflag:s9] =	ssyncadd.s32 @!p0 $0xFFFFFF00  }
0x43: {  	[bflag:$0x0] =	sbarrier.arrive $0xFFFF  }
0x44: {  	[tilespmem:s26], [sflag:$0x1] =	stream.indirect.gather [hbm4b:s1+s25], $0x80, s5, s25, $0xb8;
	[tilespmem:$0x1FF68] =	vst v63  }
0x45: {  	_ = 	snop  }
0x46: {  	[tilespmem:s28], [sflag:$0x2] =	stream.indirect.gather [hbm4b:s1+s25], $0x80, s25, s25, $0xb8;
	[tilespmem:$0x1FF68] =	vst v63  }
0x47: {  	s21 =	simm.s32 $0x50  }
0x48: {  	[tilespmem:s30], [sflag:$0x3] =	stream.indirect.gather [hbm4b:s1+s25], $0x80, s21, s25, $0xb8;
	[tilespmem:$0x1FF68] =	vst v63  }
0x49: {  	s10 =	simm.s32 $0x78  }
0x4a: {  	[tilespmem:s2], [sflag:$0x4] =	stream.indirect.gather [hbm4b:s1+s25], $0x80, s10, s25, $0xb8;
	[tilespmem:$0x1FF68] =	vst v63  }
0x4b: {  	s21 =	simm.s32 $0xA0  }
0x4c: {  	[tilespmem:s0], [sflag:$0x5] =	stream.indirect.gather [hbm4b:s1+s25], $0x80, s21, s25, $0xb8;
	[tilespmem:$0x1FF68] =	vst v63  }
0x4d: {  	_ =	swait.ge [sflag:s29], $0x1400  }
0x4e: {  	[sflag:s29] =	ssyncset.done $0x0  }
0x4f: {  	s10 =	simm.s32 $0x2710;
	[sflag:s29] =	ssyncadd.s32 $0xFFFFEC00  }
0x50: {  	[spmem:s4] =	stream.indirect.scatter.add.f32 [tilespmem:s26], [sflag:$0x7], $0x80, s10, s25, $0xb8;
	[tilespmem:$0x1FF68] =	vst v63  }
0x51: {  	_ =	swait.ge [sflag:s22], $0x1400  }
0x52: {  	[sflag:s22] =	ssyncset.done $0x0  }
0x53: {  	[sflag:s22] =	ssyncadd.s32 $0xFFFFEC00  }
0x54: {  	[spmem:s3] =	stream.indirect.scatter.add.f32 [tilespmem:s24], [sflag:$0x6], $0x8, s10, s25, $0xb8;
	[tilespmem:$0x1FF68] =	vst v63  }
0x55: {  	s21 =	simm.s32 $0xC8  }
0x56: {  	[tilespmem:s26], [sflag:$0x1] =	stream.indirect.gather [hbm4b:s1+s25], $0x80, s21, s25, $0xb8;
	[tilespmem:$0x1FF68] =	vst v63  }
0x57: {  	_ =	swait.ge [sflag:s31], $0x140  }
0x58: {  	[sflag:s31] =	ssyncset.done $0x0  }
0x59: {  	[sflag:s31] =	ssyncadd.s32 $0xFFFFFEC0  }
0x5a: {  	_ =	swait.ge [sflag:s23], $0x1400  }
0x5b: {  	[sflag:s23] =	ssyncset.done $0x0  }
0x5c: {  	s10 =	simm.s32 $0x2738;
	[sflag:s23] =	ssyncadd.s32 $0xFFFFEC00  }
0x5d: {  	[spmem:s4] =	stream.indirect.scatter.add.f32 [tilespmem:s28], [sflag:$0x7], $0x80, s10, s25, $0xb8;
	[tilespmem:$0x1FF68] =	vst v63  }
0x5e: {  	_ =	swait.ge [sflag:s22], $0x1400  }
0x5f: {  	[sflag:s22] =	ssyncset.done $0x0  }
0x60: {  	[sflag:s22] =	ssyncadd.s32 $0xFFFFEC00  }
0x61: {  	[spmem:s3] =	stream.indirect.scatter.add.f32 [tilespmem:s24], [sflag:$0x6], $0x8, s10, s25, $0xb8;
	[tilespmem:$0x1FF68] =	vst v63  }
0x62: {  	s21 =	simm.s32 $0xF0  }
0x63: {  	[tilespmem:s28], [sflag:$0x2] =	stream.indirect.gather [hbm4b:s1+s25], $0x80, s21, s25, $0xb8;
	[tilespmem:$0x1FF68] =	vst v63  }
0x64: {  	_ =	swait.ge [sflag:s31], $0x140  }
0x65: {  	[sflag:s31] =	ssyncset.done $0x0  }
0x66: {  	[sflag:s31] =	ssyncadd.s32 $0xFFFFFEC0  }
0x67: {  	_ =	swait.ge [sflag:s6], $0x1400  }
0x68: {  	[sflag:s6] =	ssyncset.done $0x0  }
0x69: {  	s10 =	simm.s32 $0x2760;
	[sflag:s6] =	ssyncadd.s32 $0xFFFFEC00  }
0x6a: {  	[spmem:s4] =	stream.indirect.scatter.add.f32 [tilespmem:s30], [sflag:$0x7], $0x80, s10, s25, $0xb8;
	[tilespmem:$0x1FF68] =	vst v63  }
0x6b: {  	_ =	swait.ge [sflag:s22], $0x1400  }
0x6c: {  	[sflag:s22] =	ssyncset.done $0x0  }
0x6d: {  	[sflag:s22] =	ssyncadd.s32 $0xFFFFEC00  }
0x6e: {  	[spmem:s3] =	stream.indirect.scatter.add.f32 [tilespmem:s24], [sflag:$0x6], $0x8, s10, s25, $0xb8;
	[tilespmem:$0x1FF68] =	vst v63  }
0x6f: {  	s21 =	simm.s32 $0x118  }
0x70: {  	[tilespmem:s30], [sflag:$0x3] =	stream.indirect.gather [hbm4b:s1+s25], $0x80, s21, s25, $0xb8;
	[tilespmem:$0x1FF68] =	vst v63  }
0x71: {  	_ =	swait.ge [sflag:s31], $0x140  }
0x72: {  	[sflag:s31] =	ssyncset.done $0x0  }
0x73: {  	[sflag:s31] =	ssyncadd.s32 $0xFFFFFEC0  }
0x74: {  	_ =	swait.ge [sflag:s7], $0x1400  }
0x75: {  	[sflag:s7] =	ssyncset.done $0x0  }
0x76: {  	s10 =	simm.s32 $0x2788;
	[sflag:s7] =	ssyncadd.s32 $0xFFFFEC00  }
0x77: {  	[spmem:s4] =	stream.indirect.scatter.add.f32 [tilespmem:s2], [sflag:$0x7], $0x80, s10, s25, $0xb8;
	[tilespmem:$0x1FF68] =	vst v63  }
0x78: {  	_ =	swait.ge [sflag:s22], $0x1400  }
0x79: {  	[sflag:s22] =	ssyncset.done $0x0  }
0x7a: {  	[sflag:s22] =	ssyncadd.s32 $0xFFFFEC00  }
0x7b: {  	[spmem:s3] =	stream.indirect.scatter.add.f32 [tilespmem:s24], [sflag:$0x6], $0x8, s10, s25, $0xb8;
	[tilespmem:$0x1FF68] =	vst v63  }
0x7c: {  	s21 =	simm.s32 $0x140  }
0x7d: {  	[tilespmem:s2], [sflag:$0x4] =	stream.indirect.gather [hbm4b:s1+s25], $0x80, s21, s25, $0xb8;
	[tilespmem:$0x1FF68] =	vst v63  }
0x7e: {  	_ =	swait.ge [sflag:s31], $0x140  }
0x7f: {  	[sflag:s31] =	ssyncset.done $0x0  }
0x80: {  	[sflag:s31] =	ssyncadd.s32 $0xFFFFFEC0  }
0x81: {  	_ =	swait.ge [sflag:s8], $0x1400  }
0x82: {  	[sflag:s8] =	ssyncset.done $0x0  }
0x83: {  	s10 =	simm.s32 $0x27B0;
	[sflag:s8] =	ssyncadd.s32 $0xFFFFEC00  }
0x84: {  	[spmem:s4] =	stream.indirect.scatter.add.f32 [tilespmem:s0], [sflag:$0x7], $0x80, s10, s25, $0xb8;
	[tilespmem:$0x1FF68] =	vst v63  }
0x85: {  	_ =	swait.ge [sflag:s22], $0x1400  }
0x86: {  	[sflag:s22] =	ssyncset.done $0x0  }
0x87: {  	[sflag:s22] =	ssyncadd.s32 $0xFFFFEC00  }
0x88: {  	[spmem:s3] =	stream.indirect.scatter.add.f32 [tilespmem:s24], [sflag:$0x6], $0x8, s10, s25, $0xb8;
	[tilespmem:$0x1FF68] =	vst v63  }
0x89: {  	s21 =	simm.s32 $0x168  }
0x8a: {  	[tilespmem:s0], [sflag:$0x5] =	stream.indirect.gather [hbm4b:s1+s25], $0x80, s21, s25, $0xb8;
	[tilespmem:$0x1FF68] =	vst v63  }
0x8b: {  	_ =	swait.ge [sflag:s31], $0x140  }
0x8c: {  	s21 =	simm.s32 $0x320;
	[sflag:s31] =	ssyncset.done $0x0  }
.LBB2_2:
0x8d: {  	p1 =	sne.s32 s21, $0x9600  }
0x8e: {  	[sflag:s31] =	ssyncadd.s32 $0xFFFFFEC0;
	s9 =	smov.u32 s21;
	s21 =	sadd.s32 $0x320, s21  }
0x8f: {  	_ = 	snop  }
0x90: {  	_ =	swait.ge [sflag:s29], $0x1400  }
0x91: {  	s9 =	sshra.s32 s9, $0x2;
	[sflag:s29] =	ssyncset.done $0x0  }
0x92: {  	s10 =	sadd.s32 $0x2710, s9;
	[sflag:s29] =	ssyncadd.s32 $0xFFFFEC00  }
0x93: {  	[spmem:s4] =	stream.indirect.scatter.add.f32 [tilespmem:s26], [sflag:$0x7], $0x80, s10, s25, $0xb8;
	[tilespmem:$0x1FF68] =	vst v63  }
0x94: {  	_ =	swait.ge [sflag:s22], $0x1400  }
0x95: {  	[sflag:s22] =	ssyncset.done $0x0  }
0x96: {  	[sflag:s22] =	ssyncadd.s32 $0xFFFFEC00  }
0x97: {  	[spmem:s3] =	stream.indirect.scatter.add.f32 [tilespmem:s24], [sflag:$0x6], $0x8, s10, s25, $0xb8;
	[tilespmem:$0x1FF68] =	vst v63  }
0x98: {  	s10 =	sadd.s32 $0xC8, s9  }
0x99: {  	[tilespmem:s26], [sflag:$0x1] =	stream.indirect.gather [hbm4b:s1+s25], $0x80, s10, s25, $0xb8;
	[tilespmem:$0x1FF68] =	vst v63  }
0x9a: {  	_ =	swait.ge [sflag:s31], $0x140  }
0x9b: {  	[sflag:s31] =	ssyncset.done $0x0  }
0x9c: {  	[sflag:s31] =	ssyncadd.s32 $0xFFFFFEC0  }
0x9d: {  	_ =	swait.ge [sflag:s23], $0x1400  }
0x9e: {  	[sflag:s23] =	ssyncset.done $0x0  }
0x9f: {  	s10 =	sadd.s32 $0x2738, s9;
	[sflag:s23] =	ssyncadd.s32 $0xFFFFEC00  }
0xa0: {  	[spmem:s4] =	stream.indirect.scatter.add.f32 [tilespmem:s28], [sflag:$0x7], $0x80, s10, s25, $0xb8;
	[tilespmem:$0x1FF68] =	vst v63  }
0xa1: {  	_ =	swait.ge [sflag:s22], $0x1400  }
0xa2: {  	[sflag:s22] =	ssyncset.done $0x0  }
0xa3: {  	[sflag:s22] =	ssyncadd.s32 $0xFFFFEC00  }
0xa4: {  	[spmem:s3] =	stream.indirect.scatter.add.f32 [tilespmem:s24], [sflag:$0x6], $0x8, s10, s25, $0xb8;
	[tilespmem:$0x1FF68] =	vst v63  }
0xa5: {  	s10 =	sadd.s32 $0xF0, s9  }
0xa6: {  	[tilespmem:s28], [sflag:$0x2] =	stream.indirect.gather [hbm4b:s1+s25], $0x80, s10, s25, $0xb8;
	[tilespmem:$0x1FF68] =	vst v63  }
0xa7: {  	_ =	swait.ge [sflag:s31], $0x140  }
0xa8: {  	[sflag:s31] =	ssyncset.done $0x0  }
0xa9: {  	[sflag:s31] =	ssyncadd.s32 $0xFFFFFEC0  }
0xaa: {  	_ =	swait.ge [sflag:s6], $0x1400  }
0xab: {  	[sflag:s6] =	ssyncset.done $0x0  }
0xac: {  	s10 =	sadd.s32 $0x2760, s9;
	[sflag:s6] =	ssyncadd.s32 $0xFFFFEC00  }
0xad: {  	[spmem:s4] =	stream.indirect.scatter.add.f32 [tilespmem:s30], [sflag:$0x7], $0x80, s10, s25, $0xb8;
	[tilespmem:$0x1FF68] =	vst v63  }
0xae: {  	_ =	swait.ge [sflag:s22], $0x1400  }
0xaf: {  	[sflag:s22] =	ssyncset.done $0x0  }
0xb0: {  	[sflag:s22] =	ssyncadd.s32 $0xFFFFEC00  }
0xb1: {  	[spmem:s3] =	stream.indirect.scatter.add.f32 [tilespmem:s24], [sflag:$0x6], $0x8, s10, s25, $0xb8;
	[tilespmem:$0x1FF68] =	vst v63  }
0xb2: {  	s10 =	sadd.s32 $0x118, s9  }
0xb3: {  	[tilespmem:s30], [sflag:$0x3] =	stream.indirect.gather [hbm4b:s1+s25], $0x80, s10, s25, $0xb8;
	[tilespmem:$0x1FF68] =	vst v63  }
0xb4: {  	_ =	swait.ge [sflag:s31], $0x140  }
0xb5: {  	[sflag:s31] =	ssyncset.done $0x0  }
0xb6: {  	[sflag:s31] =	ssyncadd.s32 $0xFFFFFEC0  }
0xb7: {  	_ =	swait.ge [sflag:s7], $0x1400  }
0xb8: {  	[sflag:s7] =	ssyncset.done $0x0  }
0xb9: {  	s10 =	sadd.s32 $0x2788, s9;
	[sflag:s7] =	ssyncadd.s32 $0xFFFFEC00  }
0xba: {  	[spmem:s4] =	stream.indirect.scatter.add.f32 [tilespmem:s2], [sflag:$0x7], $0x80, s10, s25, $0xb8;
	[tilespmem:$0x1FF68] =	vst v63  }
0xbb: {  	_ =	swait.ge [sflag:s22], $0x1400  }
0xbc: {  	[sflag:s22] =	ssyncset.done $0x0  }
0xbd: {  	[sflag:s22] =	ssyncadd.s32 $0xFFFFEC00  }
0xbe: {  	[spmem:s3] =	stream.indirect.scatter.add.f32 [tilespmem:s24], [sflag:$0x6], $0x8, s10, s25, $0xb8;
	[tilespmem:$0x1FF68] =	vst v63  }
0xbf: {  	s10 =	sadd.s32 $0x140, s9  }
0xc0: {  	[tilespmem:s2], [sflag:$0x4] =	stream.indirect.gather [hbm4b:s1+s25], $0x80, s10, s25, $0xb8;
	[tilespmem:$0x1FF68] =	vst v63  }
0xc1: {  	_ =	swait.ge [sflag:s31], $0x140  }
0xc2: {  	[sflag:s31] =	ssyncset.done $0x0  }
0xc3: {  	[sflag:s31] =	ssyncadd.s32 $0xFFFFFEC0  }
0xc4: {  	_ =	swait.ge [sflag:s8], $0x1400  }
0xc5: {  	[sflag:s8] =	ssyncset.done $0x0  }
0xc6: {  	s10 =	sadd.s32 $0x27B0, s9;
	[sflag:s8] =	ssyncadd.s32 $0xFFFFEC00  }
0xc7: {  	[spmem:s4] =	stream.indirect.scatter.add.f32 [tilespmem:s0], [sflag:$0x7], $0x80, s10, s25, $0xb8;
	[tilespmem:$0x1FF68] =	vst v63  }
0xc8: {  	_ =	swait.ge [sflag:s22], $0x1400  }
0xc9: {  	[sflag:s22] =	ssyncset.done $0x0  }
0xca: {  	[sflag:s22] =	ssyncadd.s32 $0xFFFFEC00  }
0xcb: {  	[spmem:s3] =	stream.indirect.scatter.add.f32 [tilespmem:s24], [sflag:$0x6], $0x8, s10, s25, $0xb8;
	[tilespmem:$0x1FF68] =	vst v63  }
.Ltmp0:
0xcc: {  	_ = 	snop;
	(pc) =	sbr.rel @p1 .LBB2_2-.Ltmp0, $4  }
0xcd: {  	s9 =	sadd.s32 $0x168, s9  }
0xce: {  	[tilespmem:s0], [sflag:$0x5] =	stream.indirect.gather [hbm4b:s1+s25], $0x80, s9, s25, $0xb8;
	[tilespmem:$0x1FF68] =	vst v63  }
0xcf: {  	_ =	swait.ge [sflag:s31], $0x140  }
0xd0: {  	[sflag:s31] =	ssyncset.done $0x0  }
0xd1: {  	[sflag:s31] =	ssyncadd.s32 $0xFFFFFEC0  }
0xd2: {  	_ =	swait.ge [sflag:s29], $0x1400  }
0xd3: {  	[sflag:s29] =	ssyncset.done $0x0  }
0xd4: {  	s9 =	simm.s32 $0x4D58;
	[sflag:s29] =	ssyncadd.s32 $0xFFFFEC00  }
0xd5: {  	[spmem:s4] =	stream.indirect.scatter.add.f32 [tilespmem:s26], [sflag:$0x7], $0x80, s9, s25, $0xb8;
	[tilespmem:$0x1FF68] =	vst v63  }
0xd6: {  	_ =	swait.ge [sflag:s22], $0x1400  }
0xd7: {  	[sflag:s22] =	ssyncset.done $0x0  }
0xd8: {  	[sflag:s22] =	ssyncadd.s32 $0xFFFFEC00  }
0xd9: {  	[spmem:s3] =	stream.indirect.scatter.add.f32 [tilespmem:s24], [sflag:$0x6], $0x8, s9, s25, $0xb8;
	[tilespmem:$0x1FF68] =	vst v63  }
0xda: {  	_ =	swait.ge [sflag:s31], $0x140  }
0xdb: {  	[sflag:s31] =	ssyncset.done $0x0  }
0xdc: {  	[sflag:s31] =	ssyncadd.s32 $0xFFFFFEC0  }
0xdd: {  	_ =	swait.ge [sflag:s23], $0x1400  }
0xde: {  	[sflag:s23] =	ssyncset.done $0x0  }
0xdf: {  	s10 =	simm.s32 $0x4D80;
	[sflag:s23] =	ssyncadd.s32 $0xFFFFEC00  }
0xe0: {  	[spmem:s4] =	stream.indirect.scatter.add.f32 [tilespmem:s28], [sflag:$0x7], $0x80, s10, s25, $0xb8;
	[tilespmem:$0x1FF68] =	vst v63  }
0xe1: {  	_ =	swait.ge [sflag:s22], $0x1400  }
0xe2: {  	[sflag:s22] =	ssyncset.done $0x0  }
0xe3: {  	[sflag:s22] =	ssyncadd.s32 $0xFFFFEC00  }
0xe4: {  	[spmem:s3] =	stream.indirect.scatter.add.f32 [tilespmem:s24], [sflag:$0x6], $0x8, s10, s25, $0xb8;
	[tilespmem:$0x1FF68] =	vst v63  }
0xe5: {  	_ =	swait.ge [sflag:s31], $0x140  }
0xe6: {  	[sflag:s31] =	ssyncset.done $0x0  }
0xe7: {  	[sflag:s31] =	ssyncadd.s32 $0xFFFFFEC0  }
0xe8: {  	_ =	swait.ge [sflag:s6], $0x1400  }
0xe9: {  	[sflag:s6] =	ssyncset.done $0x0  }
0xea: {  	[sflag:s6] =	ssyncadd.s32 $0xFFFFEC00  }
0xeb: {  	[spmem:s4] =	stream.indirect.scatter.add.f32 [tilespmem:s30], [sflag:$0x7], $0x80, s11, s25, $0xb8;
	[tilespmem:$0x1FF68] =	vst v63  }
0xec: {  	_ =	swait.ge [sflag:s22], $0x1400  }
0xed: {  	[sflag:s22] =	ssyncset.done $0x0  }
0xee: {  	[sflag:s22] =	ssyncadd.s32 $0xFFFFEC00  }
0xef: {  	[spmem:s3] =	stream.indirect.scatter.add.f32 [tilespmem:s24], [sflag:$0x6], $0x8, s11, s25, $0xb8;
	[tilespmem:$0x1FF68] =	vst v63  }
0xf0: {  	_ =	swait.ge [sflag:s31], $0x140  }
0xf1: {  	[sflag:s31] =	ssyncset.done $0x0  }
0xf2: {  	[sflag:s31] =	ssyncadd.s32 $0xFFFFFEC0  }
0xf3: {  	_ =	swait.ge [sflag:s7], $0x1400  }
0xf4: {  	[sflag:s7] =	ssyncset.done $0x0  }
0xf5: {  	[sflag:s7] =	ssyncadd.s32 $0xFFFFEC00  }
0xf6: {  	[spmem:s4] =	stream.indirect.scatter.add.f32 [tilespmem:s2], [sflag:$0x7], $0x80, s12, s25, $0xb8;
	[tilespmem:$0x1FF68] =	vst v63  }
0xf7: {  	_ =	swait.ge [sflag:s22], $0x1400  }
0xf8: {  	[sflag:s22] =	ssyncset.done $0x0  }
0xf9: {  	[sflag:s22] =	ssyncadd.s32 $0xFFFFEC00  }
0xfa: {  	[spmem:s3] =	stream.indirect.scatter.add.f32 [tilespmem:s24], [sflag:$0x6], $0x8, s12, s25, $0xb8;
	[tilespmem:$0x1FF68] =	vst v63  }
0xfb: {  	_ =	swait.ge [sflag:s31], $0x140  }
0xfc: {  	[sflag:s31] =	ssyncset.done $0x0  }
0xfd: {  	[sflag:s31] =	ssyncadd.s32 $0xFFFFFEC0  }
0xfe: {  	_ =	swait.ge [sflag:s8], $0x1400  }
0xff: {  	[sflag:s8] =	ssyncset.done $0x0  }
0x100: {  	[sflag:s8] =	ssyncadd.s32 $0xFFFFEC00  }
0x101: {  	[spmem:s4] =	stream.indirect.scatter.add.f32 [tilespmem:s0], [sflag:$0x7], $0x80, s15, s25, $0xb8;
	[tilespmem:$0x1FF68] =	vst v63  }
0x102: {  	_ =	swait.ge [sflag:s22], $0x1400  }
0x103: {  	[sflag:s22] =	ssyncset.done $0x0  }
0x104: {  	[sflag:s22] =	ssyncadd.s32 $0xFFFFEC00  }
0x105: {  	[spmem:s3] =	stream.indirect.scatter.add.f32 [tilespmem:s24], [sflag:$0x6], $0x8, s15, s25, $0xb8;
	[tilespmem:$0x1FF68] =	vst v63  }
0x106: {  	_ =	swait.ge [sflag:s31], $0x140  }
0x107: {  	[sflag:s31] =	ssyncset.done $0x0  }
0x108: {  	[sflag:s31] =	ssyncadd.s32 $0xFFFFFEC0  }
0x109: {  	[bflag:$0x0] =	sbarrier.arrive $0xFFFF  }
0x10a: {  	s21 =	sshrl.u32 s13, $0x3;
	s10 =	rddreg [dreg:$0xf]  }
0x10b: {  	[hbm:s10], [sflag:s17] =	dma.local [spmem:s21], $0x2700  }
0x10c: {  	_ =	swait.ge [sflag:s22], $0x2700  }
0x10d: {  	[sflag:s22] =	ssyncset.done $0x0  }
0x10e: {  	s10 =	rddreg [dreg:$0x10];
	[sflag:s22] =	ssyncadd.s32 $0xFFFFD900  }
0x10f: {  	[hbm:s10], [sflag:s17] =	dma.local [spmem:s18], $0x270  }
0x110: {  	_ =	swait.ge [sflag:s22], $0x270  }
0x111: {  	[sflag:s22] =	ssyncset.done $0x0  }
0x112: {  	s9 =	rddreg [dreg:$0x11];
	[sflag:s22] =	ssyncadd.s32 $0xFFFFFD90  }
0x113: {  	[hbm:s9], [sflag:s17] =	dma.local @!p0 [spmem:s20], $0x100  }
0x114: {  	s9 =	simm.s32 @!p0 $0x7  }
0x115: {  	_ =	swait.ge @!p0 [sflag:s9], $0x100  }
0x116: {  	[sflag:s9] =	ssyncset.done @!p0 $0x0  }
0x117: {  	s10 =	rddreg [dreg:$0x12];
	[sflag:s9] =	ssyncadd.s32 @!p0 $0xFFFFFF00  }
0x118: {  	[hbm:s10], [sflag:s17] =	dma.local @!p0 [spmem:s19], $0x10  }
0x119: {  	_ =	swait.ge @!p0 [sflag:s9], $0x10  }
0x11a: {  	s16 =	sadd.s32 $0x1, s16;
	s21 =	rddreg [dreg:$0x13]  }
0x11b: {  	p1 =	sne.s32 s16, s21  }
.Ltmp1:
0x11c: {  	_ = 	snop;
	(pc) =	sbr.rel @p1 .LBB2_1-.Ltmp1, $3  }
0x11d: {  	_ =	sdelay $0x1  }
0x11e: {  	[sflag:s9] =	ssyncset.done @!p0 $0x0  }
0x11f: {  	[sflag:s9] =	ssyncadd.s32 @!p0 $0xFFFFFFF0  }
0x120: {  	_ =	sfence.sel $0x180000  }
0x121: {  	[bflag:$0x0] =	sbarrier.arrive $0xFFFF  }
0x122: {  	_ =	strace $0x90000047  }
0x123: {  	s0 =	stileid.u32;
	[bflag:$0x2] =	sbarrier.arrive $0xFFFF  }
0x124: {  	p0 =	sne.s32 s0, $0x0;
	s0 =	rddreg [dreg:$0x5]  }
0x125: {  	s0 =	sadd.s32 @!p0 $0x100000, s0  }
0x126: {  	[sflag:s0] =	ssyncadd.tile.s32 @!p0 $0x1;
	_ =	shalt  }
.Lfunc_end2:
_tile_overlayer_lowered:
.L_overlay_start_2:
0x127: {  	(tag) =	ssettag $0x2  }
0x128: {  	s0 =	rddreg [dreg:$0x0];
	s2 =	stileid.u32  }
0x129: {  	s1 =	rddreg [dreg:$0x1];
	p0 =	sne.s32 s2, $0x0  }
0x12a: {  	s3 =	rddreg [dreg:$0x2];
	[bflag:$0x3] =	sbarrier.arrive $0xFFFF;
	s2 =	simm.s32 @!p0 $0x1C07  }
0x12b: {  	[timem:s3], [sflag:s2] =	dma.local @!p0 [hbm:s0], s1  }
0x12c: {  	s0 =	simm.s32 @!p0 $0x7  }
0x12d: {  	_ =	swait.ge @!p0 [sflag:s0], s1  }
0x12e: {  	s1 =	ssub.s32 @!p0 $0x0, s1;
	[sflag:s0] =	ssyncset.done @!p0 $0x0  }
0x12f: {  	[sflag:s0] =	ssyncadd.s32 @!p0 s1  }
0x130: {  	[bflag:$0x3] =	sbarrier.arrive $0xFFFF  }
0x131: {  	_ =	shalt  }

</sc_bundles>
